<compile_context>
chip_gen: v7x
topology: tpu7x:2x2x1
jax: 0.10.2.dev20260603
libtpu: 0.0.44.dev20260713+nightly
codegen_flags: <defaults>
</compile_context>

<pallas_src>
import functools

import jax
import jax.numpy as jnp
from jax import lax
from jax.experimental import pallas as pl
from jax.experimental.pallas import tpu as pltpu
from jax.experimental.pallas import tpu_sc as plsc

N = 10000
E = 320000
D = 128
NPAD = 10240
NC = 2
NS = 16
NW = NC * NS
C = 128
NCHUNK = E // C
CHUNKS_PER_W = NCHUNK // NW
REMAINDER = NCHUNK - CHUNKS_PER_W * NW
NPAIR = CHUNKS_PER_W // 2
NITER = (NPAIR - 1) // 2
ROWS_PER_S = NPAD // NS

_sc_mesh = plsc.VectorSubcoreMesh(core_axis_name="c", subcore_axis_name="s")


@functools.partial(
    pl.kernel,
    out_type=(
        jax.ShapeDtypeStruct((NC, NPAD, D), jnp.float32),
        jax.ShapeDtypeStruct((NC, NPAD, 16), jnp.float32),
    ),
    mesh=_sc_mesh,
    scratch_types=[
        pltpu.VMEM((2, 2, C), jnp.int32),
        pltpu.VMEM((2, 2, C), jnp.int32),
        pltpu.VMEM((2, C), jnp.int32),
        pltpu.VMEM((2, C), jnp.int32),
        pltpu.VMEM((C, D), jnp.float32),
        pltpu.VMEM((C, D), jnp.float32),
        pltpu.VMEM((C, 16), jnp.float32),
        pltpu.VMEM_SHARED((NPAD, D), jnp.float32),
        pltpu.VMEM_SHARED((NPAD, 16), jnp.float32),
        pltpu.SemaphoreType.DMA,
        pltpu.SemaphoreType.DMA,
        pltpu.SemaphoreType.DMA,
        pltpu.SemaphoreType.DMA,
        pltpu.SemaphoreType.DMA,
        pltpu.SemaphoreType.DMA,
        pltpu.SemaphoreType.DMA,
        pltpu.SemaphoreType.DMA,
    ],
    compiler_params=pltpu.CompilerParams(use_tc_tiling_on_sc=False),
)
def _sc_agg(x_hbm, idx_hbm, zrows_hbm, zdeg_hbm, aggf_hbm, dego_hbm,
            idxp0, idxp1, dpair0, dpair1, rows0, rows1, ones, aggsh, degsh,
            semi0, semi1, semg0, semg1, sems0, sems1, semd0, semd1):
    cid = lax.axis_index("c")
    sid = lax.axis_index("s")
    wid = sid * NC + cid
    base = wid * CHUNKS_PER_W

    for j in range(C):
        ones[j, :] = jnp.ones((16,), jnp.float32)

    def start_idx_pair(c0, bank, sem):
        pltpu.async_copy(idx_hbm.at[pl.ds(c0, 2)], bank, sem)

    def wait_idx(bank, sem):
        pltpu.make_async_copy(idx_hbm.at[pl.ds(0, 2)], bank, sem).wait()

    def start_gather(srcrow, buf, sem):
        pltpu.async_copy(x_hbm.at[srcrow], buf, sem)

    def wait_gather(buf, sem):
        pltpu.make_async_copy(x_hbm.at[idxp0.at[0, 0]], buf, sem).wait()

    def start_scatter(buf, dstrow, sem):
        pltpu.async_copy(buf, aggsh.at[dstrow], sem, add=True)

    def wait_scatter(buf, sem):
        pltpu.make_async_copy(buf, aggsh.at[idxp0.at[0, 1]], sem).wait()

    def start_deg(dstrow, sem):
        pltpu.async_copy(ones, degsh.at[dstrow], sem, add=True)

    def wait_deg2(dpair, sem):
        pltpu.make_async_copy(ones, degsh.at[dpair.at[0]], sem).wait()
        pltpu.make_async_copy(ones, degsh.at[dpair.at[0]], sem).wait()

    def stage(dpair, slot, bank, half):
        for t in range(C // 16):
            dpair[slot, pl.ds(16 * t, 16)] = bank[half, 1, pl.ds(16 * t, 16)]

    start_idx_pair(base, idxp0, semi0)
    start_idx_pair(base + 2, idxp1, semi1)
    wait_idx(idxp0, semi0)
    start_gather(idxp0.at[0, 0], rows0, semg0)

    pltpu.sync_copy(zrows_hbm, aggsh.at[pl.ds(sid * ROWS_PER_S, ROWS_PER_S)])
    pltpu.sync_copy(zdeg_hbm, degsh.at[pl.ds(sid * ROWS_PER_S, ROWS_PER_S)])
    plsc.subcore_barrier()

    def half_iter(k, c0, bank, banksem, dpair, dsem, refill_c, refill_bank,
                  refill_sem, do_refill, next_bank, next_banksem, wait_dsem):
        wait_gather(rows0, semg0)
        start_scatter(rows0, bank.at[0, 1], sems0)

        @pl.when(wait_dsem)
        def _():
            wait_deg2(dpair, dsem)
        stage(dpair, 0, bank, 0)
        start_deg(dpair.at[0], dsem)
        start_gather(bank.at[1, 0], rows1, semg1)
        wait_scatter(rows0, sems0)
        stage(dpair, 1, bank, 1)
        start_deg(dpair.at[1], dsem)
        wait_gather(rows1, semg1)
        @pl.when(do_refill)
        def _():
            start_idx_pair(refill_c, refill_bank, refill_sem)
        start_scatter(rows1, dpair.at[1], sems1)
        wait_idx(next_bank, next_banksem)
        start_gather(next_bank.at[0, 0], rows0, semg0)
        wait_scatter(rows1, sems1)

    def _loop_body(k, _):
        c0 = base + 4 * k
        half_iter(k, c0, idxp0, semi0, dpair0, semd0,
                  c0 + 4, idxp0, semi0, True, idxp1, semi1, k > 0)
        half_iter(k, c0 + 2, idxp1, semi1, dpair1, semd1,
                  c0 + 6, idxp1, semi1, k < NITER - 1, idxp0, semi0, k > 0)
        return 0

    lax.fori_loop(0, NITER, _loop_body, 0)

    wait_gather(rows0, semg0)
    start_scatter(rows0, idxp0.at[0, 1], sems0)
    wait_deg2(dpair0, semd0)
    stage(dpair0, 0, idxp0, 0)
    start_deg(dpair0.at[0], semd0)
    start_gather(idxp0.at[1, 0], rows1, semg1)
    wait_scatter(rows0, sems0)
    stage(dpair0, 1, idxp0, 1)
    start_deg(dpair0.at[1], semd0)
    wait_gather(rows1, semg1)
    start_scatter(rows1, dpair0.at[1], sems1)
    wait_scatter(rows1, sems1)
    wait_deg2(dpair0, semd0)
    wait_deg2(dpair1, semd1)

    @pl.when(wid < REMAINDER)
    def _():
        ci = NW * CHUNKS_PER_W + wid
        pltpu.sync_copy(idx_hbm.at[pl.ds(ci, 2)], idxp0)
        pltpu.async_copy(x_hbm.at[idxp0.at[0, 0]], rows0, semg0).wait()
        pltpu.sync_copy(rows0, aggsh.at[idxp0.at[0, 1]], add=True)
        pltpu.sync_copy(ones, degsh.at[idxp0.at[0, 1]], add=True)

    plsc.subcore_barrier()

    pltpu.sync_copy(aggsh.at[pl.ds(sid * ROWS_PER_S, ROWS_PER_S)],
                    aggf_hbm.at[cid, pl.ds(sid * ROWS_PER_S, ROWS_PER_S)])
    pltpu.sync_copy(degsh.at[pl.ds(sid * ROWS_PER_S, ROWS_PER_S)],
                    dego_hbm.at[cid, pl.ds(sid * ROWS_PER_S, ROWS_PER_S)])


_TC_R = 1024


def _tc_body(ag_ref, deg_ref, x_ref, w_ref, ws_ref, b_ref, o_ref):
    feat = ag_ref[0] + ag_ref[1]
    deg = deg_ref[0, :, 0:1] + deg_ref[1, :, 0:1]
    m = feat / jnp.maximum(deg, 1.0)
    o_ref[...] = jnp.maximum(
        jnp.dot(m, w_ref[...], preferred_element_type=jnp.float32)
        + jnp.dot(x_ref[...], ws_ref[...], preferred_element_type=jnp.float32)
        + b_ref[...],
        0.0,
    )


def _tc_finish(agg, deg, x, w, ws, b2):
    return pl.pallas_call(
        _tc_body,
        grid=(NPAD // _TC_R,),
        in_specs=[
            pl.BlockSpec((NC, _TC_R, D), lambda i: (0, i, 0)),
            pl.BlockSpec((NC, _TC_R, 16), lambda i: (0, i, 0)),
            pl.BlockSpec((_TC_R, D), lambda i: (i, 0)),
            pl.BlockSpec((D, D), lambda i: (0, 0)),
            pl.BlockSpec((D, D), lambda i: (0, 0)),
            pl.BlockSpec((1, D), lambda i: (0, 0)),
        ],
        out_specs=pl.BlockSpec((_TC_R, D), lambda i: (i, 0)),
        out_shape=jax.ShapeDtypeStruct((N, D), jnp.float32),
    )(agg, deg, x, w, ws, b2)


def kernel(x, edge_index, W, W_self, b):
    idx = edge_index.reshape(2, NCHUNK, C).transpose(1, 0, 2)
    zrows = jnp.zeros((ROWS_PER_S, D), jnp.float32)
    zdeg = jnp.zeros((ROWS_PER_S, 16), jnp.float32)
    aggf, dego = _sc_agg(x, idx, zrows, zdeg)
    return _tc_finish(aggf, dego, x, W, W_self, b.reshape(1, D))

# --- scband reference (transcript-rebuilt; emitter-appended) ---
"""Pipeline reference for scband-gnn-73289321939343 (READ-ONLY COPY).

The authoritative reference and input builder live on the scoring server;
editing this copy changes nothing except your own understanding.
"""

import jax, jax.numpy as jnp
import numpy as np

N_NODES = 10000
N_EDGES = 320000
D_FEAT = 128


def setup_inputs(seed: int = 0) -> dict:
    key = jax.random.key(seed)
    k1, k2, k3, k4 = jax.random.split(key, 4)
    x = jax.random.normal(k1, (N_NODES, D_FEAT), dtype=jnp.float32)
    edge_index = jax.random.randint(k2, (2, N_EDGES), 0, N_NODES, dtype=jnp.int32)
    W = jax.random.normal(k3, (D_FEAT, D_FEAT), dtype=jnp.float32) / jnp.sqrt(D_FEAT)
    W_self = jax.random.normal(k4, (D_FEAT, D_FEAT), dtype=jnp.float32) / jnp.sqrt(D_FEAT)
    b = jnp.zeros((D_FEAT,), dtype=jnp.float32)
    return {"x": x, "edge_index": edge_index, "W": W, "W_self": W_self, "b": b}


def reference(x, edge_index, W, W_self, b):
    # One GNN message-passing step (the per-chain kernel that run_all_chains vmaps):
    # gather source-node features along edges, scatter-add (mean-normalized) into
    # destination nodes, then apply a learned linear update + self-connection.
    src = edge_index[0]
    dst = edge_index[1]
    msgs = jnp.take(x, src, axis=0)                                    # gather  [E, D]
    agg = jax.ops.segment_sum(msgs, dst, num_segments=N_NODES)        # scatter-add [N, D]
    deg = jax.ops.segment_sum(jnp.ones((msgs.shape[0], 1), x.dtype), dst, num_segments=N_NODES)
    agg = agg / jnp.maximum(deg, 1.0)
    out = jax.nn.relu(agg @ W + x @ W_self + b)
    return out

if __name__ == "__main__":
    import jax
    _d = setup_inputs()
    print(jax.jit(kernel)(*tuple(_d.values())))

</pallas_src>

<mosaic_0001>
#map = affine_map<(d0, d1) -> (0, 0)>
#map1 = affine_map<(d0, d1) -> (0, 0, 0)>
module attributes {stable_mosaic.version = 14 : i64} {
  func.func @_sc_agg(%arg0: i32, %arg1: i32, %arg2: memref<10000x128xf32, #tpu.memory_space<hbm>>, %arg3: memref<2500x2x128xi32, #tpu.memory_space<hbm>>, %arg4: memref<640x128xf32, #tpu.memory_space<hbm>>, %arg5: memref<640x16xf32, #tpu.memory_space<hbm>>, %arg6: memref<2x10240x128xf32, #tpu.memory_space<hbm>>, %arg7: memref<2x10240x16xf32, #tpu.memory_space<hbm>>, %arg8: memref<2x2x128xi32, #tpu.memory_space<vmem>>, %arg9: memref<2x2x128xi32, #tpu.memory_space<vmem>>, %arg10: memref<2x128xi32, #tpu.memory_space<vmem>>, %arg11: memref<2x128xi32, #tpu.memory_space<vmem>>, %arg12: memref<128x128xf32, #tpu.memory_space<vmem>>, %arg13: memref<128x128xf32, #tpu.memory_space<vmem>>, %arg14: memref<128x16xf32, #tpu.memory_space<vmem>>, %arg15: memref<10240x128xf32, #tpu.memory_space<vmem_shared>>, %arg16: memref<10240x16xf32, #tpu.memory_space<vmem_shared>>, %arg17: memref<!tpu.dma_semaphore, #tpu.memory_space<semaphore_mem>>, %arg18: memref<!tpu.dma_semaphore, #tpu.memory_space<semaphore_mem>>, %arg19: memref<!tpu.dma_semaphore, #tpu.memory_space<semaphore_mem>>, %arg20: memref<!tpu.dma_semaphore, #tpu.memory_space<semaphore_mem>>, %arg21: memref<!tpu.dma_semaphore, #tpu.memory_space<semaphore_mem>>, %arg22: memref<!tpu.dma_semaphore, #tpu.memory_space<semaphore_mem>>, %arg23: memref<!tpu.dma_semaphore, #tpu.memory_space<semaphore_mem>>, %arg24: memref<!tpu.dma_semaphore, #tpu.memory_space<semaphore_mem>>) attributes {dimension_semantics = [#tpu.dimension_semantics<core_parallel>, #tpu.dimension_semantics<subcore_parallel>], iteration_bounds = array<i64: 2, 16>, scalar_prefetch = 0 : i64, scratch_operands = 17 : i64, tpu.core_type = #tpu.core_type<sc_vector_subcore>, window_params = [{transform_indices = #map}, {transform_indices = #map1}, {transform_indices = #map}, {transform_indices = #map}, {transform_indices = #map1}, {transform_indices = #map1}]} {
    %mul3A = arith.constant 2 : i32
    %mul3A_0 = arith.muli %arg1, %mul3A : i32
    %add3A = arith.addi %mul3A_0, %arg0 : i32
    %mul3A_1 = arith.constant 78 : i32
    %mul3A_2 = arith.muli %add3A, %mul3A_1 : i32
    %broadcast_in_dim3A = arith.constant 1.000000e+00 : f32
    %broadcast_in_dim3A_3 = vector.broadcast %broadcast_in_dim3A : f32 to vector<16xf32>
    %swap3A = arith.constant 0 : i32
    %swap3A_4 = arith.index_cast %swap3A : i32 to index
    %swap3A_5 = arith.constant 0 : index
    %swap3A_6 = tpu.vector_load %arg14[%swap3A_4, %swap3A_5] {strides = array<i32>} : memref<128x16xf32, #tpu.memory_space<vmem>>, vector<1x16xf32>,
    %swap3A_7 = vector.shape_cast %swap3A_6 : vector<1x16xf32> to vector<16xf32>
    %swap3A_8 = vector.shape_cast %broadcast_in_dim3A_3 : vector<16xf32> to vector<1x16xf32>
    tpu.vector_store %arg14[%swap3A_4, %swap3A_5], %swap3A_8 {strides = array<i32>} : memref<128x16xf32, #tpu.memory_space<vmem>>, vector<1x16xf32>,
    %broadcast_in_dim3A_9 = arith.constant 1.000000e+00 : f32
    %broadcast_in_dim3A_10 = vector.broadcast %broadcast_in_dim3A_9 : f32 to vector<16xf32>
    %swap3A_11 = arith.constant 1 : i32
    %swap3A_12 = arith.index_cast %swap3A_11 : i32 to index
    %swap3A_13 = arith.constant 0 : index
    %swap3A_14 = tpu.vector_load %arg14[%swap3A_12, %swap3A_13] {strides = array<i32>} : memref<128x16xf32, #tpu.memory_space<vmem>>, vector<1x16xf32>,
    %swap3A_15 = vector.shape_cast %swap3A_14 : vector<1x16xf32> to vector<16xf32>
    %swap3A_16 = vector.shape_cast %broadcast_in_dim3A_10 : vector<16xf32> to vector<1x16xf32>
    tpu.vector_store %arg14[%swap3A_12, %swap3A_13], %swap3A_16 {strides = array<i32>} : memref<128x16xf32, #tpu.memory_space<vmem>>, vector<1x16xf32>,
    %broadcast_in_dim3A_17 = arith.constant 1.000000e+00 : f32
    %broadcast_in_dim3A_18 = vector.broadcast %broadcast_in_dim3A_17 : f32 to vector<16xf32>
    %swap3A_19 = arith.constant 2 : i32
    %swap3A_20 = arith.index_cast %swap3A_19 : i32 to index
    %swap3A_21 = arith.constant 0 : index
    %swap3A_22 = tpu.vector_load %arg14[%swap3A_20, %swap3A_21] {strides = array<i32>} : memref<128x16xf32, #tpu.memory_space<vmem>>, vector<1x16xf32>,
    %swap3A_23 = vector.shape_cast %swap3A_22 : vector<1x16xf32> to vector<16xf32>
    %swap3A_24 = vector.shape_cast %broadcast_in_dim3A_18 : vector<16xf32> to vector<1x16xf32>
    tpu.vector_store %arg14[%swap3A_20, %swap3A_21], %swap3A_24 {strides = array<i32>} : memref<128x16xf32, #tpu.memory_space<vmem>>, vector<1x16xf32>,
    %broadcast_in_dim3A_25 = arith.constant 1.000000e+00 : f32
    %broadcast_in_dim3A_26 = vector.broadcast %broadcast_in_dim3A_25 : f32 to vector<16xf32>
    %swap3A_27 = arith.constant 3 : i32
    %swap3A_28 = arith.index_cast %swap3A_27 : i32 to index
    %swap3A_29 = arith.constant 0 : index
    %swap3A_30 = tpu.vector_load %arg14[%swap3A_28, %swap3A_29] {strides = array<i32>} : memref<128x16xf32, #tpu.memory_space<vmem>>, vector<1x16xf32>,
    %swap3A_31 = vector.shape_cast %swap3A_30 : vector<1x16xf32> to vector<16xf32>
    %swap3A_32 = vector.shape_cast %broadcast_in_dim3A_26 : vector<16xf32> to vector<1x16xf32>
    tpu.vector_store %arg14[%swap3A_28, %swap3A_29], %swap3A_32 {strides = array<i32>} : memref<128x16xf32, #tpu.memory_space<vmem>>, vector<1x16xf32>,
    %broadcast_in_dim3A_33 = arith.constant 1.000000e+00 : f32
    %broadcast_in_dim3A_34 = vector.broadcast %broadcast_in_dim3A_33 : f32 to vector<16xf32>
    %swap3A_35 = arith.constant 4 : i32
    %swap3A_36 = arith.index_cast %swap3A_35 : i32 to index
    %swap3A_37 = arith.constant 0 : index
    %swap3A_38 = tpu.vector_load %arg14[%swap3A_36, %swap3A_37] {strides = array<i32>} : memref<128x16xf32, #tpu.memory_space<vmem>>, vector<1x16xf32>,
    %swap3A_39 = vector.shape_cast %swap3A_38 : vector<1x16xf32> to vector<16xf32>
    %swap3A_40 = vector.shape_cast %broadcast_in_dim3A_34 : vector<16xf32> to vector<1x16xf32>
    tpu.vector_store %arg14[%swap3A_36, %swap3A_37], %swap3A_40 {strides = array<i32>} : memref<128x16xf32, #tpu.memory_space<vmem>>, vector<1x16xf32>,
    %broadcast_in_dim3A_41 = arith.constant 1.000000e+00 : f32
    %broadcast_in_dim3A_42 = vector.broadcast %broadcast_in_dim3A_41 : f32 to vector<16xf32>
    %swap3A_43 = arith.constant 5 : i32
    %swap3A_44 = arith.index_cast %swap3A_43 : i32 to index
    %swap3A_45 = arith.constant 0 : index
    %swap3A_46 = tpu.vector_load %arg14[%swap3A_44, %swap3A_45] {strides = array<i32>} : memref<128x16xf32, #tpu.memory_space<vmem>>, vector<1x16xf32>,
    %swap3A_47 = vector.shape_cast %swap3A_46 : vector<1x16xf32> to vector<16xf32>
    %swap3A_48 = vector.shape_cast %broadcast_in_dim3A_42 : vector<16xf32> to vector<1x16xf32>
    tpu.vector_store %arg14[%swap3A_44, %swap3A_45], %swap3A_48 {strides = array<i32>} : memref<128x16xf32, #tpu.memory_space<vmem>>, vector<1x16xf32>,
    %broadcast_in_dim3A_49 = arith.constant 1.000000e+00 : f32
    %broadcast_in_dim3A_50 = vector.broadcast %broadcast_in_dim3A_49 : f32 to vector<16xf32>
    %swap3A_51 = arith.constant 6 : i32
    %swap3A_52 = arith.index_cast %swap3A_51 : i32 to index
    %swap3A_53 = arith.constant 0 : index
    %swap3A_54 = tpu.vector_load %arg14[%swap3A_52, %swap3A_53] {strides = array<i32>} : memref<128x16xf32, #tpu.memory_space<vmem>>, vector<1x16xf32>,
    %swap3A_55 = vector.shape_cast %swap3A_54 : vector<1x16xf32> to vector<16xf32>
    %swap3A_56 = vector.shape_cast %broadcast_in_dim3A_50 : vector<16xf32> to vector<1x16xf32>
    tpu.vector_store %arg14[%swap3A_52, %swap3A_53], %swap3A_56 {strides = array<i32>} : memref<128x16xf32, #tpu.memory_space<vmem>>, vector<1x16xf32>,
    %broadcast_in_dim3A_57 = arith.constant 1.000000e+00 : f32
    %broadcast_in_dim3A_58 = vector.broadcast %broadcast_in_dim3A_57 : f32 to vector<16xf32>
    %swap3A_59 = arith.constant 7 : i32
    %swap3A_60 = arith.index_cast %swap3A_59 : i32 to index
    %swap3A_61 = arith.constant 0 : index
    %swap3A_62 = tpu.vector_load %arg14[%swap3A_60, %swap3A_61] {strides = array<i32>} : memref<128x16xf32, #tpu.memory_space<vmem>>, vector<1x16xf32>,
    %swap3A_63 = vector.shape_cast %swap3A_62 : vector<1x16xf32> to vector<16xf32>
    %swap3A_64 = vector.shape_cast %broadcast_in_dim3A_58 : vector<16xf32> to vector<1x16xf32>
    tpu.vector_store %arg14[%swap3A_60, %swap3A_61], %swap3A_64 {strides = array<i32>} : memref<128x16xf32, #tpu.memory_space<vmem>>, vector<1x16xf32>,
    %broadcast_in_dim3A_65 = arith.constant 1.000000e+00 : f32
    %broadcast_in_dim3A_66 = vector.broadcast %broadcast_in_dim3A_65 : f32 to vector<16xf32>
    %swap3A_67 = arith.constant 8 : i32
    %swap3A_68 = arith.index_cast %swap3A_67 : i32 to index
    %swap3A_69 = arith.constant 0 : index
    %swap3A_70 = tpu.vector_load %arg14[%swap3A_68, %swap3A_69] {strides = array<i32>} : memref<128x16xf32, #tpu.memory_space<vmem>>, vector<1x16xf32>,
    %swap3A_71 = vector.shape_cast %swap3A_70 : vector<1x16xf32> to vector<16xf32>
    %swap3A_72 = vector.shape_cast %broadcast_in_dim3A_66 : vector<16xf32> to vector<1x16xf32>
    tpu.vector_store %arg14[%swap3A_68, %swap3A_69], %swap3A_72 {strides = array<i32>} : memref<128x16xf32, #tpu.memory_space<vmem>>, vector<1x16xf32>,
    %broadcast_in_dim3A_73 = arith.constant 1.000000e+00 : f32
    %broadcast_in_dim3A_74 = vector.broadcast %broadcast_in_dim3A_73 : f32 to vector<16xf32>
    %swap3A_75 = arith.constant 9 : i32
    %swap3A_76 = arith.index_cast %swap3A_75 : i32 to index
    %swap3A_77 = arith.constant 0 : index
    %swap3A_78 = tpu.vector_load %arg14[%swap3A_76, %swap3A_77] {strides = array<i32>} : memref<128x16xf32, #tpu.memory_space<vmem>>, vector<1x16xf32>,
    %swap3A_79 = vector.shape_cast %swap3A_78 : vector<1x16xf32> to vector<16xf32>
    %swap3A_80 = vector.shape_cast %broadcast_in_dim3A_74 : vector<16xf32> to vector<1x16xf32>
    tpu.vector_store %arg14[%swap3A_76, %swap3A_77], %swap3A_80 {strides = array<i32>} : memref<128x16xf32, #tpu.memory_space<vmem>>, vector<1x16xf32>,
    %broadcast_in_dim3A_81 = arith.constant 1.000000e+00 : f32
    %broadcast_in_dim3A_82 = vector.broadcast %broadcast_in_dim3A_81 : f32 to vector<16xf32>
    %swap3A_83 = arith.constant 10 : i32
    %swap3A_84 = arith.index_cast %swap3A_83 : i32 to index
    %swap3A_85 = arith.constant 0 : index
    %swap3A_86 = tpu.vector_load %arg14[%swap3A_84, %swap3A_85] {strides = array<i32>} : memref<128x16xf32, #tpu.memory_space<vmem>>, vector<1x16xf32>,
    %swap3A_87 = vector.shape_cast %swap3A_86 : vector<1x16xf32> to vector<16xf32>
    %swap3A_88 = vector.shape_cast %broadcast_in_dim3A_82 : vector<16xf32> to vector<1x16xf32>
    tpu.vector_store %arg14[%swap3A_84, %swap3A_85], %swap3A_88 {strides = array<i32>} : memref<128x16xf32, #tpu.memory_space<vmem>>, vector<1x16xf32>,
    %broadcast_in_dim3A_89 = arith.constant 1.000000e+00 : f32
    %broadcast_in_dim3A_90 = vector.broadcast %broadcast_in_dim3A_89 : f32 to vector<16xf32>
    %swap3A_91 = arith.constant 11 : i32
    %swap3A_92 = arith.index_cast %swap3A_91 : i32 to index
    %swap3A_93 = arith.constant 0 : index
    %swap3A_94 = tpu.vector_load %arg14[%swap3A_92, %swap3A_93] {strides = array<i32>} : memref<128x16xf32, #tpu.memory_space<vmem>>, vector<1x16xf32>,
    %swap3A_95 = vector.shape_cast %swap3A_94 : vector<1x16xf32> to vector<16xf32>
    %swap3A_96 = vector.shape_cast %broadcast_in_dim3A_90 : vector<16xf32> to vector<1x16xf32>
    tpu.vector_store %arg14[%swap3A_92, %swap3A_93], %swap3A_96 {strides = array<i32>} : memref<128x16xf32, #tpu.memory_space<vmem>>, vector<1x16xf32>,
    %broadcast_in_dim3A_97 = arith.constant 1.000000e+00 : f32
    %broadcast_in_dim3A_98 = vector.broadcast %broadcast_in_dim3A_97 : f32 to vector<16xf32>
    %swap3A_99 = arith.constant 12 : i32
    %swap3A_100 = arith.index_cast %swap3A_99 : i32 to index
    %swap3A_101 = arith.constant 0 : index
    %swap3A_102 = tpu.vector_load %arg14[%swap3A_100, %swap3A_101] {strides = array<i32>} : memref<128x16xf32, #tpu.memory_space<vmem>>, vector<1x16xf32>,
    %swap3A_103 = vector.shape_cast %swap3A_102 : vector<1x16xf32> to vector<16xf32>
    %swap3A_104 = vector.shape_cast %broadcast_in_dim3A_98 : vector<16xf32> to vector<1x16xf32>
    tpu.vector_store %arg14[%swap3A_100, %swap3A_101], %swap3A_104 {strides = array<i32>} : memref<128x16xf32, #tpu.memory_space<vmem>>, vector<1x16xf32>,
    %broadcast_in_dim3A_105 = arith.constant 1.000000e+00 : f32
    %broadcast_in_dim3A_106 = vector.broadcast %broadcast_in_dim3A_105 : f32 to vector<16xf32>
    %swap3A_107 = arith.constant 13 : i32
    %swap3A_108 = arith.index_cast %swap3A_107 : i32 to index
    %swap3A_109 = arith.constant 0 : index
    %swap3A_110 = tpu.vector_load %arg14[%swap3A_108, %swap3A_109] {strides = array<i32>} : memref<128x16xf32, #tpu.memory_space<vmem>>, vector<1x16xf32>,
    %swap3A_111 = vector.shape_cast %swap3A_110 : vector<1x16xf32> to vector<16xf32>
    %swap3A_112 = vector.shape_cast %broadcast_in_dim3A_106 : vector<16xf32> to vector<1x16xf32>
    tpu.vector_store %arg14[%swap3A_108, %swap3A_109], %swap3A_112 {strides = array<i32>} : memref<128x16xf32, #tpu.memory_space<vmem>>, vector<1x16xf32>,
    %broadcast_in_dim3A_113 = arith.constant 1.000000e+00 : f32
    %broadcast_in_dim3A_114 = vector.broadcast %broadcast_in_dim3A_113 : f32 to vector<16xf32>
    %swap3A_115 = arith.constant 14 : i32
    %swap3A_116 = arith.index_cast %swap3A_115 : i32 to index
    %swap3A_117 = arith.constant 0 : index
    %swap3A_118 = tpu.vector_load %arg14[%swap3A_116, %swap3A_117] {strides = array<i32>} : memref<128x16xf32, #tpu.memory_space<vmem>>, vector<1x16xf32>,
    %swap3A_119 = vector.shape_cast %swap3A_118 : vector<1x16xf32> to vector<16xf32>
    %swap3A_120 = vector.shape_cast %broadcast_in_dim3A_114 : vector<16xf32> to vector<1x16xf32>
    tpu.vector_store %arg14[%swap3A_116, %swap3A_117], %swap3A_120 {strides = array<i32>} : memref<128x16xf32, #tpu.memory_space<vmem>>, vector<1x16xf32>,
    %broadcast_in_dim3A_121 = arith.constant 1.000000e+00 : f32
    %broadcast_in_dim3A_122 = vector.broadcast %broadcast_in_dim3A_121 : f32 to vector<16xf32>
    %swap3A_123 = arith.constant 15 : i32
    %swap3A_124 = arith.index_cast %swap3A_123 : i32 to index
    %swap3A_125 = arith.constant 0 : index
    %swap3A_126 = tpu.vector_load %arg14[%swap3A_124, %swap3A_125] {strides = array<i32>} : memref<128x16xf32, #tpu.memory_space<vmem>>, vector<1x16xf32>,
    %swap3A_127 = vector.shape_cast %swap3A_126 : vector<1x16xf32> to vector<16xf32>
    %swap3A_128 = vector.shape_cast %broadcast_in_dim3A_122 : vector<16xf32> to vector<1x16xf32>
    tpu.vector_store %arg14[%swap3A_124, %swap3A_125], %swap3A_128 {strides = array<i32>} : memref<128x16xf32, #tpu.memory_space<vmem>>, vector<1x16xf32>,
    %broadcast_in_dim3A_129 = arith.constant 1.000000e+00 : f32
    %broadcast_in_dim3A_130 = vector.broadcast %broadcast_in_dim3A_129 : f32 to vector<16xf32>
    %swap3A_131 = arith.constant 16 : i32
    %swap3A_132 = arith.index_cast %swap3A_131 : i32 to index
    %swap3A_133 = arith.constant 0 : index
    %swap3A_134 = tpu.vector_load %arg14[%swap3A_132, %swap3A_133] {strides = array<i32>} : memref<128x16xf32, #tpu.memory_space<vmem>>, vector<1x16xf32>,
    %swap3A_135 = vector.shape_cast %swap3A_134 : vector<1x16xf32> to vector<16xf32>
    %swap3A_136 = vector.shape_cast %broadcast_in_dim3A_130 : vector<16xf32> to vector<1x16xf32>
    tpu.vector_store %arg14[%swap3A_132, %swap3A_133], %swap3A_136 {strides = array<i32>} : memref<128x16xf32, #tpu.memory_space<vmem>>, vector<1x16xf32>,
    %broadcast_in_dim3A_137 = arith.constant 1.000000e+00 : f32
    %broadcast_in_dim3A_138 = vector.broadcast %broadcast_in_dim3A_137 : f32 to vector<16xf32>
    %swap3A_139 = arith.constant 17 : i32
    %swap3A_140 = arith.index_cast %swap3A_139 : i32 to index
    %swap3A_141 = arith.constant 0 : index
    %swap3A_142 = tpu.vector_load %arg14[%swap3A_140, %swap3A_141] {strides = array<i32>} : memref<128x16xf32, #tpu.memory_space<vmem>>, vector<1x16xf32>,
    %swap3A_143 = vector.shape_cast %swap3A_142 : vector<1x16xf32> to vector<16xf32>
    %swap3A_144 = vector.shape_cast %broadcast_in_dim3A_138 : vector<16xf32> to vector<1x16xf32>
    tpu.vector_store %arg14[%swap3A_140, %swap3A_141], %swap3A_144 {strides = array<i32>} : memref<128x16xf32, #tpu.memory_space<vmem>>, vector<1x16xf32>,
    %broadcast_in_dim3A_145 = arith.constant 1.000000e+00 : f32
    %broadcast_in_dim3A_146 = vector.broadcast %broadcast_in_dim3A_145 : f32 to vector<16xf32>
    %swap3A_147 = arith.constant 18 : i32
    %swap3A_148 = arith.index_cast %swap3A_147 : i32 to index
    %swap3A_149 = arith.constant 0 : index
    %swap3A_150 = tpu.vector_load %arg14[%swap3A_148, %swap3A_149] {strides = array<i32>} : memref<128x16xf32, #tpu.memory_space<vmem>>, vector<1x16xf32>,
    %swap3A_151 = vector.shape_cast %swap3A_150 : vector<1x16xf32> to vector<16xf32>
    %swap3A_152 = vector.shape_cast %broadcast_in_dim3A_146 : vector<16xf32> to vector<1x16xf32>
    tpu.vector_store %arg14[%swap3A_148, %swap3A_149], %swap3A_152 {strides = array<i32>} : memref<128x16xf32, #tpu.memory_space<vmem>>, vector<1x16xf32>,
    %broadcast_in_dim3A_153 = arith.constant 1.000000e+00 : f32
    %broadcast_in_dim3A_154 = vector.broadcast %broadcast_in_dim3A_153 : f32 to vector<16xf32>
    %swap3A_155 = arith.constant 19 : i32
    %swap3A_156 = arith.index_cast %swap3A_155 : i32 to index
    %swap3A_157 = arith.constant 0 : index
    %swap3A_158 = tpu.vector_load %arg14[%swap3A_156, %swap3A_157] {strides = array<i32>} : memref<128x16xf32, #tpu.memory_space<vmem>>, vector<1x16xf32>,
    %swap3A_159 = vector.shape_cast %swap3A_158 : vector<1x16xf32> to vector<16xf32>
    %swap3A_160 = vector.shape_cast %broadcast_in_dim3A_154 : vector<16xf32> to vector<1x16xf32>
    tpu.vector_store %arg14[%swap3A_156, %swap3A_157], %swap3A_160 {strides = array<i32>} : memref<128x16xf32, #tpu.memory_space<vmem>>, vector<1x16xf32>,
    %broadcast_in_dim3A_161 = arith.constant 1.000000e+00 : f32
    %broadcast_in_dim3A_162 = vector.broadcast %broadcast_in_dim3A_161 : f32 to vector<16xf32>
    %swap3A_163 = arith.constant 20 : i32
    %swap3A_164 = arith.index_cast %swap3A_163 : i32 to index
    %swap3A_165 = arith.constant 0 : index
    %swap3A_166 = tpu.vector_load %arg14[%swap3A_164, %swap3A_165] {strides = array<i32>} : memref<128x16xf32, #tpu.memory_space<vmem>>, vector<1x16xf32>,
    %swap3A_167 = vector.shape_cast %swap3A_166 : vector<1x16xf32> to vector<16xf32>
    %swap3A_168 = vector.shape_cast %broadcast_in_dim3A_162 : vector<16xf32> to vector<1x16xf32>
    tpu.vector_store %arg14[%swap3A_164, %swap3A_165], %swap3A_168 {strides = array<i32>} : memref<128x16xf32, #tpu.memory_space<vmem>>, vector<1x16xf32>,
    %broadcast_in_dim3A_169 = arith.constant 1.000000e+00 : f32
    %broadcast_in_dim3A_170 = vector.broadcast %broadcast_in_dim3A_169 : f32 to vector<16xf32>
    %swap3A_171 = arith.constant 21 : i32
    %swap3A_172 = arith.index_cast %swap3A_171 : i32 to index
    %swap3A_173 = arith.constant 0 : index
    %swap3A_174 = tpu.vector_load %arg14[%swap3A_172, %swap3A_173] {strides = array<i32>} : memref<128x16xf32, #tpu.memory_space<vmem>>, vector<1x16xf32>,
    %swap3A_175 = vector.shape_cast %swap3A_174 : vector<1x16xf32> to vector<16xf32>
    %swap3A_176 = vector.shape_cast %broadcast_in_dim3A_170 : vector<16xf32> to vector<1x16xf32>
    tpu.vector_store %arg14[%swap3A_172, %swap3A_173], %swap3A_176 {strides = array<i32>} : memref<128x16xf32, #tpu.memory_space<vmem>>, vector<1x16xf32>,
    %broadcast_in_dim3A_177 = arith.constant 1.000000e+00 : f32
    %broadcast_in_dim3A_178 = vector.broadcast %broadcast_in_dim3A_177 : f32 to vector<16xf32>
    %swap3A_179 = arith.constant 22 : i32
    %swap3A_180 = arith.index_cast %swap3A_179 : i32 to index
    %swap3A_181 = arith.constant 0 : index
    %swap3A_182 = tpu.vector_load %arg14[%swap3A_180, %swap3A_181] {strides = array<i32>} : memref<128x16xf32, #tpu.memory_space<vmem>>, vector<1x16xf32>,
    %swap3A_183 = vector.shape_cast %swap3A_182 : vector<1x16xf32> to vector<16xf32>
    %swap3A_184 = vector.shape_cast %broadcast_in_dim3A_178 : vector<16xf32> to vector<1x16xf32>
    tpu.vector_store %arg14[%swap3A_180, %swap3A_181], %swap3A_184 {strides = array<i32>} : memref<128x16xf32, #tpu.memory_space<vmem>>, vector<1x16xf32>,
    %broadcast_in_dim3A_185 = arith.constant 1.000000e+00 : f32
    %broadcast_in_dim3A_186 = vector.broadcast %broadcast_in_dim3A_185 : f32 to vector<16xf32>
    %swap3A_187 = arith.constant 23 : i32
    %swap3A_188 = arith.index_cast %swap3A_187 : i32 to index
    %swap3A_189 = arith.constant 0 : index
    %swap3A_190 = tpu.vector_load %arg14[%swap3A_188, %swap3A_189] {strides = array<i32>} : memref<128x16xf32, #tpu.memory_space<vmem>>, vector<1x16xf32>,
    %swap3A_191 = vector.shape_cast %swap3A_190 : vector<1x16xf32> to vector<16xf32>
    %swap3A_192 = vector.shape_cast %broadcast_in_dim3A_186 : vector<16xf32> to vector<1x16xf32>
    tpu.vector_store %arg14[%swap3A_188, %swap3A_189], %swap3A_192 {strides = array<i32>} : memref<128x16xf32, #tpu.memory_space<vmem>>, vector<1x16xf32>,
    %broadcast_in_dim3A_193 = arith.constant 1.000000e+00 : f32
    %broadcast_in_dim3A_194 = vector.broadcast %broadcast_in_dim3A_193 : f32 to vector<16xf32>
    %swap3A_195 = arith.constant 24 : i32
    %swap3A_196 = arith.index_cast %swap3A_195 : i32 to index
    %swap3A_197 = arith.constant 0 : index
    %swap3A_198 = tpu.vector_load %arg14[%swap3A_196, %swap3A_197] {strides = array<i32>} : memref<128x16xf32, #tpu.memory_space<vmem>>, vector<1x16xf32>,
    %swap3A_199 = vector.shape_cast %swap3A_198 : vector<1x16xf32> to vector<16xf32>
    %swap3A_200 = vector.shape_cast %broadcast_in_dim3A_194 : vector<16xf32> to vector<1x16xf32>
    tpu.vector_store %arg14[%swap3A_196, %swap3A_197], %swap3A_200 {strides = array<i32>} : memref<128x16xf32, #tpu.memory_space<vmem>>, vector<1x16xf32>,
    %broadcast_in_dim3A_201 = arith.constant 1.000000e+00 : f32
    %broadcast_in_dim3A_202 = vector.broadcast %broadcast_in_dim3A_201 : f32 to vector<16xf32>
    %swap3A_203 = arith.constant 25 : i32
    %swap3A_204 = arith.index_cast %swap3A_203 : i32 to index
    %swap3A_205 = arith.constant 0 : index
    %swap3A_206 = tpu.vector_load %arg14[%swap3A_204, %swap3A_205] {strides = array<i32>} : memref<128x16xf32, #tpu.memory_space<vmem>>, vector<1x16xf32>,
    %swap3A_207 = vector.shape_cast %swap3A_206 : vector<1x16xf32> to vector<16xf32>
    %swap3A_208 = vector.shape_cast %broadcast_in_dim3A_202 : vector<16xf32> to vector<1x16xf32>
    tpu.vector_store %arg14[%swap3A_204, %swap3A_205], %swap3A_208 {strides = array<i32>} : memref<128x16xf32, #tpu.memory_space<vmem>>, vector<1x16xf32>,
    %broadcast_in_dim3A_209 = arith.constant 1.000000e+00 : f32
    %broadcast_in_dim3A_210 = vector.broadcast %broadcast_in_dim3A_209 : f32 to vector<16xf32>
    %swap3A_211 = arith.constant 26 : i32
    %swap3A_212 = arith.index_cast %swap3A_211 : i32 to index
    %swap3A_213 = arith.constant 0 : index
    %swap3A_214 = tpu.vector_load %arg14[%swap3A_212, %swap3A_213] {strides = array<i32>} : memref<128x16xf32, #tpu.memory_space<vmem>>, vector<1x16xf32>,
    %swap3A_215 = vector.shape_cast %swap3A_214 : vector<1x16xf32> to vector<16xf32>
    %swap3A_216 = vector.shape_cast %broadcast_in_dim3A_210 : vector<16xf32> to vector<1x16xf32>
    tpu.vector_store %arg14[%swap3A_212, %swap3A_213], %swap3A_216 {strides = array<i32>} : memref<128x16xf32, #tpu.memory_space<vmem>>, vector<1x16xf32>,
    %broadcast_in_dim3A_217 = arith.constant 1.000000e+00 : f32
    %broadcast_in_dim3A_218 = vector.broadcast %broadcast_in_dim3A_217 : f32 to vector<16xf32>
    %swap3A_219 = arith.constant 27 : i32
    %swap3A_220 = arith.index_cast %swap3A_219 : i32 to index
    %swap3A_221 = arith.constant 0 : index
    %swap3A_222 = tpu.vector_load %arg14[%swap3A_220, %swap3A_221] {strides = array<i32>} : memref<128x16xf32, #tpu.memory_space<vmem>>, vector<1x16xf32>,
    %swap3A_223 = vector.shape_cast %swap3A_222 : vector<1x16xf32> to vector<16xf32>
    %swap3A_224 = vector.shape_cast %broadcast_in_dim3A_218 : vector<16xf32> to vector<1x16xf32>
    tpu.vector_store %arg14[%swap3A_220, %swap3A_221], %swap3A_224 {strides = array<i32>} : memref<128x16xf32, #tpu.memory_space<vmem>>, vector<1x16xf32>,
    %broadcast_in_dim3A_225 = arith.constant 1.000000e+00 : f32
    %broadcast_in_dim3A_226 = vector.broadcast %broadcast_in_dim3A_225 : f32 to vector<16xf32>
    %swap3A_227 = arith.constant 28 : i32
    %swap3A_228 = arith.index_cast %swap3A_227 : i32 to index
    %swap3A_229 = arith.constant 0 : index
    %swap3A_230 = tpu.vector_load %arg14[%swap3A_228, %swap3A_229] {strides = array<i32>} : memref<128x16xf32, #tpu.memory_space<vmem>>, vector<1x16xf32>,
    %swap3A_231 = vector.shape_cast %swap3A_230 : vector<1x16xf32> to vector<16xf32>
    %swap3A_232 = vector.shape_cast %broadcast_in_dim3A_226 : vector<16xf32> to vector<1x16xf32>
    tpu.vector_store %arg14[%swap3A_228, %swap3A_229], %swap3A_232 {strides = array<i32>} : memref<128x16xf32, #tpu.memory_space<vmem>>, vector<1x16xf32>,
    %broadcast_in_dim3A_233 = arith.constant 1.000000e+00 : f32
    %broadcast_in_dim3A_234 = vector.broadcast %broadcast_in_dim3A_233 : f32 to vector<16xf32>
    %swap3A_235 = arith.constant 29 : i32
    %swap3A_236 = arith.index_cast %swap3A_235 : i32 to index
    %swap3A_237 = arith.constant 0 : index
    %swap3A_238 = tpu.vector_load %arg14[%swap3A_236, %swap3A_237] {strides = array<i32>} : memref<128x16xf32, #tpu.memory_space<vmem>>, vector<1x16xf32>,
    %swap3A_239 = vector.shape_cast %swap3A_238 : vector<1x16xf32> to vector<16xf32>
    %swap3A_240 = vector.shape_cast %broadcast_in_dim3A_234 : vector<16xf32> to vector<1x16xf32>
    tpu.vector_store %arg14[%swap3A_236, %swap3A_237], %swap3A_240 {strides = array<i32>} : memref<128x16xf32, #tpu.memory_space<vmem>>, vector<1x16xf32>,
    %broadcast_in_dim3A_241 = arith.constant 1.000000e+00 : f32
    %broadcast_in_dim3A_242 = vector.broadcast %broadcast_in_dim3A_241 : f32 to vector<16xf32>
    %swap3A_243 = arith.constant 30 : i32
    %swap3A_244 = arith.index_cast %swap3A_243 : i32 to index
    %swap3A_245 = arith.constant 0 : index
    %swap3A_246 = tpu.vector_load %arg14[%swap3A_244, %swap3A_245] {strides = array<i32>} : memref<128x16xf32, #tpu.memory_space<vmem>>, vector<1x16xf32>,
    %swap3A_247 = vector.shape_cast %swap3A_246 : vector<1x16xf32> to vector<16xf32>
    %swap3A_248 = vector.shape_cast %broadcast_in_dim3A_242 : vector<16xf32> to vector<1x16xf32>
    tpu.vector_store %arg14[%swap3A_244, %swap3A_245], %swap3A_248 {strides = array<i32>} : memref<128x16xf32, #tpu.memory_space<vmem>>, vector<1x16xf32>,
    %broadcast_in_dim3A_249 = arith.constant 1.000000e+00 : f32
    %broadcast_in_dim3A_250 = vector.broadcast %broadcast_in_dim3A_249 : f32 to vector<16xf32>
    %swap3A_251 = arith.constant 31 : i32
    %swap3A_252 = arith.index_cast %swap3A_251 : i32 to index
    %swap3A_253 = arith.constant 0 : index
    %swap3A_254 = tpu.vector_load %arg14[%swap3A_252, %swap3A_253] {strides = array<i32>} : memref<128x16xf32, #tpu.memory_space<vmem>>, vector<1x16xf32>,
    %swap3A_255 = vector.shape_cast %swap3A_254 : vector<1x16xf32> to vector<16xf32>
    %swap3A_256 = vector.shape_cast %broadcast_in_dim3A_250 : vector<16xf32> to vector<1x16xf32>
    tpu.vector_store %arg14[%swap3A_252, %swap3A_253], %swap3A_256 {strides = array<i32>} : memref<128x16xf32, #tpu.memory_space<vmem>>, vector<1x16xf32>,
    %broadcast_in_dim3A_257 = arith.constant 1.000000e+00 : f32
    %broadcast_in_dim3A_258 = vector.broadcast %broadcast_in_dim3A_257 : f32 to vector<16xf32>
    %swap3A_259 = arith.constant 32 : i32
    %swap3A_260 = arith.index_cast %swap3A_259 : i32 to index
    %swap3A_261 = arith.constant 0 : index
    %swap3A_262 = tpu.vector_load %arg14[%swap3A_260, %swap3A_261] {strides = array<i32>} : memref<128x16xf32, #tpu.memory_space<vmem>>, vector<1x16xf32>,
    %swap3A_263 = vector.shape_cast %swap3A_262 : vector<1x16xf32> to vector<16xf32>
    %swap3A_264 = vector.shape_cast %broadcast_in_dim3A_258 : vector<16xf32> to vector<1x16xf32>
    tpu.vector_store %arg14[%swap3A_260, %swap3A_261], %swap3A_264 {strides = array<i32>} : memref<128x16xf32, #tpu.memory_space<vmem>>, vector<1x16xf32>,
    %broadcast_in_dim3A_265 = arith.constant 1.000000e+00 : f32
    %broadcast_in_dim3A_266 = vector.broadcast %broadcast_in_dim3A_265 : f32 to vector<16xf32>
    %swap3A_267 = arith.constant 33 : i32
    %swap3A_268 = arith.index_cast %swap3A_267 : i32 to index
    %swap3A_269 = arith.constant 0 : index
    %swap3A_270 = tpu.vector_load %arg14[%swap3A_268, %swap3A_269] {strides = array<i32>} : memref<128x16xf32, #tpu.memory_space<vmem>>, vector<1x16xf32>,
    %swap3A_271 = vector.shape_cast %swap3A_270 : vector<1x16xf32> to vector<16xf32>
    %swap3A_272 = vector.shape_cast %broadcast_in_dim3A_266 : vector<16xf32> to vector<1x16xf32>
    tpu.vector_store %arg14[%swap3A_268, %swap3A_269], %swap3A_272 {strides = array<i32>} : memref<128x16xf32, #tpu.memory_space<vmem>>, vector<1x16xf32>,
    %broadcast_in_dim3A_273 = arith.constant 1.000000e+00 : f32
    %broadcast_in_dim3A_274 = vector.broadcast %broadcast_in_dim3A_273 : f32 to vector<16xf32>
    %swap3A_275 = arith.constant 34 : i32
    %swap3A_276 = arith.index_cast %swap3A_275 : i32 to index
    %swap3A_277 = arith.constant 0 : index
    %swap3A_278 = tpu.vector_load %arg14[%swap3A_276, %swap3A_277] {strides = array<i32>} : memref<128x16xf32, #tpu.memory_space<vmem>>, vector<1x16xf32>,
    %swap3A_279 = vector.shape_cast %swap3A_278 : vector<1x16xf32> to vector<16xf32>
    %swap3A_280 = vector.shape_cast %broadcast_in_dim3A_274 : vector<16xf32> to vector<1x16xf32>
    tpu.vector_store %arg14[%swap3A_276, %swap3A_277], %swap3A_280 {strides = array<i32>} : memref<128x16xf32, #tpu.memory_space<vmem>>, vector<1x16xf32>,
    %broadcast_in_dim3A_281 = arith.constant 1.000000e+00 : f32
    %broadcast_in_dim3A_282 = vector.broadcast %broadcast_in_dim3A_281 : f32 to vector<16xf32>
    %swap3A_283 = arith.constant 35 : i32
    %swap3A_284 = arith.index_cast %swap3A_283 : i32 to index
    %swap3A_285 = arith.constant 0 : index
    %swap3A_286 = tpu.vector_load %arg14[%swap3A_284, %swap3A_285] {strides = array<i32>} : memref<128x16xf32, #tpu.memory_space<vmem>>, vector<1x16xf32>,
    %swap3A_287 = vector.shape_cast %swap3A_286 : vector<1x16xf32> to vector<16xf32>
    %swap3A_288 = vector.shape_cast %broadcast_in_dim3A_282 : vector<16xf32> to vector<1x16xf32>
    tpu.vector_store %arg14[%swap3A_284, %swap3A_285], %swap3A_288 {strides = array<i32>} : memref<128x16xf32, #tpu.memory_space<vmem>>, vector<1x16xf32>,
    %broadcast_in_dim3A_289 = arith.constant 1.000000e+00 : f32
    %broadcast_in_dim3A_290 = vector.broadcast %broadcast_in_dim3A_289 : f32 to vector<16xf32>
    %swap3A_291 = arith.constant 36 : i32
    %swap3A_292 = arith.index_cast %swap3A_291 : i32 to index
    %swap3A_293 = arith.constant 0 : index
    %swap3A_294 = tpu.vector_load %arg14[%swap3A_292, %swap3A_293] {strides = array<i32>} : memref<128x16xf32, #tpu.memory_space<vmem>>, vector<1x16xf32>,
    %swap3A_295 = vector.shape_cast %swap3A_294 : vector<1x16xf32> to vector<16xf32>
    %swap3A_296 = vector.shape_cast %broadcast_in_dim3A_290 : vector<16xf32> to vector<1x16xf32>
    tpu.vector_store %arg14[%swap3A_292, %swap3A_293], %swap3A_296 {strides = array<i32>} : memref<128x16xf32, #tpu.memory_space<vmem>>, vector<1x16xf32>,
    %broadcast_in_dim3A_297 = arith.constant 1.000000e+00 : f32
    %broadcast_in_dim3A_298 = vector.broadcast %broadcast_in_dim3A_297 : f32 to vector<16xf32>
    %swap3A_299 = arith.constant 37 : i32
    %swap3A_300 = arith.index_cast %swap3A_299 : i32 to index
    %swap3A_301 = arith.constant 0 : index
    %swap3A_302 = tpu.vector_load %arg14[%swap3A_300, %swap3A_301] {strides = array<i32>} : memref<128x16xf32, #tpu.memory_space<vmem>>, vector<1x16xf32>,
    %swap3A_303 = vector.shape_cast %swap3A_302 : vector<1x16xf32> to vector<16xf32>
    %swap3A_304 = vector.shape_cast %broadcast_in_dim3A_298 : vector<16xf32> to vector<1x16xf32>
    tpu.vector_store %arg14[%swap3A_300, %swap3A_301], %swap3A_304 {strides = array<i32>} : memref<128x16xf32, #tpu.memory_space<vmem>>, vector<1x16xf32>,
    %broadcast_in_dim3A_305 = arith.constant 1.000000e+00 : f32
    %broadcast_in_dim3A_306 = vector.broadcast %broadcast_in_dim3A_305 : f32 to vector<16xf32>
    %swap3A_307 = arith.constant 38 : i32
    %swap3A_308 = arith.index_cast %swap3A_307 : i32 to index
    %swap3A_309 = arith.constant 0 : index
    %swap3A_310 = tpu.vector_load %arg14[%swap3A_308, %swap3A_309] {strides = array<i32>} : memref<128x16xf32, #tpu.memory_space<vmem>>, vector<1x16xf32>,
    %swap3A_311 = vector.shape_cast %swap3A_310 : vector<1x16xf32> to vector<16xf32>
    %swap3A_312 = vector.shape_cast %broadcast_in_dim3A_306 : vector<16xf32> to vector<1x16xf32>
    tpu.vector_store %arg14[%swap3A_308, %swap3A_309], %swap3A_312 {strides = array<i32>} : memref<128x16xf32, #tpu.memory_space<vmem>>, vector<1x16xf32>,
    %broadcast_in_dim3A_313 = arith.constant 1.000000e+00 : f32
    %broadcast_in_dim3A_314 = vector.broadcast %broadcast_in_dim3A_313 : f32 to vector<16xf32>
    %swap3A_315 = arith.constant 39 : i32
    %swap3A_316 = arith.index_cast %swap3A_315 : i32 to index
    %swap3A_317 = arith.constant 0 : index
    %swap3A_318 = tpu.vector_load %arg14[%swap3A_316, %swap3A_317] {strides = array<i32>} : memref<128x16xf32, #tpu.memory_space<vmem>>, vector<1x16xf32>,
    %swap3A_319 = vector.shape_cast %swap3A_318 : vector<1x16xf32> to vector<16xf32>
    %swap3A_320 = vector.shape_cast %broadcast_in_dim3A_314 : vector<16xf32> to vector<1x16xf32>
    tpu.vector_store %arg14[%swap3A_316, %swap3A_317], %swap3A_320 {strides = array<i32>} : memref<128x16xf32, #tpu.memory_space<vmem>>, vector<1x16xf32>,
    %broadcast_in_dim3A_321 = arith.constant 1.000000e+00 : f32
    %broadcast_in_dim3A_322 = vector.broadcast %broadcast_in_dim3A_321 : f32 to vector<16xf32>
    %swap3A_323 = arith.constant 40 : i32
    %swap3A_324 = arith.index_cast %swap3A_323 : i32 to index
    %swap3A_325 = arith.constant 0 : index
    %swap3A_326 = tpu.vector_load %arg14[%swap3A_324, %swap3A_325] {strides = array<i32>} : memref<128x16xf32, #tpu.memory_space<vmem>>, vector<1x16xf32>,
    %swap3A_327 = vector.shape_cast %swap3A_326 : vector<1x16xf32> to vector<16xf32>
    %swap3A_328 = vector.shape_cast %broadcast_in_dim3A_322 : vector<16xf32> to vector<1x16xf32>
    tpu.vector_store %arg14[%swap3A_324, %swap3A_325], %swap3A_328 {strides = array<i32>} : memref<128x16xf32, #tpu.memory_space<vmem>>, vector<1x16xf32>,
    %broadcast_in_dim3A_329 = arith.constant 1.000000e+00 : f32
    %broadcast_in_dim3A_330 = vector.broadcast %broadcast_in_dim3A_329 : f32 to vector<16xf32>
    %swap3A_331 = arith.constant 41 : i32
    %swap3A_332 = arith.index_cast %swap3A_331 : i32 to index
    %swap3A_333 = arith.constant 0 : index
    %swap3A_334 = tpu.vector_load %arg14[%swap3A_332, %swap3A_333] {strides = array<i32>} : memref<128x16xf32, #tpu.memory_space<vmem>>, vector<1x16xf32>,
    %swap3A_335 = vector.shape_cast %swap3A_334 : vector<1x16xf32> to vector<16xf32>
    %swap3A_336 = vector.shape_cast %broadcast_in_dim3A_330 : vector<16xf32> to vector<1x16xf32>
    tpu.vector_store %arg14[%swap3A_332, %swap3A_333], %swap3A_336 {strides = array<i32>} : memref<128x16xf32, #tpu.memory_space<vmem>>, vector<1x16xf32>,
    %broadcast_in_dim3A_337 = arith.constant 1.000000e+00 : f32
    %broadcast_in_dim3A_338 = vector.broadcast %broadcast_in_dim3A_337 : f32 to vector<16xf32>
    %swap3A_339 = arith.constant 42 : i32
    %swap3A_340 = arith.index_cast %swap3A_339 : i32 to index
    %swap3A_341 = arith.constant 0 : index
    %swap3A_342 = tpu.vector_load %arg14[%swap3A_340, %swap3A_341] {strides = array<i32>} : memref<128x16xf32, #tpu.memory_space<vmem>>, vector<1x16xf32>,
    %swap3A_343 = vector.shape_cast %swap3A_342 : vector<1x16xf32> to vector<16xf32>
    %swap3A_344 = vector.shape_cast %broadcast_in_dim3A_338 : vector<16xf32> to vector<1x16xf32>
    tpu.vector_store %arg14[%swap3A_340, %swap3A_341], %swap3A_344 {strides = array<i32>} : memref<128x16xf32, #tpu.memory_space<vmem>>, vector<1x16xf32>,
    %broadcast_in_dim3A_345 = arith.constant 1.000000e+00 : f32
    %broadcast_in_dim3A_346 = vector.broadcast %broadcast_in_dim3A_345 : f32 to vector<16xf32>
    %swap3A_347 = arith.constant 43 : i32
    %swap3A_348 = arith.index_cast %swap3A_347 : i32 to index
    %swap3A_349 = arith.constant 0 : index
    %swap3A_350 = tpu.vector_load %arg14[%swap3A_348, %swap3A_349] {strides = array<i32>} : memref<128x16xf32, #tpu.memory_space<vmem>>, vector<1x16xf32>,
    %swap3A_351 = vector.shape_cast %swap3A_350 : vector<1x16xf32> to vector<16xf32>
    %swap3A_352 = vector.shape_cast %broadcast_in_dim3A_346 : vector<16xf32> to vector<1x16xf32>
    tpu.vector_store %arg14[%swap3A_348, %swap3A_349], %swap3A_352 {strides = array<i32>} : memref<128x16xf32, #tpu.memory_space<vmem>>, vector<1x16xf32>,
    %broadcast_in_dim3A_353 = arith.constant 1.000000e+00 : f32
    %broadcast_in_dim3A_354 = vector.broadcast %broadcast_in_dim3A_353 : f32 to vector<16xf32>
    %swap3A_355 = arith.constant 44 : i32
    %swap3A_356 = arith.index_cast %swap3A_355 : i32 to index
    %swap3A_357 = arith.constant 0 : index
    %swap3A_358 = tpu.vector_load %arg14[%swap3A_356, %swap3A_357] {strides = array<i32>} : memref<128x16xf32, #tpu.memory_space<vmem>>, vector<1x16xf32>,
    %swap3A_359 = vector.shape_cast %swap3A_358 : vector<1x16xf32> to vector<16xf32>
    %swap3A_360 = vector.shape_cast %broadcast_in_dim3A_354 : vector<16xf32> to vector<1x16xf32>
    tpu.vector_store %arg14[%swap3A_356, %swap3A_357], %swap3A_360 {strides = array<i32>} : memref<128x16xf32, #tpu.memory_space<vmem>>, vector<1x16xf32>,
    %broadcast_in_dim3A_361 = arith.constant 1.000000e+00 : f32
    %broadcast_in_dim3A_362 = vector.broadcast %broadcast_in_dim3A_361 : f32 to vector<16xf32>
    %swap3A_363 = arith.constant 45 : i32
    %swap3A_364 = arith.index_cast %swap3A_363 : i32 to index
    %swap3A_365 = arith.constant 0 : index
    %swap3A_366 = tpu.vector_load %arg14[%swap3A_364, %swap3A_365] {strides = array<i32>} : memref<128x16xf32, #tpu.memory_space<vmem>>, vector<1x16xf32>,
    %swap3A_367 = vector.shape_cast %swap3A_366 : vector<1x16xf32> to vector<16xf32>
    %swap3A_368 = vector.shape_cast %broadcast_in_dim3A_362 : vector<16xf32> to vector<1x16xf32>
    tpu.vector_store %arg14[%swap3A_364, %swap3A_365], %swap3A_368 {strides = array<i32>} : memref<128x16xf32, #tpu.memory_space<vmem>>, vector<1x16xf32>,
    %broadcast_in_dim3A_369 = arith.constant 1.000000e+00 : f32
    %broadcast_in_dim3A_370 = vector.broadcast %broadcast_in_dim3A_369 : f32 to vector<16xf32>
    %swap3A_371 = arith.constant 46 : i32
    %swap3A_372 = arith.index_cast %swap3A_371 : i32 to index
    %swap3A_373 = arith.constant 0 : index
    %swap3A_374 = tpu.vector_load %arg14[%swap3A_372, %swap3A_373] {strides = array<i32>} : memref<128x16xf32, #tpu.memory_space<vmem>>, vector<1x16xf32>,
    %swap3A_375 = vector.shape_cast %swap3A_374 : vector<1x16xf32> to vector<16xf32>
    %swap3A_376 = vector.shape_cast %broadcast_in_dim3A_370 : vector<16xf32> to vector<1x16xf32>
    tpu.vector_store %arg14[%swap3A_372, %swap3A_373], %swap3A_376 {strides = array<i32>} : memref<128x16xf32, #tpu.memory_space<vmem>>, vector<1x16xf32>,
    %broadcast_in_dim3A_377 = arith.constant 1.000000e+00 : f32
    %broadcast_in_dim3A_378 = vector.broadcast %broadcast_in_dim3A_377 : f32 to vector<16xf32>
    %swap3A_379 = arith.constant 47 : i32
    %swap3A_380 = arith.index_cast %swap3A_379 : i32 to index
    %swap3A_381 = arith.constant 0 : index
    %swap3A_382 = tpu.vector_load %arg14[%swap3A_380, %swap3A_381] {strides = array<i32>} : memref<128x16xf32, #tpu.memory_space<vmem>>, vector<1x16xf32>,
    %swap3A_383 = vector.shape_cast %swap3A_382 : vector<1x16xf32> to vector<16xf32>
    %swap3A_384 = vector.shape_cast %broadcast_in_dim3A_378 : vector<16xf32> to vector<1x16xf32>
    tpu.vector_store %arg14[%swap3A_380, %swap3A_381], %swap3A_384 {strides = array<i32>} : memref<128x16xf32, #tpu.memory_space<vmem>>, vector<1x16xf32>,
    %broadcast_in_dim3A_385 = arith.constant 1.000000e+00 : f32
    %broadcast_in_dim3A_386 = vector.broadcast %broadcast_in_dim3A_385 : f32 to vector<16xf32>
    %swap3A_387 = arith.constant 48 : i32
    %swap3A_388 = arith.index_cast %swap3A_387 : i32 to index
    %swap3A_389 = arith.constant 0 : index
    %swap3A_390 = tpu.vector_load %arg14[%swap3A_388, %swap3A_389] {strides = array<i32>} : memref<128x16xf32, #tpu.memory_space<vmem>>, vector<1x16xf32>,
    %swap3A_391 = vector.shape_cast %swap3A_390 : vector<1x16xf32> to vector<16xf32>
    %swap3A_392 = vector.shape_cast %broadcast_in_dim3A_386 : vector<16xf32> to vector<1x16xf32>
    tpu.vector_store %arg14[%swap3A_388, %swap3A_389], %swap3A_392 {strides = array<i32>} : memref<128x16xf32, #tpu.memory_space<vmem>>, vector<1x16xf32>,
    %broadcast_in_dim3A_393 = arith.constant 1.000000e+00 : f32
    %broadcast_in_dim3A_394 = vector.broadcast %broadcast_in_dim3A_393 : f32 to vector<16xf32>
    %swap3A_395 = arith.constant 49 : i32
    %swap3A_396 = arith.index_cast %swap3A_395 : i32 to index
    %swap3A_397 = arith.constant 0 : index
    %swap3A_398 = tpu.vector_load %arg14[%swap3A_396, %swap3A_397] {strides = array<i32>} : memref<128x16xf32, #tpu.memory_space<vmem>>, vector<1x16xf32>,
    %swap3A_399 = vector.shape_cast %swap3A_398 : vector<1x16xf32> to vector<16xf32>
    %swap3A_400 = vector.shape_cast %broadcast_in_dim3A_394 : vector<16xf32> to vector<1x16xf32>
    tpu.vector_store %arg14[%swap3A_396, %swap3A_397], %swap3A_400 {strides = array<i32>} : memref<128x16xf32, #tpu.memory_space<vmem>>, vector<1x16xf32>,
    %broadcast_in_dim3A_401 = arith.constant 1.000000e+00 : f32
    %broadcast_in_dim3A_402 = vector.broadcast %broadcast_in_dim3A_401 : f32 to vector<16xf32>
    %swap3A_403 = arith.constant 50 : i32
    %swap3A_404 = arith.index_cast %swap3A_403 : i32 to index
    %swap3A_405 = arith.constant 0 : index
    %swap3A_406 = tpu.vector_load %arg14[%swap3A_404, %swap3A_405] {strides = array<i32>} : memref<128x16xf32, #tpu.memory_space<vmem>>, vector<1x16xf32>,
    %swap3A_407 = vector.shape_cast %swap3A_406 : vector<1x16xf32> to vector<16xf32>
    %swap3A_408 = vector.shape_cast %broadcast_in_dim3A_402 : vector<16xf32> to vector<1x16xf32>
    tpu.vector_store %arg14[%swap3A_404, %swap3A_405], %swap3A_408 {strides = array<i32>} : memref<128x16xf32, #tpu.memory_space<vmem>>, vector<1x16xf32>,
    %broadcast_in_dim3A_409 = arith.constant 1.000000e+00 : f32
    %broadcast_in_dim3A_410 = vector.broadcast %broadcast_in_dim3A_409 : f32 to vector<16xf32>
    %swap3A_411 = arith.constant 51 : i32
    %swap3A_412 = arith.index_cast %swap3A_411 : i32 to index
    %swap3A_413 = arith.constant 0 : index
    %swap3A_414 = tpu.vector_load %arg14[%swap3A_412, %swap3A_413] {strides = array<i32>} : memref<128x16xf32, #tpu.memory_space<vmem>>, vector<1x16xf32>,
    %swap3A_415 = vector.shape_cast %swap3A_414 : vector<1x16xf32> to vector<16xf32>
    %swap3A_416 = vector.shape_cast %broadcast_in_dim3A_410 : vector<16xf32> to vector<1x16xf32>
    tpu.vector_store %arg14[%swap3A_412, %swap3A_413], %swap3A_416 {strides = array<i32>} : memref<128x16xf32, #tpu.memory_space<vmem>>, vector<1x16xf32>,
    %broadcast_in_dim3A_417 = arith.constant 1.000000e+00 : f32
    %broadcast_in_dim3A_418 = vector.broadcast %broadcast_in_dim3A_417 : f32 to vector<16xf32>
    %swap3A_419 = arith.constant 52 : i32
    %swap3A_420 = arith.index_cast %swap3A_419 : i32 to index
    %swap3A_421 = arith.constant 0 : index
    %swap3A_422 = tpu.vector_load %arg14[%swap3A_420, %swap3A_421] {strides = array<i32>} : memref<128x16xf32, #tpu.memory_space<vmem>>, vector<1x16xf32>,
    %swap3A_423 = vector.shape_cast %swap3A_422 : vector<1x16xf32> to vector<16xf32>
    %swap3A_424 = vector.shape_cast %broadcast_in_dim3A_418 : vector<16xf32> to vector<1x16xf32>
    tpu.vector_store %arg14[%swap3A_420, %swap3A_421], %swap3A_424 {strides = array<i32>} : memref<128x16xf32, #tpu.memory_space<vmem>>, vector<1x16xf32>,
    %broadcast_in_dim3A_425 = arith.constant 1.000000e+00 : f32
    %broadcast_in_dim3A_426 = vector.broadcast %broadcast_in_dim3A_425 : f32 to vector<16xf32>
    %swap3A_427 = arith.constant 53 : i32
    %swap3A_428 = arith.index_cast %swap3A_427 : i32 to index
    %swap3A_429 = arith.constant 0 : index
    %swap3A_430 = tpu.vector_load %arg14[%swap3A_428, %swap3A_429] {strides = array<i32>} : memref<128x16xf32, #tpu.memory_space<vmem>>, vector<1x16xf32>,
    %swap3A_431 = vector.shape_cast %swap3A_430 : vector<1x16xf32> to vector<16xf32>
    %swap3A_432 = vector.shape_cast %broadcast_in_dim3A_426 : vector<16xf32> to vector<1x16xf32>
    tpu.vector_store %arg14[%swap3A_428, %swap3A_429], %swap3A_432 {strides = array<i32>} : memref<128x16xf32, #tpu.memory_space<vmem>>, vector<1x16xf32>,
    %broadcast_in_dim3A_433 = arith.constant 1.000000e+00 : f32
    %broadcast_in_dim3A_434 = vector.broadcast %broadcast_in_dim3A_433 : f32 to vector<16xf32>
    %swap3A_435 = arith.constant 54 : i32
    %swap3A_436 = arith.index_cast %swap3A_435 : i32 to index
    %swap3A_437 = arith.constant 0 : index
    %swap3A_438 = tpu.vector_load %arg14[%swap3A_436, %swap3A_437] {strides = array<i32>} : memref<128x16xf32, #tpu.memory_space<vmem>>, vector<1x16xf32>,
    %swap3A_439 = vector.shape_cast %swap3A_438 : vector<1x16xf32> to vector<16xf32>
    %swap3A_440 = vector.shape_cast %broadcast_in_dim3A_434 : vector<16xf32> to vector<1x16xf32>
    tpu.vector_store %arg14[%swap3A_436, %swap3A_437], %swap3A_440 {strides = array<i32>} : memref<128x16xf32, #tpu.memory_space<vmem>>, vector<1x16xf32>,
    %broadcast_in_dim3A_441 = arith.constant 1.000000e+00 : f32
    %broadcast_in_dim3A_442 = vector.broadcast %broadcast_in_dim3A_441 : f32 to vector<16xf32>
    %swap3A_443 = arith.constant 55 : i32
    %swap3A_444 = arith.index_cast %swap3A_443 : i32 to index
    %swap3A_445 = arith.constant 0 : index
    %swap3A_446 = tpu.vector_load %arg14[%swap3A_444, %swap3A_445] {strides = array<i32>} : memref<128x16xf32, #tpu.memory_space<vmem>>, vector<1x16xf32>,
    %swap3A_447 = vector.shape_cast %swap3A_446 : vector<1x16xf32> to vector<16xf32>
    %swap3A_448 = vector.shape_cast %broadcast_in_dim3A_442 : vector<16xf32> to vector<1x16xf32>
    tpu.vector_store %arg14[%swap3A_444, %swap3A_445], %swap3A_448 {strides = array<i32>} : memref<128x16xf32, #tpu.memory_space<vmem>>, vector<1x16xf32>,
    %broadcast_in_dim3A_449 = arith.constant 1.000000e+00 : f32
    %broadcast_in_dim3A_450 = vector.broadcast %broadcast_in_dim3A_449 : f32 to vector<16xf32>
    %swap3A_451 = arith.constant 56 : i32
    %swap3A_452 = arith.index_cast %swap3A_451 : i32 to index
    %swap3A_453 = arith.constant 0 : index
    %swap3A_454 = tpu.vector_load %arg14[%swap3A_452, %swap3A_453] {strides = array<i32>} : memref<128x16xf32, #tpu.memory_space<vmem>>, vector<1x16xf32>,
    %swap3A_455 = vector.shape_cast %swap3A_454 : vector<1x16xf32> to vector<16xf32>
    %swap3A_456 = vector.shape_cast %broadcast_in_dim3A_450 : vector<16xf32> to vector<1x16xf32>
    tpu.vector_store %arg14[%swap3A_452, %swap3A_453], %swap3A_456 {strides = array<i32>} : memref<128x16xf32, #tpu.memory_space<vmem>>, vector<1x16xf32>,
    %broadcast_in_dim3A_457 = arith.constant 1.000000e+00 : f32
    %broadcast_in_dim3A_458 = vector.broadcast %broadcast_in_dim3A_457 : f32 to vector<16xf32>
    %swap3A_459 = arith.constant 57 : i32
    %swap3A_460 = arith.index_cast %swap3A_459 : i32 to index
    %swap3A_461 = arith.constant 0 : index
    %swap3A_462 = tpu.vector_load %arg14[%swap3A_460, %swap3A_461] {strides = array<i32>} : memref<128x16xf32, #tpu.memory_space<vmem>>, vector<1x16xf32>,
    %swap3A_463 = vector.shape_cast %swap3A_462 : vector<1x16xf32> to vector<16xf32>
    %swap3A_464 = vector.shape_cast %broadcast_in_dim3A_458 : vector<16xf32> to vector<1x16xf32>
    tpu.vector_store %arg14[%swap3A_460, %swap3A_461], %swap3A_464 {strides = array<i32>} : memref<128x16xf32, #tpu.memory_space<vmem>>, vector<1x16xf32>,
    %broadcast_in_dim3A_465 = arith.constant 1.000000e+00 : f32
    %broadcast_in_dim3A_466 = vector.broadcast %broadcast_in_dim3A_465 : f32 to vector<16xf32>
    %swap3A_467 = arith.constant 58 : i32
    %swap3A_468 = arith.index_cast %swap3A_467 : i32 to index
    %swap3A_469 = arith.constant 0 : index
    %swap3A_470 = tpu.vector_load %arg14[%swap3A_468, %swap3A_469] {strides = array<i32>} : memref<128x16xf32, #tpu.memory_space<vmem>>, vector<1x16xf32>,
    %swap3A_471 = vector.shape_cast %swap3A_470 : vector<1x16xf32> to vector<16xf32>
    %swap3A_472 = vector.shape_cast %broadcast_in_dim3A_466 : vector<16xf32> to vector<1x16xf32>
    tpu.vector_store %arg14[%swap3A_468, %swap3A_469], %swap3A_472 {strides = array<i32>} : memref<128x16xf32, #tpu.memory_space<vmem>>, vector<1x16xf32>,
    %broadcast_in_dim3A_473 = arith.constant 1.000000e+00 : f32
    %broadcast_in_dim3A_474 = vector.broadcast %broadcast_in_dim3A_473 : f32 to vector<16xf32>
    %swap3A_475 = arith.constant 59 : i32
    %swap3A_476 = arith.index_cast %swap3A_475 : i32 to index
    %swap3A_477 = arith.constant 0 : index
    %swap3A_478 = tpu.vector_load %arg14[%swap3A_476, %swap3A_477] {strides = array<i32>} : memref<128x16xf32, #tpu.memory_space<vmem>>, vector<1x16xf32>,
    %swap3A_479 = vector.shape_cast %swap3A_478 : vector<1x16xf32> to vector<16xf32>
    %swap3A_480 = vector.shape_cast %broadcast_in_dim3A_474 : vector<16xf32> to vector<1x16xf32>
    tpu.vector_store %arg14[%swap3A_476, %swap3A_477], %swap3A_480 {strides = array<i32>} : memref<128x16xf32, #tpu.memory_space<vmem>>, vector<1x16xf32>,
    %broadcast_in_dim3A_481 = arith.constant 1.000000e+00 : f32
    %broadcast_in_dim3A_482 = vector.broadcast %broadcast_in_dim3A_481 : f32 to vector<16xf32>
    %swap3A_483 = arith.constant 60 : i32
    %swap3A_484 = arith.index_cast %swap3A_483 : i32 to index
    %swap3A_485 = arith.constant 0 : index
    %swap3A_486 = tpu.vector_load %arg14[%swap3A_484, %swap3A_485] {strides = array<i32>} : memref<128x16xf32, #tpu.memory_space<vmem>>, vector<1x16xf32>,
    %swap3A_487 = vector.shape_cast %swap3A_486 : vector<1x16xf32> to vector<16xf32>
    %swap3A_488 = vector.shape_cast %broadcast_in_dim3A_482 : vector<16xf32> to vector<1x16xf32>
    tpu.vector_store %arg14[%swap3A_484, %swap3A_485], %swap3A_488 {strides = array<i32>} : memref<128x16xf32, #tpu.memory_space<vmem>>, vector<1x16xf32>,
    %broadcast_in_dim3A_489 = arith.constant 1.000000e+00 : f32
    %broadcast_in_dim3A_490 = vector.broadcast %broadcast_in_dim3A_489 : f32 to vector<16xf32>
    %swap3A_491 = arith.constant 61 : i32
    %swap3A_492 = arith.index_cast %swap3A_491 : i32 to index
    %swap3A_493 = arith.constant 0 : index
    %swap3A_494 = tpu.vector_load %arg14[%swap3A_492, %swap3A_493] {strides = array<i32>} : memref<128x16xf32, #tpu.memory_space<vmem>>, vector<1x16xf32>,
    %swap3A_495 = vector.shape_cast %swap3A_494 : vector<1x16xf32> to vector<16xf32>
    %swap3A_496 = vector.shape_cast %broadcast_in_dim3A_490 : vector<16xf32> to vector<1x16xf32>
    tpu.vector_store %arg14[%swap3A_492, %swap3A_493], %swap3A_496 {strides = array<i32>} : memref<128x16xf32, #tpu.memory_space<vmem>>, vector<1x16xf32>,
    %broadcast_in_dim3A_497 = arith.constant 1.000000e+00 : f32
    %broadcast_in_dim3A_498 = vector.broadcast %broadcast_in_dim3A_497 : f32 to vector<16xf32>
    %swap3A_499 = arith.constant 62 : i32
    %swap3A_500 = arith.index_cast %swap3A_499 : i32 to index
    %swap3A_501 = arith.constant 0 : index
    %swap3A_502 = tpu.vector_load %arg14[%swap3A_500, %swap3A_501] {strides = array<i32>} : memref<128x16xf32, #tpu.memory_space<vmem>>, vector<1x16xf32>,
    %swap3A_503 = vector.shape_cast %swap3A_502 : vector<1x16xf32> to vector<16xf32>
    %swap3A_504 = vector.shape_cast %broadcast_in_dim3A_498 : vector<16xf32> to vector<1x16xf32>
    tpu.vector_store %arg14[%swap3A_500, %swap3A_501], %swap3A_504 {strides = array<i32>} : memref<128x16xf32, #tpu.memory_space<vmem>>, vector<1x16xf32>,
    %broadcast_in_dim3A_505 = arith.constant 1.000000e+00 : f32
    %broadcast_in_dim3A_506 = vector.broadcast %broadcast_in_dim3A_505 : f32 to vector<16xf32>
    %swap3A_507 = arith.constant 63 : i32
    %swap3A_508 = arith.index_cast %swap3A_507 : i32 to index
    %swap3A_509 = arith.constant 0 : index
    %swap3A_510 = tpu.vector_load %arg14[%swap3A_508, %swap3A_509] {strides = array<i32>} : memref<128x16xf32, #tpu.memory_space<vmem>>, vector<1x16xf32>,
    %swap3A_511 = vector.shape_cast %swap3A_510 : vector<1x16xf32> to vector<16xf32>
    %swap3A_512 = vector.shape_cast %broadcast_in_dim3A_506 : vector<16xf32> to vector<1x16xf32>
    tpu.vector_store %arg14[%swap3A_508, %swap3A_509], %swap3A_512 {strides = array<i32>} : memref<128x16xf32, #tpu.memory_space<vmem>>, vector<1x16xf32>,
    %broadcast_in_dim3A_513 = arith.constant 1.000000e+00 : f32
    %broadcast_in_dim3A_514 = vector.broadcast %broadcast_in_dim3A_513 : f32 to vector<16xf32>
    %swap3A_515 = arith.constant 64 : i32
    %swap3A_516 = arith.index_cast %swap3A_515 : i32 to index
    %swap3A_517 = arith.constant 0 : index
    %swap3A_518 = tpu.vector_load %arg14[%swap3A_516, %swap3A_517] {strides = array<i32>} : memref<128x16xf32, #tpu.memory_space<vmem>>, vector<1x16xf32>,
    %swap3A_519 = vector.shape_cast %swap3A_518 : vector<1x16xf32> to vector<16xf32>
    %swap3A_520 = vector.shape_cast %broadcast_in_dim3A_514 : vector<16xf32> to vector<1x16xf32>
    tpu.vector_store %arg14[%swap3A_516, %swap3A_517], %swap3A_520 {strides = array<i32>} : memref<128x16xf32, #tpu.memory_space<vmem>>, vector<1x16xf32>,
    %broadcast_in_dim3A_521 = arith.constant 1.000000e+00 : f32
    %broadcast_in_dim3A_522 = vector.broadcast %broadcast_in_dim3A_521 : f32 to vector<16xf32>
    %swap3A_523 = arith.constant 65 : i32
    %swap3A_524 = arith.index_cast %swap3A_523 : i32 to index
    %swap3A_525 = arith.constant 0 : index
    %swap3A_526 = tpu.vector_load %arg14[%swap3A_524, %swap3A_525] {strides = array<i32>} : memref<128x16xf32, #tpu.memory_space<vmem>>, vector<1x16xf32>,
    %swap3A_527 = vector.shape_cast %swap3A_526 : vector<1x16xf32> to vector<16xf32>
    %swap3A_528 = vector.shape_cast %broadcast_in_dim3A_522 : vector<16xf32> to vector<1x16xf32>
    tpu.vector_store %arg14[%swap3A_524, %swap3A_525], %swap3A_528 {strides = array<i32>} : memref<128x16xf32, #tpu.memory_space<vmem>>, vector<1x16xf32>,
    %broadcast_in_dim3A_529 = arith.constant 1.000000e+00 : f32
    %broadcast_in_dim3A_530 = vector.broadcast %broadcast_in_dim3A_529 : f32 to vector<16xf32>
    %swap3A_531 = arith.constant 66 : i32
    %swap3A_532 = arith.index_cast %swap3A_531 : i32 to index
    %swap3A_533 = arith.constant 0 : index
    %swap3A_534 = tpu.vector_load %arg14[%swap3A_532, %swap3A_533] {strides = array<i32>} : memref<128x16xf32, #tpu.memory_space<vmem>>, vector<1x16xf32>,
    %swap3A_535 = vector.shape_cast %swap3A_534 : vector<1x16xf32> to vector<16xf32>
    %swap3A_536 = vector.shape_cast %broadcast_in_dim3A_530 : vector<16xf32> to vector<1x16xf32>
    tpu.vector_store %arg14[%swap3A_532, %swap3A_533], %swap3A_536 {strides = array<i32>} : memref<128x16xf32, #tpu.memory_space<vmem>>, vector<1x16xf32>,
    %broadcast_in_dim3A_537 = arith.constant 1.000000e+00 : f32
    %broadcast_in_dim3A_538 = vector.broadcast %broadcast_in_dim3A_537 : f32 to vector<16xf32>
    %swap3A_539 = arith.constant 67 : i32
    %swap3A_540 = arith.index_cast %swap3A_539 : i32 to index
    %swap3A_541 = arith.constant 0 : index
    %swap3A_542 = tpu.vector_load %arg14[%swap3A_540, %swap3A_541] {strides = array<i32>} : memref<128x16xf32, #tpu.memory_space<vmem>>, vector<1x16xf32>,
    %swap3A_543 = vector.shape_cast %swap3A_542 : vector<1x16xf32> to vector<16xf32>
    %swap3A_544 = vector.shape_cast %broadcast_in_dim3A_538 : vector<16xf32> to vector<1x16xf32>
    tpu.vector_store %arg14[%swap3A_540, %swap3A_541], %swap3A_544 {strides = array<i32>} : memref<128x16xf32, #tpu.memory_space<vmem>>, vector<1x16xf32>,
    %broadcast_in_dim3A_545 = arith.constant 1.000000e+00 : f32
    %broadcast_in_dim3A_546 = vector.broadcast %broadcast_in_dim3A_545 : f32 to vector<16xf32>
    %swap3A_547 = arith.constant 68 : i32
    %swap3A_548 = arith.index_cast %swap3A_547 : i32 to index
    %swap3A_549 = arith.constant 0 : index
    %swap3A_550 = tpu.vector_load %arg14[%swap3A_548, %swap3A_549] {strides = array<i32>} : memref<128x16xf32, #tpu.memory_space<vmem>>, vector<1x16xf32>,
    %swap3A_551 = vector.shape_cast %swap3A_550 : vector<1x16xf32> to vector<16xf32>
    %swap3A_552 = vector.shape_cast %broadcast_in_dim3A_546 : vector<16xf32> to vector<1x16xf32>
    tpu.vector_store %arg14[%swap3A_548, %swap3A_549], %swap3A_552 {strides = array<i32>} : memref<128x16xf32, #tpu.memory_space<vmem>>, vector<1x16xf32>,
    %broadcast_in_dim3A_553 = arith.constant 1.000000e+00 : f32
    %broadcast_in_dim3A_554 = vector.broadcast %broadcast_in_dim3A_553 : f32 to vector<16xf32>
    %swap3A_555 = arith.constant 69 : i32
    %swap3A_556 = arith.index_cast %swap3A_555 : i32 to index
    %swap3A_557 = arith.constant 0 : index
    %swap3A_558 = tpu.vector_load %arg14[%swap3A_556, %swap3A_557] {strides = array<i32>} : memref<128x16xf32, #tpu.memory_space<vmem>>, vector<1x16xf32>,
    %swap3A_559 = vector.shape_cast %swap3A_558 : vector<1x16xf32> to vector<16xf32>
    %swap3A_560 = vector.shape_cast %broadcast_in_dim3A_554 : vector<16xf32> to vector<1x16xf32>
    tpu.vector_store %arg14[%swap3A_556, %swap3A_557], %swap3A_560 {strides = array<i32>} : memref<128x16xf32, #tpu.memory_space<vmem>>, vector<1x16xf32>,
    %broadcast_in_dim3A_561 = arith.constant 1.000000e+00 : f32
    %broadcast_in_dim3A_562 = vector.broadcast %broadcast_in_dim3A_561 : f32 to vector<16xf32>
    %swap3A_563 = arith.constant 70 : i32
    %swap3A_564 = arith.index_cast %swap3A_563 : i32 to index
    %swap3A_565 = arith.constant 0 : index
    %swap3A_566 = tpu.vector_load %arg14[%swap3A_564, %swap3A_565] {strides = array<i32>} : memref<128x16xf32, #tpu.memory_space<vmem>>, vector<1x16xf32>,
    %swap3A_567 = vector.shape_cast %swap3A_566 : vector<1x16xf32> to vector<16xf32>
    %swap3A_568 = vector.shape_cast %broadcast_in_dim3A_562 : vector<16xf32> to vector<1x16xf32>
    tpu.vector_store %arg14[%swap3A_564, %swap3A_565], %swap3A_568 {strides = array<i32>} : memref<128x16xf32, #tpu.memory_space<vmem>>, vector<1x16xf32>,
    %broadcast_in_dim3A_569 = arith.constant 1.000000e+00 : f32
    %broadcast_in_dim3A_570 = vector.broadcast %broadcast_in_dim3A_569 : f32 to vector<16xf32>
    %swap3A_571 = arith.constant 71 : i32
    %swap3A_572 = arith.index_cast %swap3A_571 : i32 to index
    %swap3A_573 = arith.constant 0 : index
    %swap3A_574 = tpu.vector_load %arg14[%swap3A_572, %swap3A_573] {strides = array<i32>} : memref<128x16xf32, #tpu.memory_space<vmem>>, vector<1x16xf32>,
    %swap3A_575 = vector.shape_cast %swap3A_574 : vector<1x16xf32> to vector<16xf32>
    %swap3A_576 = vector.shape_cast %broadcast_in_dim3A_570 : vector<16xf32> to vector<1x16xf32>
    tpu.vector_store %arg14[%swap3A_572, %swap3A_573], %swap3A_576 {strides = array<i32>} : memref<128x16xf32, #tpu.memory_space<vmem>>, vector<1x16xf32>,
    %broadcast_in_dim3A_577 = arith.constant 1.000000e+00 : f32
    %broadcast_in_dim3A_578 = vector.broadcast %broadcast_in_dim3A_577 : f32 to vector<16xf32>
    %swap3A_579 = arith.constant 72 : i32
    %swap3A_580 = arith.index_cast %swap3A_579 : i32 to index
    %swap3A_581 = arith.constant 0 : index
    %swap3A_582 = tpu.vector_load %arg14[%swap3A_580, %swap3A_581] {strides = array<i32>} : memref<128x16xf32, #tpu.memory_space<vmem>>, vector<1x16xf32>,
    %swap3A_583 = vector.shape_cast %swap3A_582 : vector<1x16xf32> to vector<16xf32>
    %swap3A_584 = vector.shape_cast %broadcast_in_dim3A_578 : vector<16xf32> to vector<1x16xf32>
    tpu.vector_store %arg14[%swap3A_580, %swap3A_581], %swap3A_584 {strides = array<i32>} : memref<128x16xf32, #tpu.memory_space<vmem>>, vector<1x16xf32>,
    %broadcast_in_dim3A_585 = arith.constant 1.000000e+00 : f32
    %broadcast_in_dim3A_586 = vector.broadcast %broadcast_in_dim3A_585 : f32 to vector<16xf32>
    %swap3A_587 = arith.constant 73 : i32
    %swap3A_588 = arith.index_cast %swap3A_587 : i32 to index
    %swap3A_589 = arith.constant 0 : index
    %swap3A_590 = tpu.vector_load %arg14[%swap3A_588, %swap3A_589] {strides = array<i32>} : memref<128x16xf32, #tpu.memory_space<vmem>>, vector<1x16xf32>,
    %swap3A_591 = vector.shape_cast %swap3A_590 : vector<1x16xf32> to vector<16xf32>
    %swap3A_592 = vector.shape_cast %broadcast_in_dim3A_586 : vector<16xf32> to vector<1x16xf32>
    tpu.vector_store %arg14[%swap3A_588, %swap3A_589], %swap3A_592 {strides = array<i32>} : memref<128x16xf32, #tpu.memory_space<vmem>>, vector<1x16xf32>,
    %broadcast_in_dim3A_593 = arith.constant 1.000000e+00 : f32
    %broadcast_in_dim3A_594 = vector.broadcast %broadcast_in_dim3A_593 : f32 to vector<16xf32>
    %swap3A_595 = arith.constant 74 : i32
    %swap3A_596 = arith.index_cast %swap3A_595 : i32 to index
    %swap3A_597 = arith.constant 0 : index
    %swap3A_598 = tpu.vector_load %arg14[%swap3A_596, %swap3A_597] {strides = array<i32>} : memref<128x16xf32, #tpu.memory_space<vmem>>, vector<1x16xf32>,
    %swap3A_599 = vector.shape_cast %swap3A_598 : vector<1x16xf32> to vector<16xf32>
    %swap3A_600 = vector.shape_cast %broadcast_in_dim3A_594 : vector<16xf32> to vector<1x16xf32>
    tpu.vector_store %arg14[%swap3A_596, %swap3A_597], %swap3A_600 {strides = array<i32>} : memref<128x16xf32, #tpu.memory_space<vmem>>, vector<1x16xf32>,
    %broadcast_in_dim3A_601 = arith.constant 1.000000e+00 : f32
    %broadcast_in_dim3A_602 = vector.broadcast %broadcast_in_dim3A_601 : f32 to vector<16xf32>
    %swap3A_603 = arith.constant 75 : i32
    %swap3A_604 = arith.index_cast %swap3A_603 : i32 to index
    %swap3A_605 = arith.constant 0 : index
    %swap3A_606 = tpu.vector_load %arg14[%swap3A_604, %swap3A_605] {strides = array<i32>} : memref<128x16xf32, #tpu.memory_space<vmem>>, vector<1x16xf32>,
    %swap3A_607 = vector.shape_cast %swap3A_606 : vector<1x16xf32> to vector<16xf32>
    %swap3A_608 = vector.shape_cast %broadcast_in_dim3A_602 : vector<16xf32> to vector<1x16xf32>
    tpu.vector_store %arg14[%swap3A_604, %swap3A_605], %swap3A_608 {strides = array<i32>} : memref<128x16xf32, #tpu.memory_space<vmem>>, vector<1x16xf32>,
    %broadcast_in_dim3A_609 = arith.constant 1.000000e+00 : f32
    %broadcast_in_dim3A_610 = vector.broadcast %broadcast_in_dim3A_609 : f32 to vector<16xf32>
    %swap3A_611 = arith.constant 76 : i32
    %swap3A_612 = arith.index_cast %swap3A_611 : i32 to index
    %swap3A_613 = arith.constant 0 : index
    %swap3A_614 = tpu.vector_load %arg14[%swap3A_612, %swap3A_613] {strides = array<i32>} : memref<128x16xf32, #tpu.memory_space<vmem>>, vector<1x16xf32>,
    %swap3A_615 = vector.shape_cast %swap3A_614 : vector<1x16xf32> to vector<16xf32>
    %swap3A_616 = vector.shape_cast %broadcast_in_dim3A_610 : vector<16xf32> to vector<1x16xf32>
    tpu.vector_store %arg14[%swap3A_612, %swap3A_613], %swap3A_616 {strides = array<i32>} : memref<128x16xf32, #tpu.memory_space<vmem>>, vector<1x16xf32>,
    %broadcast_in_dim3A_617 = arith.constant 1.000000e+00 : f32
    %broadcast_in_dim3A_618 = vector.broadcast %broadcast_in_dim3A_617 : f32 to vector<16xf32>
    %swap3A_619 = arith.constant 77 : i32
    %swap3A_620 = arith.index_cast %swap3A_619 : i32 to index
    %swap3A_621 = arith.constant 0 : index
    %swap3A_622 = tpu.vector_load %arg14[%swap3A_620, %swap3A_621] {strides = array<i32>} : memref<128x16xf32, #tpu.memory_space<vmem>>, vector<1x16xf32>,
    %swap3A_623 = vector.shape_cast %swap3A_622 : vector<1x16xf32> to vector<16xf32>
    %swap3A_624 = vector.shape_cast %broadcast_in_dim3A_618 : vector<16xf32> to vector<1x16xf32>
    tpu.vector_store %arg14[%swap3A_620, %swap3A_621], %swap3A_624 {strides = array<i32>} : memref<128x16xf32, #tpu.memory_space<vmem>>, vector<1x16xf32>,
    %broadcast_in_dim3A_625 = arith.constant 1.000000e+00 : f32
    %broadcast_in_dim3A_626 = vector.broadcast %broadcast_in_dim3A_625 : f32 to vector<16xf32>
    %swap3A_627 = arith.constant 78 : i32
    %swap3A_628 = arith.index_cast %swap3A_627 : i32 to index
    %swap3A_629 = arith.constant 0 : index
    %swap3A_630 = tpu.vector_load %arg14[%swap3A_628, %swap3A_629] {strides = array<i32>} : memref<128x16xf32, #tpu.memory_space<vmem>>, vector<1x16xf32>,
    %swap3A_631 = vector.shape_cast %swap3A_630 : vector<1x16xf32> to vector<16xf32>
    %swap3A_632 = vector.shape_cast %broadcast_in_dim3A_626 : vector<16xf32> to vector<1x16xf32>
    tpu.vector_store %arg14[%swap3A_628, %swap3A_629], %swap3A_632 {strides = array<i32>} : memref<128x16xf32, #tpu.memory_space<vmem>>, vector<1x16xf32>,
    %broadcast_in_dim3A_633 = arith.constant 1.000000e+00 : f32
    %broadcast_in_dim3A_634 = vector.broadcast %broadcast_in_dim3A_633 : f32 to vector<16xf32>
    %swap3A_635 = arith.constant 79 : i32
    %swap3A_636 = arith.index_cast %swap3A_635 : i32 to index
    %swap3A_637 = arith.constant 0 : index
    %swap3A_638 = tpu.vector_load %arg14[%swap3A_636, %swap3A_637] {strides = array<i32>} : memref<128x16xf32, #tpu.memory_space<vmem>>, vector<1x16xf32>,
    %swap3A_639 = vector.shape_cast %swap3A_638 : vector<1x16xf32> to vector<16xf32>
    %swap3A_640 = vector.shape_cast %broadcast_in_dim3A_634 : vector<16xf32> to vector<1x16xf32>
    tpu.vector_store %arg14[%swap3A_636, %swap3A_637], %swap3A_640 {strides = array<i32>} : memref<128x16xf32, #tpu.memory_space<vmem>>, vector<1x16xf32>,
    %broadcast_in_dim3A_641 = arith.constant 1.000000e+00 : f32
    %broadcast_in_dim3A_642 = vector.broadcast %broadcast_in_dim3A_641 : f32 to vector<16xf32>
    %swap3A_643 = arith.constant 80 : i32
    %swap3A_644 = arith.index_cast %swap3A_643 : i32 to index
    %swap3A_645 = arith.constant 0 : index
    %swap3A_646 = tpu.vector_load %arg14[%swap3A_644, %swap3A_645] {strides = array<i32>} : memref<128x16xf32, #tpu.memory_space<vmem>>, vector<1x16xf32>,
    %swap3A_647 = vector.shape_cast %swap3A_646 : vector<1x16xf32> to vector<16xf32>
    %swap3A_648 = vector.shape_cast %broadcast_in_dim3A_642 : vector<16xf32> to vector<1x16xf32>
    tpu.vector_store %arg14[%swap3A_644, %swap3A_645], %swap3A_648 {strides = array<i32>} : memref<128x16xf32, #tpu.memory_space<vmem>>, vector<1x16xf32>,
    %broadcast_in_dim3A_649 = arith.constant 1.000000e+00 : f32
    %broadcast_in_dim3A_650 = vector.broadcast %broadcast_in_dim3A_649 : f32 to vector<16xf32>
    %swap3A_651 = arith.constant 81 : i32
    %swap3A_652 = arith.index_cast %swap3A_651 : i32 to index
    %swap3A_653 = arith.constant 0 : index
    %swap3A_654 = tpu.vector_load %arg14[%swap3A_652, %swap3A_653] {strides = array<i32>} : memref<128x16xf32, #tpu.memory_space<vmem>>, vector<1x16xf32>,
    %swap3A_655 = vector.shape_cast %swap3A_654 : vector<1x16xf32> to vector<16xf32>
    %swap3A_656 = vector.shape_cast %broadcast_in_dim3A_650 : vector<16xf32> to vector<1x16xf32>
    tpu.vector_store %arg14[%swap3A_652, %swap3A_653], %swap3A_656 {strides = array<i32>} : memref<128x16xf32, #tpu.memory_space<vmem>>, vector<1x16xf32>,
    %broadcast_in_dim3A_657 = arith.constant 1.000000e+00 : f32
    %broadcast_in_dim3A_658 = vector.broadcast %broadcast_in_dim3A_657 : f32 to vector<16xf32>
    %swap3A_659 = arith.constant 82 : i32
    %swap3A_660 = arith.index_cast %swap3A_659 : i32 to index
    %swap3A_661 = arith.constant 0 : index
    %swap3A_662 = tpu.vector_load %arg14[%swap3A_660, %swap3A_661] {strides = array<i32>} : memref<128x16xf32, #tpu.memory_space<vmem>>, vector<1x16xf32>,
    %swap3A_663 = vector.shape_cast %swap3A_662 : vector<1x16xf32> to vector<16xf32>
    %swap3A_664 = vector.shape_cast %broadcast_in_dim3A_658 : vector<16xf32> to vector<1x16xf32>
    tpu.vector_store %arg14[%swap3A_660, %swap3A_661], %swap3A_664 {strides = array<i32>} : memref<128x16xf32, #tpu.memory_space<vmem>>, vector<1x16xf32>,
    %broadcast_in_dim3A_665 = arith.constant 1.000000e+00 : f32
    %broadcast_in_dim3A_666 = vector.broadcast %broadcast_in_dim3A_665 : f32 to vector<16xf32>
    %swap3A_667 = arith.constant 83 : i32
    %swap3A_668 = arith.index_cast %swap3A_667 : i32 to index
    %swap3A_669 = arith.constant 0 : index
    %swap3A_670 = tpu.vector_load %arg14[%swap3A_668, %swap3A_669] {strides = array<i32>} : memref<128x16xf32, #tpu.memory_space<vmem>>, vector<1x16xf32>,
    %swap3A_671 = vector.shape_cast %swap3A_670 : vector<1x16xf32> to vector<16xf32>
    %swap3A_672 = vector.shape_cast %broadcast_in_dim3A_666 : vector<16xf32> to vector<1x16xf32>
    tpu.vector_store %arg14[%swap3A_668, %swap3A_669], %swap3A_672 {strides = array<i32>} : memref<128x16xf32, #tpu.memory_space<vmem>>, vector<1x16xf32>,
    %broadcast_in_dim3A_673 = arith.constant 1.000000e+00 : f32
    %broadcast_in_dim3A_674 = vector.broadcast %broadcast_in_dim3A_673 : f32 to vector<16xf32>
    %swap3A_675 = arith.constant 84 : i32
    %swap3A_676 = arith.index_cast %swap3A_675 : i32 to index
    %swap3A_677 = arith.constant 0 : index
    %swap3A_678 = tpu.vector_load %arg14[%swap3A_676, %swap3A_677] {strides = array<i32>} : memref<128x16xf32, #tpu.memory_space<vmem>>, vector<1x16xf32>,
    %swap3A_679 = vector.shape_cast %swap3A_678 : vector<1x16xf32> to vector<16xf32>
    %swap3A_680 = vector.shape_cast %broadcast_in_dim3A_674 : vector<16xf32> to vector<1x16xf32>
    tpu.vector_store %arg14[%swap3A_676, %swap3A_677], %swap3A_680 {strides = array<i32>} : memref<128x16xf32, #tpu.memory_space<vmem>>, vector<1x16xf32>,
    %broadcast_in_dim3A_681 = arith.constant 1.000000e+00 : f32
    %broadcast_in_dim3A_682 = vector.broadcast %broadcast_in_dim3A_681 : f32 to vector<16xf32>
    %swap3A_683 = arith.constant 85 : i32
    %swap3A_684 = arith.index_cast %swap3A_683 : i32 to index
    %swap3A_685 = arith.constant 0 : index
    %swap3A_686 = tpu.vector_load %arg14[%swap3A_684, %swap3A_685] {strides = array<i32>} : memref<128x16xf32, #tpu.memory_space<vmem>>, vector<1x16xf32>,
    %swap3A_687 = vector.shape_cast %swap3A_686 : vector<1x16xf32> to vector<16xf32>
    %swap3A_688 = vector.shape_cast %broadcast_in_dim3A_682 : vector<16xf32> to vector<1x16xf32>
    tpu.vector_store %arg14[%swap3A_684, %swap3A_685], %swap3A_688 {strides = array<i32>} : memref<128x16xf32, #tpu.memory_space<vmem>>, vector<1x16xf32>,
    %broadcast_in_dim3A_689 = arith.constant 1.000000e+00 : f32
    %broadcast_in_dim3A_690 = vector.broadcast %broadcast_in_dim3A_689 : f32 to vector<16xf32>
    %swap3A_691 = arith.constant 86 : i32
    %swap3A_692 = arith.index_cast %swap3A_691 : i32 to index
    %swap3A_693 = arith.constant 0 : index
    %swap3A_694 = tpu.vector_load %arg14[%swap3A_692, %swap3A_693] {strides = array<i32>} : memref<128x16xf32, #tpu.memory_space<vmem>>, vector<1x16xf32>,
    %swap3A_695 = vector.shape_cast %swap3A_694 : vector<1x16xf32> to vector<16xf32>
    %swap3A_696 = vector.shape_cast %broadcast_in_dim3A_690 : vector<16xf32> to vector<1x16xf32>
    tpu.vector_store %arg14[%swap3A_692, %swap3A_693], %swap3A_696 {strides = array<i32>} : memref<128x16xf32, #tpu.memory_space<vmem>>, vector<1x16xf32>,
    %broadcast_in_dim3A_697 = arith.constant 1.000000e+00 : f32
    %broadcast_in_dim3A_698 = vector.broadcast %broadcast_in_dim3A_697 : f32 to vector<16xf32>
    %swap3A_699 = arith.constant 87 : i32
    %swap3A_700 = arith.index_cast %swap3A_699 : i32 to index
    %swap3A_701 = arith.constant 0 : index
    %swap3A_702 = tpu.vector_load %arg14[%swap3A_700, %swap3A_701] {strides = array<i32>} : memref<128x16xf32, #tpu.memory_space<vmem>>, vector<1x16xf32>,
    %swap3A_703 = vector.shape_cast %swap3A_702 : vector<1x16xf32> to vector<16xf32>
    %swap3A_704 = vector.shape_cast %broadcast_in_dim3A_698 : vector<16xf32> to vector<1x16xf32>
    tpu.vector_store %arg14[%swap3A_700, %swap3A_701], %swap3A_704 {strides = array<i32>} : memref<128x16xf32, #tpu.memory_space<vmem>>, vector<1x16xf32>,
    %broadcast_in_dim3A_705 = arith.constant 1.000000e+00 : f32
    %broadcast_in_dim3A_706 = vector.broadcast %broadcast_in_dim3A_705 : f32 to vector<16xf32>
    %swap3A_707 = arith.constant 88 : i32
    %swap3A_708 = arith.index_cast %swap3A_707 : i32 to index
    %swap3A_709 = arith.constant 0 : index
    %swap3A_710 = tpu.vector_load %arg14[%swap3A_708, %swap3A_709] {strides = array<i32>} : memref<128x16xf32, #tpu.memory_space<vmem>>, vector<1x16xf32>,
    %swap3A_711 = vector.shape_cast %swap3A_710 : vector<1x16xf32> to vector<16xf32>
    %swap3A_712 = vector.shape_cast %broadcast_in_dim3A_706 : vector<16xf32> to vector<1x16xf32>
    tpu.vector_store %arg14[%swap3A_708, %swap3A_709], %swap3A_712 {strides = array<i32>} : memref<128x16xf32, #tpu.memory_space<vmem>>, vector<1x16xf32>,
    %broadcast_in_dim3A_713 = arith.constant 1.000000e+00 : f32
    %broadcast_in_dim3A_714 = vector.broadcast %broadcast_in_dim3A_713 : f32 to vector<16xf32>
    %swap3A_715 = arith.constant 89 : i32
    %swap3A_716 = arith.index_cast %swap3A_715 : i32 to index
    %swap3A_717 = arith.constant 0 : index
    %swap3A_718 = tpu.vector_load %arg14[%swap3A_716, %swap3A_717] {strides = array<i32>} : memref<128x16xf32, #tpu.memory_space<vmem>>, vector<1x16xf32>,
    %swap3A_719 = vector.shape_cast %swap3A_718 : vector<1x16xf32> to vector<16xf32>
    %swap3A_720 = vector.shape_cast %broadcast_in_dim3A_714 : vector<16xf32> to vector<1x16xf32>
    tpu.vector_store %arg14[%swap3A_716, %swap3A_717], %swap3A_720 {strides = array<i32>} : memref<128x16xf32, #tpu.memory_space<vmem>>, vector<1x16xf32>,
    %broadcast_in_dim3A_721 = arith.constant 1.000000e+00 : f32
    %broadcast_in_dim3A_722 = vector.broadcast %broadcast_in_dim3A_721 : f32 to vector<16xf32>
    %swap3A_723 = arith.constant 90 : i32
    %swap3A_724 = arith.index_cast %swap3A_723 : i32 to index
    %swap3A_725 = arith.constant 0 : index
    %swap3A_726 = tpu.vector_load %arg14[%swap3A_724, %swap3A_725] {strides = array<i32>} : memref<128x16xf32, #tpu.memory_space<vmem>>, vector<1x16xf32>,
    %swap3A_727 = vector.shape_cast %swap3A_726 : vector<1x16xf32> to vector<16xf32>
    %swap3A_728 = vector.shape_cast %broadcast_in_dim3A_722 : vector<16xf32> to vector<1x16xf32>
    tpu.vector_store %arg14[%swap3A_724, %swap3A_725], %swap3A_728 {strides = array<i32>} : memref<128x16xf32, #tpu.memory_space<vmem>>, vector<1x16xf32>,
    %broadcast_in_dim3A_729 = arith.constant 1.000000e+00 : f32
    %broadcast_in_dim3A_730 = vector.broadcast %broadcast_in_dim3A_729 : f32 to vector<16xf32>
    %swap3A_731 = arith.constant 91 : i32
    %swap3A_732 = arith.index_cast %swap3A_731 : i32 to index
    %swap3A_733 = arith.constant 0 : index
    %swap3A_734 = tpu.vector_load %arg14[%swap3A_732, %swap3A_733] {strides = array<i32>} : memref<128x16xf32, #tpu.memory_space<vmem>>, vector<1x16xf32>,
    %swap3A_735 = vector.shape_cast %swap3A_734 : vector<1x16xf32> to vector<16xf32>
    %swap3A_736 = vector.shape_cast %broadcast_in_dim3A_730 : vector<16xf32> to vector<1x16xf32>
    tpu.vector_store %arg14[%swap3A_732, %swap3A_733], %swap3A_736 {strides = array<i32>} : memref<128x16xf32, #tpu.memory_space<vmem>>, vector<1x16xf32>,
    %broadcast_in_dim3A_737 = arith.constant 1.000000e+00 : f32
    %broadcast_in_dim3A_738 = vector.broadcast %broadcast_in_dim3A_737 : f32 to vector<16xf32>
    %swap3A_739 = arith.constant 92 : i32
    %swap3A_740 = arith.index_cast %swap3A_739 : i32 to index
    %swap3A_741 = arith.constant 0 : index
    %swap3A_742 = tpu.vector_load %arg14[%swap3A_740, %swap3A_741] {strides = array<i32>} : memref<128x16xf32, #tpu.memory_space<vmem>>, vector<1x16xf32>,
    %swap3A_743 = vector.shape_cast %swap3A_742 : vector<1x16xf32> to vector<16xf32>
    %swap3A_744 = vector.shape_cast %broadcast_in_dim3A_738 : vector<16xf32> to vector<1x16xf32>
    tpu.vector_store %arg14[%swap3A_740, %swap3A_741], %swap3A_744 {strides = array<i32>} : memref<128x16xf32, #tpu.memory_space<vmem>>, vector<1x16xf32>,
    %broadcast_in_dim3A_745 = arith.constant 1.000000e+00 : f32
    %broadcast_in_dim3A_746 = vector.broadcast %broadcast_in_dim3A_745 : f32 to vector<16xf32>
    %swap3A_747 = arith.constant 93 : i32
    %swap3A_748 = arith.index_cast %swap3A_747 : i32 to index
    %swap3A_749 = arith.constant 0 : index
    %swap3A_750 = tpu.vector_load %arg14[%swap3A_748, %swap3A_749] {strides = array<i32>} : memref<128x16xf32, #tpu.memory_space<vmem>>, vector<1x16xf32>,
    %swap3A_751 = vector.shape_cast %swap3A_750 : vector<1x16xf32> to vector<16xf32>
    %swap3A_752 = vector.shape_cast %broadcast_in_dim3A_746 : vector<16xf32> to vector<1x16xf32>
    tpu.vector_store %arg14[%swap3A_748, %swap3A_749], %swap3A_752 {strides = array<i32>} : memref<128x16xf32, #tpu.memory_space<vmem>>, vector<1x16xf32>,
    %broadcast_in_dim3A_753 = arith.constant 1.000000e+00 : f32
    %broadcast_in_dim3A_754 = vector.broadcast %broadcast_in_dim3A_753 : f32 to vector<16xf32>
    %swap3A_755 = arith.constant 94 : i32
    %swap3A_756 = arith.index_cast %swap3A_755 : i32 to index
    %swap3A_757 = arith.constant 0 : index
    %swap3A_758 = tpu.vector_load %arg14[%swap3A_756, %swap3A_757] {strides = array<i32>} : memref<128x16xf32, #tpu.memory_space<vmem>>, vector<1x16xf32>,
    %swap3A_759 = vector.shape_cast %swap3A_758 : vector<1x16xf32> to vector<16xf32>
    %swap3A_760 = vector.shape_cast %broadcast_in_dim3A_754 : vector<16xf32> to vector<1x16xf32>
    tpu.vector_store %arg14[%swap3A_756, %swap3A_757], %swap3A_760 {strides = array<i32>} : memref<128x16xf32, #tpu.memory_space<vmem>>, vector<1x16xf32>,
    %broadcast_in_dim3A_761 = arith.constant 1.000000e+00 : f32
    %broadcast_in_dim3A_762 = vector.broadcast %broadcast_in_dim3A_761 : f32 to vector<16xf32>
    %swap3A_763 = arith.constant 95 : i32
    %swap3A_764 = arith.index_cast %swap3A_763 : i32 to index
    %swap3A_765 = arith.constant 0 : index
    %swap3A_766 = tpu.vector_load %arg14[%swap3A_764, %swap3A_765] {strides = array<i32>} : memref<128x16xf32, #tpu.memory_space<vmem>>, vector<1x16xf32>,
    %swap3A_767 = vector.shape_cast %swap3A_766 : vector<1x16xf32> to vector<16xf32>
    %swap3A_768 = vector.shape_cast %broadcast_in_dim3A_762 : vector<16xf32> to vector<1x16xf32>
    tpu.vector_store %arg14[%swap3A_764, %swap3A_765], %swap3A_768 {strides = array<i32>} : memref<128x16xf32, #tpu.memory_space<vmem>>, vector<1x16xf32>,
    %broadcast_in_dim3A_769 = arith.constant 1.000000e+00 : f32
    %broadcast_in_dim3A_770 = vector.broadcast %broadcast_in_dim3A_769 : f32 to vector<16xf32>
    %swap3A_771 = arith.constant 96 : i32
    %swap3A_772 = arith.index_cast %swap3A_771 : i32 to index
    %swap3A_773 = arith.constant 0 : index
    %swap3A_774 = tpu.vector_load %arg14[%swap3A_772, %swap3A_773] {strides = array<i32>} : memref<128x16xf32, #tpu.memory_space<vmem>>, vector<1x16xf32>,
    %swap3A_775 = vector.shape_cast %swap3A_774 : vector<1x16xf32> to vector<16xf32>
    %swap3A_776 = vector.shape_cast %broadcast_in_dim3A_770 : vector<16xf32> to vector<1x16xf32>
    tpu.vector_store %arg14[%swap3A_772, %swap3A_773], %swap3A_776 {strides = array<i32>} : memref<128x16xf32, #tpu.memory_space<vmem>>, vector<1x16xf32>,
    %broadcast_in_dim3A_777 = arith.constant 1.000000e+00 : f32
    %broadcast_in_dim3A_778 = vector.broadcast %broadcast_in_dim3A_777 : f32 to vector<16xf32>
    %swap3A_779 = arith.constant 97 : i32
    %swap3A_780 = arith.index_cast %swap3A_779 : i32 to index
    %swap3A_781 = arith.constant 0 : index
    %swap3A_782 = tpu.vector_load %arg14[%swap3A_780, %swap3A_781] {strides = array<i32>} : memref<128x16xf32, #tpu.memory_space<vmem>>, vector<1x16xf32>,
    %swap3A_783 = vector.shape_cast %swap3A_782 : vector<1x16xf32> to vector<16xf32>
    %swap3A_784 = vector.shape_cast %broadcast_in_dim3A_778 : vector<16xf32> to vector<1x16xf32>
    tpu.vector_store %arg14[%swap3A_780, %swap3A_781], %swap3A_784 {strides = array<i32>} : memref<128x16xf32, #tpu.memory_space<vmem>>, vector<1x16xf32>,
    %broadcast_in_dim3A_785 = arith.constant 1.000000e+00 : f32
    %broadcast_in_dim3A_786 = vector.broadcast %broadcast_in_dim3A_785 : f32 to vector<16xf32>
    %swap3A_787 = arith.constant 98 : i32
    %swap3A_788 = arith.index_cast %swap3A_787 : i32 to index
    %swap3A_789 = arith.constant 0 : index
    %swap3A_790 = tpu.vector_load %arg14[%swap3A_788, %swap3A_789] {strides = array<i32>} : memref<128x16xf32, #tpu.memory_space<vmem>>, vector<1x16xf32>,
    %swap3A_791 = vector.shape_cast %swap3A_790 : vector<1x16xf32> to vector<16xf32>
    %swap3A_792 = vector.shape_cast %broadcast_in_dim3A_786 : vector<16xf32> to vector<1x16xf32>
    tpu.vector_store %arg14[%swap3A_788, %swap3A_789], %swap3A_792 {strides = array<i32>} : memref<128x16xf32, #tpu.memory_space<vmem>>, vector<1x16xf32>,
    %broadcast_in_dim3A_793 = arith.constant 1.000000e+00 : f32
    %broadcast_in_dim3A_794 = vector.broadcast %broadcast_in_dim3A_793 : f32 to vector<16xf32>
    %swap3A_795 = arith.constant 99 : i32
    %swap3A_796 = arith.index_cast %swap3A_795 : i32 to index
    %swap3A_797 = arith.constant 0 : index
    %swap3A_798 = tpu.vector_load %arg14[%swap3A_796, %swap3A_797] {strides = array<i32>} : memref<128x16xf32, #tpu.memory_space<vmem>>, vector<1x16xf32>,
    %swap3A_799 = vector.shape_cast %swap3A_798 : vector<1x16xf32> to vector<16xf32>
    %swap3A_800 = vector.shape_cast %broadcast_in_dim3A_794 : vector<16xf32> to vector<1x16xf32>
    tpu.vector_store %arg14[%swap3A_796, %swap3A_797], %swap3A_800 {strides = array<i32>} : memref<128x16xf32, #tpu.memory_space<vmem>>, vector<1x16xf32>,
    %broadcast_in_dim3A_801 = arith.constant 1.000000e+00 : f32
    %broadcast_in_dim3A_802 = vector.broadcast %broadcast_in_dim3A_801 : f32 to vector<16xf32>
    %swap3A_803 = arith.constant 100 : i32
    %swap3A_804 = arith.index_cast %swap3A_803 : i32 to index
    %swap3A_805 = arith.constant 0 : index
    %swap3A_806 = tpu.vector_load %arg14[%swap3A_804, %swap3A_805] {strides = array<i32>} : memref<128x16xf32, #tpu.memory_space<vmem>>, vector<1x16xf32>,
    %swap3A_807 = vector.shape_cast %swap3A_806 : vector<1x16xf32> to vector<16xf32>
    %swap3A_808 = vector.shape_cast %broadcast_in_dim3A_802 : vector<16xf32> to vector<1x16xf32>
    tpu.vector_store %arg14[%swap3A_804, %swap3A_805], %swap3A_808 {strides = array<i32>} : memref<128x16xf32, #tpu.memory_space<vmem>>, vector<1x16xf32>,
    %broadcast_in_dim3A_809 = arith.constant 1.000000e+00 : f32
    %broadcast_in_dim3A_810 = vector.broadcast %broadcast_in_dim3A_809 : f32 to vector<16xf32>
    %swap3A_811 = arith.constant 101 : i32
    %swap3A_812 = arith.index_cast %swap3A_811 : i32 to index
    %swap3A_813 = arith.constant 0 : index
    %swap3A_814 = tpu.vector_load %arg14[%swap3A_812, %swap3A_813] {strides = array<i32>} : memref<128x16xf32, #tpu.memory_space<vmem>>, vector<1x16xf32>,
    %swap3A_815 = vector.shape_cast %swap3A_814 : vector<1x16xf32> to vector<16xf32>
    %swap3A_816 = vector.shape_cast %broadcast_in_dim3A_810 : vector<16xf32> to vector<1x16xf32>
    tpu.vector_store %arg14[%swap3A_812, %swap3A_813], %swap3A_816 {strides = array<i32>} : memref<128x16xf32, #tpu.memory_space<vmem>>, vector<1x16xf32>,
    %broadcast_in_dim3A_817 = arith.constant 1.000000e+00 : f32
    %broadcast_in_dim3A_818 = vector.broadcast %broadcast_in_dim3A_817 : f32 to vector<16xf32>
    %swap3A_819 = arith.constant 102 : i32
    %swap3A_820 = arith.index_cast %swap3A_819 : i32 to index
    %swap3A_821 = arith.constant 0 : index
    %swap3A_822 = tpu.vector_load %arg14[%swap3A_820, %swap3A_821] {strides = array<i32>} : memref<128x16xf32, #tpu.memory_space<vmem>>, vector<1x16xf32>,
    %swap3A_823 = vector.shape_cast %swap3A_822 : vector<1x16xf32> to vector<16xf32>
    %swap3A_824 = vector.shape_cast %broadcast_in_dim3A_818 : vector<16xf32> to vector<1x16xf32>
    tpu.vector_store %arg14[%swap3A_820, %swap3A_821], %swap3A_824 {strides = array<i32>} : memref<128x16xf32, #tpu.memory_space<vmem>>, vector<1x16xf32>,
    %broadcast_in_dim3A_825 = arith.constant 1.000000e+00 : f32
    %broadcast_in_dim3A_826 = vector.broadcast %broadcast_in_dim3A_825 : f32 to vector<16xf32>
    %swap3A_827 = arith.constant 103 : i32
    %swap3A_828 = arith.index_cast %swap3A_827 : i32 to index
    %swap3A_829 = arith.constant 0 : index
    %swap3A_830 = tpu.vector_load %arg14[%swap3A_828, %swap3A_829] {strides = array<i32>} : memref<128x16xf32, #tpu.memory_space<vmem>>, vector<1x16xf32>,
    %swap3A_831 = vector.shape_cast %swap3A_830 : vector<1x16xf32> to vector<16xf32>
    %swap3A_832 = vector.shape_cast %broadcast_in_dim3A_826 : vector<16xf32> to vector<1x16xf32>
    tpu.vector_store %arg14[%swap3A_828, %swap3A_829], %swap3A_832 {strides = array<i32>} : memref<128x16xf32, #tpu.memory_space<vmem>>, vector<1x16xf32>,
    %broadcast_in_dim3A_833 = arith.constant 1.000000e+00 : f32
    %broadcast_in_dim3A_834 = vector.broadcast %broadcast_in_dim3A_833 : f32 to vector<16xf32>
    %swap3A_835 = arith.constant 104 : i32
    %swap3A_836 = arith.index_cast %swap3A_835 : i32 to index
    %swap3A_837 = arith.constant 0 : index
    %swap3A_838 = tpu.vector_load %arg14[%swap3A_836, %swap3A_837] {strides = array<i32>} : memref<128x16xf32, #tpu.memory_space<vmem>>, vector<1x16xf32>,
    %swap3A_839 = vector.shape_cast %swap3A_838 : vector<1x16xf32> to vector<16xf32>
    %swap3A_840 = vector.shape_cast %broadcast_in_dim3A_834 : vector<16xf32> to vector<1x16xf32>
    tpu.vector_store %arg14[%swap3A_836, %swap3A_837], %swap3A_840 {strides = array<i32>} : memref<128x16xf32, #tpu.memory_space<vmem>>, vector<1x16xf32>,
    %broadcast_in_dim3A_841 = arith.constant 1.000000e+00 : f32
    %broadcast_in_dim3A_842 = vector.broadcast %broadcast_in_dim3A_841 : f32 to vector<16xf32>
    %swap3A_843 = arith.constant 105 : i32
    %swap3A_844 = arith.index_cast %swap3A_843 : i32 to index
    %swap3A_845 = arith.constant 0 : index
    %swap3A_846 = tpu.vector_load %arg14[%swap3A_844, %swap3A_845] {strides = array<i32>} : memref<128x16xf32, #tpu.memory_space<vmem>>, vector<1x16xf32>,
    %swap3A_847 = vector.shape_cast %swap3A_846 : vector<1x16xf32> to vector<16xf32>
    %swap3A_848 = vector.shape_cast %broadcast_in_dim3A_842 : vector<16xf32> to vector<1x16xf32>
    tpu.vector_store %arg14[%swap3A_844, %swap3A_845], %swap3A_848 {strides = array<i32>} : memref<128x16xf32, #tpu.memory_space<vmem>>, vector<1x16xf32>,
    %broadcast_in_dim3A_849 = arith.constant 1.000000e+00 : f32
    %broadcast_in_dim3A_850 = vector.broadcast %broadcast_in_dim3A_849 : f32 to vector<16xf32>
    %swap3A_851 = arith.constant 106 : i32
    %swap3A_852 = arith.index_cast %swap3A_851 : i32 to index
    %swap3A_853 = arith.constant 0 : index
    %swap3A_854 = tpu.vector_load %arg14[%swap3A_852, %swap3A_853] {strides = array<i32>} : memref<128x16xf32, #tpu.memory_space<vmem>>, vector<1x16xf32>,
    %swap3A_855 = vector.shape_cast %swap3A_854 : vector<1x16xf32> to vector<16xf32>
    %swap3A_856 = vector.shape_cast %broadcast_in_dim3A_850 : vector<16xf32> to vector<1x16xf32>
    tpu.vector_store %arg14[%swap3A_852, %swap3A_853], %swap3A_856 {strides = array<i32>} : memref<128x16xf32, #tpu.memory_space<vmem>>, vector<1x16xf32>,
    %broadcast_in_dim3A_857 = arith.constant 1.000000e+00 : f32
    %broadcast_in_dim3A_858 = vector.broadcast %broadcast_in_dim3A_857 : f32 to vector<16xf32>
    %swap3A_859 = arith.constant 107 : i32
    %swap3A_860 = arith.index_cast %swap3A_859 : i32 to index
    %swap3A_861 = arith.constant 0 : index
    %swap3A_862 = tpu.vector_load %arg14[%swap3A_860, %swap3A_861] {strides = array<i32>} : memref<128x16xf32, #tpu.memory_space<vmem>>, vector<1x16xf32>,
    %swap3A_863 = vector.shape_cast %swap3A_862 : vector<1x16xf32> to vector<16xf32>
    %swap3A_864 = vector.shape_cast %broadcast_in_dim3A_858 : vector<16xf32> to vector<1x16xf32>
    tpu.vector_store %arg14[%swap3A_860, %swap3A_861], %swap3A_864 {strides = array<i32>} : memref<128x16xf32, #tpu.memory_space<vmem>>, vector<1x16xf32>,
    %broadcast_in_dim3A_865 = arith.constant 1.000000e+00 : f32
    %broadcast_in_dim3A_866 = vector.broadcast %broadcast_in_dim3A_865 : f32 to vector<16xf32>
    %swap3A_867 = arith.constant 108 : i32
    %swap3A_868 = arith.index_cast %swap3A_867 : i32 to index
    %swap3A_869 = arith.constant 0 : index
    %swap3A_870 = tpu.vector_load %arg14[%swap3A_868, %swap3A_869] {strides = array<i32>} : memref<128x16xf32, #tpu.memory_space<vmem>>, vector<1x16xf32>,
    %swap3A_871 = vector.shape_cast %swap3A_870 : vector<1x16xf32> to vector<16xf32>
    %swap3A_872 = vector.shape_cast %broadcast_in_dim3A_866 : vector<16xf32> to vector<1x16xf32>
    tpu.vector_store %arg14[%swap3A_868, %swap3A_869], %swap3A_872 {strides = array<i32>} : memref<128x16xf32, #tpu.memory_space<vmem>>, vector<1x16xf32>,
    %broadcast_in_dim3A_873 = arith.constant 1.000000e+00 : f32
    %broadcast_in_dim3A_874 = vector.broadcast %broadcast_in_dim3A_873 : f32 to vector<16xf32>
    %swap3A_875 = arith.constant 109 : i32
    %swap3A_876 = arith.index_cast %swap3A_875 : i32 to index
    %swap3A_877 = arith.constant 0 : index
    %swap3A_878 = tpu.vector_load %arg14[%swap3A_876, %swap3A_877] {strides = array<i32>} : memref<128x16xf32, #tpu.memory_space<vmem>>, vector<1x16xf32>,
    %swap3A_879 = vector.shape_cast %swap3A_878 : vector<1x16xf32> to vector<16xf32>
    %swap3A_880 = vector.shape_cast %broadcast_in_dim3A_874 : vector<16xf32> to vector<1x16xf32>
    tpu.vector_store %arg14[%swap3A_876, %swap3A_877], %swap3A_880 {strides = array<i32>} : memref<128x16xf32, #tpu.memory_space<vmem>>, vector<1x16xf32>,
    %broadcast_in_dim3A_881 = arith.constant 1.000000e+00 : f32
    %broadcast_in_dim3A_882 = vector.broadcast %broadcast_in_dim3A_881 : f32 to vector<16xf32>
    %swap3A_883 = arith.constant 110 : i32
    %swap3A_884 = arith.index_cast %swap3A_883 : i32 to index
    %swap3A_885 = arith.constant 0 : index
    %swap3A_886 = tpu.vector_load %arg14[%swap3A_884, %swap3A_885] {strides = array<i32>} : memref<128x16xf32, #tpu.memory_space<vmem>>, vector<1x16xf32>,
    %swap3A_887 = vector.shape_cast %swap3A_886 : vector<1x16xf32> to vector<16xf32>
    %swap3A_888 = vector.shape_cast %broadcast_in_dim3A_882 : vector<16xf32> to vector<1x16xf32>
    tpu.vector_store %arg14[%swap3A_884, %swap3A_885], %swap3A_888 {strides = array<i32>} : memref<128x16xf32, #tpu.memory_space<vmem>>, vector<1x16xf32>,
    %broadcast_in_dim3A_889 = arith.constant 1.000000e+00 : f32
    %broadcast_in_dim3A_890 = vector.broadcast %broadcast_in_dim3A_889 : f32 to vector<16xf32>
    %swap3A_891 = arith.constant 111 : i32
    %swap3A_892 = arith.index_cast %swap3A_891 : i32 to index
    %swap3A_893 = arith.constant 0 : index
    %swap3A_894 = tpu.vector_load %arg14[%swap3A_892, %swap3A_893] {strides = array<i32>} : memref<128x16xf32, #tpu.memory_space<vmem>>, vector<1x16xf32>,
    %swap3A_895 = vector.shape_cast %swap3A_894 : vector<1x16xf32> to vector<16xf32>
    %swap3A_896 = vector.shape_cast %broadcast_in_dim3A_890 : vector<16xf32> to vector<1x16xf32>
    tpu.vector_store %arg14[%swap3A_892, %swap3A_893], %swap3A_896 {strides = array<i32>} : memref<128x16xf32, #tpu.memory_space<vmem>>, vector<1x16xf32>,
    %broadcast_in_dim3A_897 = arith.constant 1.000000e+00 : f32
    %broadcast_in_dim3A_898 = vector.broadcast %broadcast_in_dim3A_897 : f32 to vector<16xf32>
    %swap3A_899 = arith.constant 112 : i32
    %swap3A_900 = arith.index_cast %swap3A_899 : i32 to index
    %swap3A_901 = arith.constant 0 : index
    %swap3A_902 = tpu.vector_load %arg14[%swap3A_900, %swap3A_901] {strides = array<i32>} : memref<128x16xf32, #tpu.memory_space<vmem>>, vector<1x16xf32>,
    %swap3A_903 = vector.shape_cast %swap3A_902 : vector<1x16xf32> to vector<16xf32>
    %swap3A_904 = vector.shape_cast %broadcast_in_dim3A_898 : vector<16xf32> to vector<1x16xf32>
    tpu.vector_store %arg14[%swap3A_900, %swap3A_901], %swap3A_904 {strides = array<i32>} : memref<128x16xf32, #tpu.memory_space<vmem>>, vector<1x16xf32>,
    %broadcast_in_dim3A_905 = arith.constant 1.000000e+00 : f32
    %broadcast_in_dim3A_906 = vector.broadcast %broadcast_in_dim3A_905 : f32 to vector<16xf32>
    %swap3A_907 = arith.constant 113 : i32
    %swap3A_908 = arith.index_cast %swap3A_907 : i32 to index
    %swap3A_909 = arith.constant 0 : index
    %swap3A_910 = tpu.vector_load %arg14[%swap3A_908, %swap3A_909] {strides = array<i32>} : memref<128x16xf32, #tpu.memory_space<vmem>>, vector<1x16xf32>,
    %swap3A_911 = vector.shape_cast %swap3A_910 : vector<1x16xf32> to vector<16xf32>
    %swap3A_912 = vector.shape_cast %broadcast_in_dim3A_906 : vector<16xf32> to vector<1x16xf32>
    tpu.vector_store %arg14[%swap3A_908, %swap3A_909], %swap3A_912 {strides = array<i32>} : memref<128x16xf32, #tpu.memory_space<vmem>>, vector<1x16xf32>,
    %broadcast_in_dim3A_913 = arith.constant 1.000000e+00 : f32
    %broadcast_in_dim3A_914 = vector.broadcast %broadcast_in_dim3A_913 : f32 to vector<16xf32>
    %swap3A_915 = arith.constant 114 : i32
    %swap3A_916 = arith.index_cast %swap3A_915 : i32 to index
    %swap3A_917 = arith.constant 0 : index
    %swap3A_918 = tpu.vector_load %arg14[%swap3A_916, %swap3A_917] {strides = array<i32>} : memref<128x16xf32, #tpu.memory_space<vmem>>, vector<1x16xf32>,
    %swap3A_919 = vector.shape_cast %swap3A_918 : vector<1x16xf32> to vector<16xf32>
    %swap3A_920 = vector.shape_cast %broadcast_in_dim3A_914 : vector<16xf32> to vector<1x16xf32>
    tpu.vector_store %arg14[%swap3A_916, %swap3A_917], %swap3A_920 {strides = array<i32>} : memref<128x16xf32, #tpu.memory_space<vmem>>, vector<1x16xf32>,
    %broadcast_in_dim3A_921 = arith.constant 1.000000e+00 : f32
    %broadcast_in_dim3A_922 = vector.broadcast %broadcast_in_dim3A_921 : f32 to vector<16xf32>
    %swap3A_923 = arith.constant 115 : i32
    %swap3A_924 = arith.index_cast %swap3A_923 : i32 to index
    %swap3A_925 = arith.constant 0 : index
    %swap3A_926 = tpu.vector_load %arg14[%swap3A_924, %swap3A_925] {strides = array<i32>} : memref<128x16xf32, #tpu.memory_space<vmem>>, vector<1x16xf32>,
    %swap3A_927 = vector.shape_cast %swap3A_926 : vector<1x16xf32> to vector<16xf32>
    %swap3A_928 = vector.shape_cast %broadcast_in_dim3A_922 : vector<16xf32> to vector<1x16xf32>
    tpu.vector_store %arg14[%swap3A_924, %swap3A_925], %swap3A_928 {strides = array<i32>} : memref<128x16xf32, #tpu.memory_space<vmem>>, vector<1x16xf32>,
    %broadcast_in_dim3A_929 = arith.constant 1.000000e+00 : f32
    %broadcast_in_dim3A_930 = vector.broadcast %broadcast_in_dim3A_929 : f32 to vector<16xf32>
    %swap3A_931 = arith.constant 116 : i32
    %swap3A_932 = arith.index_cast %swap3A_931 : i32 to index
    %swap3A_933 = arith.constant 0 : index
    %swap3A_934 = tpu.vector_load %arg14[%swap3A_932, %swap3A_933] {strides = array<i32>} : memref<128x16xf32, #tpu.memory_space<vmem>>, vector<1x16xf32>,
    %swap3A_935 = vector.shape_cast %swap3A_934 : vector<1x16xf32> to vector<16xf32>
    %swap3A_936 = vector.shape_cast %broadcast_in_dim3A_930 : vector<16xf32> to vector<1x16xf32>
    tpu.vector_store %arg14[%swap3A_932, %swap3A_933], %swap3A_936 {strides = array<i32>} : memref<128x16xf32, #tpu.memory_space<vmem>>, vector<1x16xf32>,
    %broadcast_in_dim3A_937 = arith.constant 1.000000e+00 : f32
    %broadcast_in_dim3A_938 = vector.broadcast %broadcast_in_dim3A_937 : f32 to vector<16xf32>
    %swap3A_939 = arith.constant 117 : i32
    %swap3A_940 = arith.index_cast %swap3A_939 : i32 to index
    %swap3A_941 = arith.constant 0 : index
    %swap3A_942 = tpu.vector_load %arg14[%swap3A_940, %swap3A_941] {strides = array<i32>} : memref<128x16xf32, #tpu.memory_space<vmem>>, vector<1x16xf32>,
    %swap3A_943 = vector.shape_cast %swap3A_942 : vector<1x16xf32> to vector<16xf32>
    %swap3A_944 = vector.shape_cast %broadcast_in_dim3A_938 : vector<16xf32> to vector<1x16xf32>
    tpu.vector_store %arg14[%swap3A_940, %swap3A_941], %swap3A_944 {strides = array<i32>} : memref<128x16xf32, #tpu.memory_space<vmem>>, vector<1x16xf32>,
    %broadcast_in_dim3A_945 = arith.constant 1.000000e+00 : f32
    %broadcast_in_dim3A_946 = vector.broadcast %broadcast_in_dim3A_945 : f32 to vector<16xf32>
    %swap3A_947 = arith.constant 118 : i32
    %swap3A_948 = arith.index_cast %swap3A_947 : i32 to index
    %swap3A_949 = arith.constant 0 : index
    %swap3A_950 = tpu.vector_load %arg14[%swap3A_948, %swap3A_949] {strides = array<i32>} : memref<128x16xf32, #tpu.memory_space<vmem>>, vector<1x16xf32>,
    %swap3A_951 = vector.shape_cast %swap3A_950 : vector<1x16xf32> to vector<16xf32>
    %swap3A_952 = vector.shape_cast %broadcast_in_dim3A_946 : vector<16xf32> to vector<1x16xf32>
    tpu.vector_store %arg14[%swap3A_948, %swap3A_949], %swap3A_952 {strides = array<i32>} : memref<128x16xf32, #tpu.memory_space<vmem>>, vector<1x16xf32>,
    %broadcast_in_dim3A_953 = arith.constant 1.000000e+00 : f32
    %broadcast_in_dim3A_954 = vector.broadcast %broadcast_in_dim3A_953 : f32 to vector<16xf32>
    %swap3A_955 = arith.constant 119 : i32
    %swap3A_956 = arith.index_cast %swap3A_955 : i32 to index
    %swap3A_957 = arith.constant 0 : index
    %swap3A_958 = tpu.vector_load %arg14[%swap3A_956, %swap3A_957] {strides = array<i32>} : memref<128x16xf32, #tpu.memory_space<vmem>>, vector<1x16xf32>,
    %swap3A_959 = vector.shape_cast %swap3A_958 : vector<1x16xf32> to vector<16xf32>
    %swap3A_960 = vector.shape_cast %broadcast_in_dim3A_954 : vector<16xf32> to vector<1x16xf32>
    tpu.vector_store %arg14[%swap3A_956, %swap3A_957], %swap3A_960 {strides = array<i32>} : memref<128x16xf32, #tpu.memory_space<vmem>>, vector<1x16xf32>,
    %broadcast_in_dim3A_961 = arith.constant 1.000000e+00 : f32
    %broadcast_in_dim3A_962 = vector.broadcast %broadcast_in_dim3A_961 : f32 to vector<16xf32>
    %swap3A_963 = arith.constant 120 : i32
    %swap3A_964 = arith.index_cast %swap3A_963 : i32 to index
    %swap3A_965 = arith.constant 0 : index
    %swap3A_966 = tpu.vector_load %arg14[%swap3A_964, %swap3A_965] {strides = array<i32>} : memref<128x16xf32, #tpu.memory_space<vmem>>, vector<1x16xf32>,
    %swap3A_967 = vector.shape_cast %swap3A_966 : vector<1x16xf32> to vector<16xf32>
    %swap3A_968 = vector.shape_cast %broadcast_in_dim3A_962 : vector<16xf32> to vector<1x16xf32>
    tpu.vector_store %arg14[%swap3A_964, %swap3A_965], %swap3A_968 {strides = array<i32>} : memref<128x16xf32, #tpu.memory_space<vmem>>, vector<1x16xf32>,
    %broadcast_in_dim3A_969 = arith.constant 1.000000e+00 : f32
    %broadcast_in_dim3A_970 = vector.broadcast %broadcast_in_dim3A_969 : f32 to vector<16xf32>
    %swap3A_971 = arith.constant 121 : i32
    %swap3A_972 = arith.index_cast %swap3A_971 : i32 to index
    %swap3A_973 = arith.constant 0 : index
    %swap3A_974 = tpu.vector_load %arg14[%swap3A_972, %swap3A_973] {strides = array<i32>} : memref<128x16xf32, #tpu.memory_space<vmem>>, vector<1x16xf32>,
    %swap3A_975 = vector.shape_cast %swap3A_974 : vector<1x16xf32> to vector<16xf32>
    %swap3A_976 = vector.shape_cast %broadcast_in_dim3A_970 : vector<16xf32> to vector<1x16xf32>
    tpu.vector_store %arg14[%swap3A_972, %swap3A_973], %swap3A_976 {strides = array<i32>} : memref<128x16xf32, #tpu.memory_space<vmem>>, vector<1x16xf32>,
    %broadcast_in_dim3A_977 = arith.constant 1.000000e+00 : f32
    %broadcast_in_dim3A_978 = vector.broadcast %broadcast_in_dim3A_977 : f32 to vector<16xf32>
    %swap3A_979 = arith.constant 122 : i32
    %swap3A_980 = arith.index_cast %swap3A_979 : i32 to index
    %swap3A_981 = arith.constant 0 : index
    %swap3A_982 = tpu.vector_load %arg14[%swap3A_980, %swap3A_981] {strides = array<i32>} : memref<128x16xf32, #tpu.memory_space<vmem>>, vector<1x16xf32>,
    %swap3A_983 = vector.shape_cast %swap3A_982 : vector<1x16xf32> to vector<16xf32>
    %swap3A_984 = vector.shape_cast %broadcast_in_dim3A_978 : vector<16xf32> to vector<1x16xf32>
    tpu.vector_store %arg14[%swap3A_980, %swap3A_981], %swap3A_984 {strides = array<i32>} : memref<128x16xf32, #tpu.memory_space<vmem>>, vector<1x16xf32>,
    %broadcast_in_dim3A_985 = arith.constant 1.000000e+00 : f32
    %broadcast_in_dim3A_986 = vector.broadcast %broadcast_in_dim3A_985 : f32 to vector<16xf32>
    %swap3A_987 = arith.constant 123 : i32
    %swap3A_988 = arith.index_cast %swap3A_987 : i32 to index
    %swap3A_989 = arith.constant 0 : index
    %swap3A_990 = tpu.vector_load %arg14[%swap3A_988, %swap3A_989] {strides = array<i32>} : memref<128x16xf32, #tpu.memory_space<vmem>>, vector<1x16xf32>,
    %swap3A_991 = vector.shape_cast %swap3A_990 : vector<1x16xf32> to vector<16xf32>
    %swap3A_992 = vector.shape_cast %broadcast_in_dim3A_986 : vector<16xf32> to vector<1x16xf32>
    tpu.vector_store %arg14[%swap3A_988, %swap3A_989], %swap3A_992 {strides = array<i32>} : memref<128x16xf32, #tpu.memory_space<vmem>>, vector<1x16xf32>,
    %broadcast_in_dim3A_993 = arith.constant 1.000000e+00 : f32
    %broadcast_in_dim3A_994 = vector.broadcast %broadcast_in_dim3A_993 : f32 to vector<16xf32>
    %swap3A_995 = arith.constant 124 : i32
    %swap3A_996 = arith.index_cast %swap3A_995 : i32 to index
    %swap3A_997 = arith.constant 0 : index
    %swap3A_998 = tpu.vector_load %arg14[%swap3A_996, %swap3A_997] {strides = array<i32>} : memref<128x16xf32, #tpu.memory_space<vmem>>, vector<1x16xf32>,
    %swap3A_999 = vector.shape_cast %swap3A_998 : vector<1x16xf32> to vector<16xf32>
    %swap3A_1000 = vector.shape_cast %broadcast_in_dim3A_994 : vector<16xf32> to vector<1x16xf32>
    tpu.vector_store %arg14[%swap3A_996, %swap3A_997], %swap3A_1000 {strides = array<i32>} : memref<128x16xf32, #tpu.memory_space<vmem>>, vector<1x16xf32>,
    %broadcast_in_dim3A_1001 = arith.constant 1.000000e+00 : f32
    %broadcast_in_dim3A_1002 = vector.broadcast %broadcast_in_dim3A_1001 : f32 to vector<16xf32>
    %swap3A_1003 = arith.constant 125 : i32
    %swap3A_1004 = arith.index_cast %swap3A_1003 : i32 to index
    %swap3A_1005 = arith.constant 0 : index
    %swap3A_1006 = tpu.vector_load %arg14[%swap3A_1004, %swap3A_1005] {strides = array<i32>} : memref<128x16xf32, #tpu.memory_space<vmem>>, vector<1x16xf32>,
    %swap3A_1007 = vector.shape_cast %swap3A_1006 : vector<1x16xf32> to vector<16xf32>
    %swap3A_1008 = vector.shape_cast %broadcast_in_dim3A_1002 : vector<16xf32> to vector<1x16xf32>
    tpu.vector_store %arg14[%swap3A_1004, %swap3A_1005], %swap3A_1008 {strides = array<i32>} : memref<128x16xf32, #tpu.memory_space<vmem>>, vector<1x16xf32>,
    %broadcast_in_dim3A_1009 = arith.constant 1.000000e+00 : f32
    %broadcast_in_dim3A_1010 = vector.broadcast %broadcast_in_dim3A_1009 : f32 to vector<16xf32>
    %swap3A_1011 = arith.constant 126 : i32
    %swap3A_1012 = arith.index_cast %swap3A_1011 : i32 to index
    %swap3A_1013 = arith.constant 0 : index
    %swap3A_1014 = tpu.vector_load %arg14[%swap3A_1012, %swap3A_1013] {strides = array<i32>} : memref<128x16xf32, #tpu.memory_space<vmem>>, vector<1x16xf32>,
    %swap3A_1015 = vector.shape_cast %swap3A_1014 : vector<1x16xf32> to vector<16xf32>
    %swap3A_1016 = vector.shape_cast %broadcast_in_dim3A_1010 : vector<16xf32> to vector<1x16xf32>
    tpu.vector_store %arg14[%swap3A_1012, %swap3A_1013], %swap3A_1016 {strides = array<i32>} : memref<128x16xf32, #tpu.memory_space<vmem>>, vector<1x16xf32>,
    %broadcast_in_dim3A_1017 = arith.constant 1.000000e+00 : f32
    %broadcast_in_dim3A_1018 = vector.broadcast %broadcast_in_dim3A_1017 : f32 to vector<16xf32>
    %swap3A_1019 = arith.constant 127 : i32
    %swap3A_1020 = arith.index_cast %swap3A_1019 : i32 to index
    %swap3A_1021 = arith.constant 0 : index
    %swap3A_1022 = tpu.vector_load %arg14[%swap3A_1020, %swap3A_1021] {strides = array<i32>} : memref<128x16xf32, #tpu.memory_space<vmem>>, vector<1x16xf32>,
    %swap3A_1023 = vector.shape_cast %swap3A_1022 : vector<1x16xf32> to vector<16xf32>
    %swap3A_1024 = vector.shape_cast %broadcast_in_dim3A_1018 : vector<16xf32> to vector<1x16xf32>
    tpu.vector_store %arg14[%swap3A_1020, %swap3A_1021], %swap3A_1024 {strides = array<i32>} : memref<128x16xf32, #tpu.memory_space<vmem>>, vector<1x16xf32>,
    %dma_start3A = arith.constant 0 : i32
    %dma_start3A_1025 = arith.constant 0 : i32
    %dma_start3A_1026 = tpu.memref_slice %arg3[%mul3A_2, %dma_start3A, %dma_start3A_1025] : memref<2500x2x128xi32, #tpu.memory_space<hbm>> -> memref<2x2x128xi32, #tpu.memory_space<hbm>>
    %dma_start3A_1027 = arith.constant 0 : i32
    %dma_start3A_1028 = arith.constant 0 : i32
    %dma_start3A_1029 = tpu.memref_slice %arg3[%mul3A_2, %dma_start3A_1027, %dma_start3A_1028] : memref<2500x2x128xi32, #tpu.memory_space<hbm>> -> memref<2x2x128xi32, #tpu.memory_space<hbm>>
    tpu.enqueue_dma source(%dma_start3A_1029 : memref<2x2x128xi32, #tpu.memory_space<hbm>>) target(%arg8 : memref<2x2x128xi32, #tpu.memory_space<vmem>>) target_semaphore(%arg17 : memref<!tpu.dma_semaphore, #tpu.memory_space<semaphore_mem>>)
    %add3A_1030 = arith.constant 2 : i32
    %add3A_1031 = arith.addi %mul3A_2, %add3A_1030 : i32
    %dma_start3A_1032 = arith.constant 0 : i32
    %dma_start3A_1033 = arith.constant 0 : i32
    %dma_start3A_1034 = tpu.memref_slice %arg3[%add3A_1031, %dma_start3A_1032, %dma_start3A_1033] : memref<2500x2x128xi32, #tpu.memory_space<hbm>> -> memref<2x2x128xi32, #tpu.memory_space<hbm>>
    %dma_start3A_1035 = arith.constant 0 : i32
    %dma_start3A_1036 = arith.constant 0 : i32
    %dma_start3A_1037 = tpu.memref_slice %arg3[%add3A_1031, %dma_start3A_1035, %dma_start3A_1036] : memref<2500x2x128xi32, #tpu.memory_space<hbm>> -> memref<2x2x128xi32, #tpu.memory_space<hbm>>
    tpu.enqueue_dma source(%dma_start3A_1037 : memref<2x2x128xi32, #tpu.memory_space<hbm>>) target(%arg9 : memref<2x2x128xi32, #tpu.memory_space<vmem>>) target_semaphore(%arg18 : memref<!tpu.dma_semaphore, #tpu.memory_space<semaphore_mem>>)
    %dma_wait3A = arith.constant 0 : i32
    %dma_wait3A_1038 = arith.constant 0 : i32
    %dma_wait3A_1039 = arith.constant 0 : i32
    %dma_wait3A_1040 = tpu.memref_slice %arg3[%dma_wait3A, %dma_wait3A_1038, %dma_wait3A_1039] : memref<2500x2x128xi32, #tpu.memory_space<hbm>> -> memref<2x2x128xi32, #tpu.memory_space<hbm>>
    %dma_wait3A_1041 = arith.constant 0 : i32
    %dma_wait3A_1042 = arith.constant 0 : i32
    %dma_wait3A_1043 = arith.constant 0 : i32
    %dma_wait3A_1044 = tpu.memref_slice %arg3[%dma_wait3A_1041, %dma_wait3A_1042, %dma_wait3A_1043] : memref<2500x2x128xi32, #tpu.memory_space<hbm>> -> memref<2x2x128xi32, #tpu.memory_space<hbm>>
    tpu.wait_dma2 semaphore(%arg17 : memref<!tpu.dma_semaphore, #tpu.memory_space<semaphore_mem>>) src(%dma_wait3A_1044 : memref<2x2x128xi32, #tpu.memory_space<hbm>>) dst(%arg8 : memref<2x2x128xi32, #tpu.memory_space<vmem>>)
    %dma_start3A_1045 = arith.constant 0 : i32
    %dma_start3A_1046 = arith.constant 0 : i32
    %dma_start3A_1047 = arith.constant 0 : i32
    %dma_start3A_1048 = tpu.memref_slice %arg8[%dma_start3A_1045, %dma_start3A_1046, %dma_start3A_1047] : memref<2x2x128xi32, #tpu.memory_space<vmem>> -> memref<1x1x128xi32, #tpu.memory_space<vmem>>
    %dma_start3A_1049 = tpu.memref_squeeze %dma_start3A_1048 : memref<1x1x128xi32, #tpu.memory_space<vmem>> -> memref<128xi32, #tpu.memory_space<vmem>>
    %dma_start3A_1050 = arith.constant 0 : i32
    %dma_start3A_1051 = arith.constant 0 : i32
    %dma_start3A_1052 = tpu.memref_slice %arg2[%dma_start3A_1050, %dma_start3A_1051] : memref<10000x128xf32, #tpu.memory_space<hbm>> -> memref<10000x128xf32, #tpu.memory_space<hbm>>
    tpu.enqueue_indirect_dma source(%dma_start3A_1052 : memref<10000x128xf32, #tpu.memory_space<hbm>>) target(%arg12 : memref<128x128xf32, #tpu.memory_space<vmem>>) offsets(%dma_start3A_1049 : memref<128xi32, #tpu.memory_space<vmem>>) semaphore(%arg19 : memref<!tpu.dma_semaphore, #tpu.memory_space<semaphore_mem>>)
    %mul3A_1053 = arith.constant 640 : i32
    %mul3A_1054 = arith.muli %arg1, %mul3A_1053 : i32
    "tpu.region"() ({
      %run_scoped3A = tpu.sem_alloc : memref<!tpu.dma_semaphore, #tpu.memory_space<semaphore_mem>>
      %dma_start3A_1392 = arith.constant 0 : i32
      %dma_start3A_1393 = tpu.memref_slice %arg15[%mul3A_1054, %dma_start3A_1392] : memref<10240x128xf32, #tpu.memory_space<vmem_shared>> -> memref<640x128xf32, #tpu.memory_space<vmem_shared>>
      tpu.enqueue_dma source(%arg4 : memref<640x128xf32, #tpu.memory_space<hbm>>) target(%dma_start3A_1393 : memref<640x128xf32, #tpu.memory_space<vmem_shared>>) target_semaphore(%run_scoped3A : memref<!tpu.dma_semaphore, #tpu.memory_space<semaphore_mem>>)
      %dma_wait3A_1394 = arith.constant 0 : i32
      %dma_wait3A_1395 = tpu.memref_slice %arg15[%mul3A_1054, %dma_wait3A_1394] : memref<10240x128xf32, #tpu.memory_space<vmem_shared>> -> memref<640x128xf32, #tpu.memory_space<vmem_shared>>
      tpu.wait_dma2 semaphore(%run_scoped3A : memref<!tpu.dma_semaphore, #tpu.memory_space<semaphore_mem>>) src(%arg4 : memref<640x128xf32, #tpu.memory_space<hbm>>) dst(%dma_wait3A_1395 : memref<640x128xf32, #tpu.memory_space<vmem_shared>>)
      tpu.yield
    }) : () -> ()
    %mul3A_1055 = arith.constant 640 : i32
    %mul3A_1056 = arith.muli %arg1, %mul3A_1055 : i32
    "tpu.region"() ({
      %run_scoped3A = tpu.sem_alloc : memref<!tpu.dma_semaphore, #tpu.memory_space<semaphore_mem>>
      %dma_start3A_1392 = arith.constant 0 : i32
      %dma_start3A_1393 = tpu.memref_slice %arg16[%mul3A_1056, %dma_start3A_1392] : memref<10240x16xf32, #tpu.memory_space<vmem_shared>> -> memref<640x16xf32, #tpu.memory_space<vmem_shared>>
      tpu.enqueue_dma source(%arg5 : memref<640x16xf32, #tpu.memory_space<hbm>>) target(%dma_start3A_1393 : memref<640x16xf32, #tpu.memory_space<vmem_shared>>) target_semaphore(%run_scoped3A : memref<!tpu.dma_semaphore, #tpu.memory_space<semaphore_mem>>)
      %dma_wait3A_1394 = arith.constant 0 : i32
      %dma_wait3A_1395 = tpu.memref_slice %arg16[%mul3A_1056, %dma_wait3A_1394] : memref<10240x16xf32, #tpu.memory_space<vmem_shared>> -> memref<640x16xf32, #tpu.memory_space<vmem_shared>>
      tpu.wait_dma2 semaphore(%run_scoped3A : memref<!tpu.dma_semaphore, #tpu.memory_space<semaphore_mem>>) src(%arg5 : memref<640x16xf32, #tpu.memory_space<hbm>>) dst(%dma_wait3A_1395 : memref<640x16xf32, #tpu.memory_space<vmem_shared>>)
      tpu.yield
    }) : () -> ()
    %barrier3A = arith.constant 0 : index
    tpu.barrier barrier_id(%barrier3A)
    %scan3A = arith.constant 0 : i32
    %scan3A_1057 = arith.constant 0 : i32
    %scan3A_1058 = arith.constant 19 : i32
    %scan3A_1059 = arith.addi %scan3A_1057, %scan3A_1058 : i32
    %scan3A_1060 = arith.constant 1 : i32
    %scan3A_1061 = scf.for %scan3A_1392 = %scan3A_1057 to %scan3A_1059 step %scan3A_1060 iter_args(%scan3A_1393 = %scan3A) -> (i32)  : i32 {
      %mul3A_1394 = arith.constant 4 : i32
      %mul3A_1395 = arith.muli %mul3A_1394, %scan3A_1392 : i32
      %add3A_1396 = arith.addi %mul3A_2, %mul3A_1395 : i32
      %add3A_1397 = arith.constant 4 : i32
      %add3A_1398 = arith.addi %add3A_1396, %add3A_1397 : i32
      %gt3A = arith.constant 0 : i32
      %gt3A_1399 = arith.cmpi sgt, %scan3A_1392, %gt3A : i32
      %dma_wait3A_1400 = arith.constant 0 : i32
      %dma_wait3A_1401 = arith.constant 0 : i32
      %dma_wait3A_1402 = arith.constant 0 : i32
      %dma_wait3A_1403 = tpu.memref_slice %arg8[%dma_wait3A_1400, %dma_wait3A_1401, %dma_wait3A_1402] : memref<2x2x128xi32, #tpu.memory_space<vmem>> -> memref<1x1x128xi32, #tpu.memory_space<vmem>>
      %dma_wait3A_1404 = tpu.memref_squeeze %dma_wait3A_1403 : memref<1x1x128xi32, #tpu.memory_space<vmem>> -> memref<128xi32, #tpu.memory_space<vmem>>
      %dma_wait3A_1405 = arith.constant 0 : i32
      %dma_wait3A_1406 = arith.constant 0 : i32
      %dma_wait3A_1407 = tpu.memref_slice %arg2[%dma_wait3A_1405, %dma_wait3A_1406] : memref<10000x128xf32, #tpu.memory_space<hbm>> -> memref<10000x128xf32, #tpu.memory_space<hbm>>
      tpu.wait_indirect_dma semaphore(%arg19 : memref<!tpu.dma_semaphore, #tpu.memory_space<semaphore_mem>>) src(%dma_wait3A_1407 : memref<10000x128xf32, #tpu.memory_space<hbm>>) dst(%arg12 : memref<128x128xf32, #tpu.memory_space<vmem>>)
      %dma_start3A_1408 = arith.constant 0 : i32
      %dma_start3A_1409 = arith.constant 1 : i32
      %dma_start3A_1410 = arith.constant 0 : i32
      %dma_start3A_1411 = tpu.memref_slice %arg8[%dma_start3A_1408, %dma_start3A_1409, %dma_start3A_1410] : memref<2x2x128xi32, #tpu.memory_space<vmem>> -> memref<1x1x128xi32, #tpu.memory_space<vmem>>
      %dma_start3A_1412 = tpu.memref_squeeze %dma_start3A_1411 : memref<1x1x128xi32, #tpu.memory_space<vmem>> -> memref<128xi32, #tpu.memory_space<vmem>>
      %dma_start3A_1413 = arith.constant 0 : i32
      %dma_start3A_1414 = arith.constant 0 : i32
      %dma_start3A_1415 = tpu.memref_slice %arg15[%dma_start3A_1413, %dma_start3A_1414] : memref<10240x128xf32, #tpu.memory_space<vmem_shared>> -> memref<10240x128xf32, #tpu.memory_space<vmem_shared>>
      tpu.enqueue_indirect_dma source(%arg12 : memref<128x128xf32, #tpu.memory_space<vmem>>) target(%dma_start3A_1415 : memref<10240x128xf32, #tpu.memory_space<vmem_shared>>) offsets(%dma_start3A_1412 : memref<128xi32, #tpu.memory_space<vmem>>) semaphore(%arg21 : memref<!tpu.dma_semaphore, #tpu.memory_space<semaphore_mem>>) {add = true}
      %convert_element_type3A_1416 = arith.extui %gt3A_1399 : i1 to i32
      %cond3A_1417 = arith.constant 0 : i32
      %cond3A_1418 = arith.cmpi ne, %convert_element_type3A_1416, %cond3A_1417 : i32
      scf.if %cond3A_1418 {
        %dma_wait3A_2010 = arith.constant 0 : i32
        %dma_wait3A_2011 = arith.constant 0 : i32
        %dma_wait3A_2012 = tpu.memref_slice %arg10[%dma_wait3A_2010, %dma_wait3A_2011] : memref<2x128xi32, #tpu.memory_space<vmem>> -> memref<1x128xi32, #tpu.memory_space<vmem>>
        %dma_wait3A_2013 = tpu.memref_squeeze %dma_wait3A_2012 : memref<1x128xi32, #tpu.memory_space<vmem>> -> memref<128xi32, #tpu.memory_space<vmem>>
        %dma_wait3A_2014 = arith.constant 0 : i32
        %dma_wait3A_2015 = arith.constant 0 : i32
        %dma_wait3A_2016 = tpu.memref_slice %arg16[%dma_wait3A_2014, %dma_wait3A_2015] : memref<10240x16xf32, #tpu.memory_space<vmem_shared>> -> memref<10240x16xf32, #tpu.memory_space<vmem_shared>>
        tpu.wait_indirect_dma semaphore(%arg23 : memref<!tpu.dma_semaphore, #tpu.memory_space<semaphore_mem>>) src(%arg14 : memref<128x16xf32, #tpu.memory_space<vmem>>) dst(%dma_wait3A_2016 : memref<10240x16xf32, #tpu.memory_space<vmem_shared>>)
        %dma_wait3A_2017 = arith.constant 0 : i32
        %dma_wait3A_2018 = arith.constant 0 : i32
        %dma_wait3A_2019 = tpu.memref_slice %arg10[%dma_wait3A_2017, %dma_wait3A_2018] : memref<2x128xi32, #tpu.memory_space<vmem>> -> memref<1x128xi32, #tpu.memory_space<vmem>>
        %dma_wait3A_2020 = tpu.memref_squeeze %dma_wait3A_2019 : memref<1x128xi32, #tpu.memory_space<vmem>> -> memref<128xi32, #tpu.memory_space<vmem>>
        %dma_wait3A_2021 = arith.constant 0 : i32
        %dma_wait3A_2022 = arith.constant 0 : i32
        %dma_wait3A_2023 = tpu.memref_slice %arg16[%dma_wait3A_2021, %dma_wait3A_2022] : memref<10240x16xf32, #tpu.memory_space<vmem_shared>> -> memref<10240x16xf32, #tpu.memory_space<vmem_shared>>
        tpu.wait_indirect_dma semaphore(%arg23 : memref<!tpu.dma_semaphore, #tpu.memory_space<semaphore_mem>>) src(%arg14 : memref<128x16xf32, #tpu.memory_space<vmem>>) dst(%dma_wait3A_2023 : memref<10240x16xf32, #tpu.memory_space<vmem_shared>>)
      } else {
      }
      %get3A_1419 = arith.constant 0 : i32
      %get3A_1420 = arith.constant 1 : i32
      %get3A_1421 = arith.index_cast %get3A_1419 : i32 to index
      %get3A_1422 = arith.index_cast %get3A_1420 : i32 to index
      %get3A_1423 = arith.constant 0 : index
      %get3A_1424 = tpu.vector_load %arg8[%get3A_1421, %get3A_1422, %get3A_1423] {strides = array<i32>} : memref<2x2x128xi32, #tpu.memory_space<vmem>>, vector<1x1x16xi32>,
      %get3A_1425 = vector.shape_cast %get3A_1424 : vector<1x1x16xi32> to vector<16xi32>
      %swap3A_1426 = arith.constant 0 : i32
      %swap3A_1427 = arith.index_cast %swap3A_1426 : i32 to index
      %swap3A_1428 = arith.constant 0 : index
      %swap3A_1429 = tpu.vector_load %arg10[%swap3A_1427, %swap3A_1428] {strides = array<i32>} : memref<2x128xi32, #tpu.memory_space<vmem>>, vector<1x16xi32>,
      %swap3A_1430 = vector.shape_cast %swap3A_1429 : vector<1x16xi32> to vector<16xi32>
      %swap3A_1431 = vector.shape_cast %get3A_1425 : vector<16xi32> to vector<1x16xi32>
      tpu.vector_store %arg10[%swap3A_1427, %swap3A_1428], %swap3A_1431 {strides = array<i32>} : memref<2x128xi32, #tpu.memory_space<vmem>>, vector<1x16xi32>,
      %get3A_1432 = arith.constant 0 : i32
      %get3A_1433 = arith.constant 1 : i32
      %get3A_1434 = arith.index_cast %get3A_1432 : i32 to index
      %get3A_1435 = arith.index_cast %get3A_1433 : i32 to index
      %get3A_1436 = arith.constant 16 : index
      %get3A_1437 = tpu.vector_load %arg8[%get3A_1434, %get3A_1435, %get3A_1436] {strides = array<i32>} : memref<2x2x128xi32, #tpu.memory_space<vmem>>, vector<1x1x16xi32>,
      %get3A_1438 = vector.shape_cast %get3A_1437 : vector<1x1x16xi32> to vector<16xi32>
      %swap3A_1439 = arith.constant 0 : i32
      %swap3A_1440 = arith.index_cast %swap3A_1439 : i32 to index
      %swap3A_1441 = arith.constant 16 : index
      %swap3A_1442 = tpu.vector_load %arg10[%swap3A_1440, %swap3A_1441] {strides = array<i32>} : memref<2x128xi32, #tpu.memory_space<vmem>>, vector<1x16xi32>,
      %swap3A_1443 = vector.shape_cast %swap3A_1442 : vector<1x16xi32> to vector<16xi32>
      %swap3A_1444 = vector.shape_cast %get3A_1438 : vector<16xi32> to vector<1x16xi32>
      tpu.vector_store %arg10[%swap3A_1440, %swap3A_1441], %swap3A_1444 {strides = array<i32>} : memref<2x128xi32, #tpu.memory_space<vmem>>, vector<1x16xi32>,
      %get3A_1445 = arith.constant 0 : i32
      %get3A_1446 = arith.constant 1 : i32
      %get3A_1447 = arith.index_cast %get3A_1445 : i32 to index
      %get3A_1448 = arith.index_cast %get3A_1446 : i32 to index
      %get3A_1449 = arith.constant 32 : index
      %get3A_1450 = tpu.vector_load %arg8[%get3A_1447, %get3A_1448, %get3A_1449] {strides = array<i32>} : memref<2x2x128xi32, #tpu.memory_space<vmem>>, vector<1x1x16xi32>,
      %get3A_1451 = vector.shape_cast %get3A_1450 : vector<1x1x16xi32> to vector<16xi32>
      %swap3A_1452 = arith.constant 0 : i32
      %swap3A_1453 = arith.index_cast %swap3A_1452 : i32 to index
      %swap3A_1454 = arith.constant 32 : index
      %swap3A_1455 = tpu.vector_load %arg10[%swap3A_1453, %swap3A_1454] {strides = array<i32>} : memref<2x128xi32, #tpu.memory_space<vmem>>, vector<1x16xi32>,
      %swap3A_1456 = vector.shape_cast %swap3A_1455 : vector<1x16xi32> to vector<16xi32>
      %swap3A_1457 = vector.shape_cast %get3A_1451 : vector<16xi32> to vector<1x16xi32>
      tpu.vector_store %arg10[%swap3A_1453, %swap3A_1454], %swap3A_1457 {strides = array<i32>} : memref<2x128xi32, #tpu.memory_space<vmem>>, vector<1x16xi32>,
      %get3A_1458 = arith.constant 0 : i32
      %get3A_1459 = arith.constant 1 : i32
      %get3A_1460 = arith.index_cast %get3A_1458 : i32 to index
      %get3A_1461 = arith.index_cast %get3A_1459 : i32 to index
      %get3A_1462 = arith.constant 48 : index
      %get3A_1463 = tpu.vector_load %arg8[%get3A_1460, %get3A_1461, %get3A_1462] {strides = array<i32>} : memref<2x2x128xi32, #tpu.memory_space<vmem>>, vector<1x1x16xi32>,
      %get3A_1464 = vector.shape_cast %get3A_1463 : vector<1x1x16xi32> to vector<16xi32>
      %swap3A_1465 = arith.constant 0 : i32
      %swap3A_1466 = arith.index_cast %swap3A_1465 : i32 to index
      %swap3A_1467 = arith.constant 48 : index
      %swap3A_1468 = tpu.vector_load %arg10[%swap3A_1466, %swap3A_1467] {strides = array<i32>} : memref<2x128xi32, #tpu.memory_space<vmem>>, vector<1x16xi32>,
      %swap3A_1469 = vector.shape_cast %swap3A_1468 : vector<1x16xi32> to vector<16xi32>
      %swap3A_1470 = vector.shape_cast %get3A_1464 : vector<16xi32> to vector<1x16xi32>
      tpu.vector_store %arg10[%swap3A_1466, %swap3A_1467], %swap3A_1470 {strides = array<i32>} : memref<2x128xi32, #tpu.memory_space<vmem>>, vector<1x16xi32>,
      %get3A_1471 = arith.constant 0 : i32
      %get3A_1472 = arith.constant 1 : i32
      %get3A_1473 = arith.index_cast %get3A_1471 : i32 to index
      %get3A_1474 = arith.index_cast %get3A_1472 : i32 to index
      %get3A_1475 = arith.constant 64 : index
      %get3A_1476 = tpu.vector_load %arg8[%get3A_1473, %get3A_1474, %get3A_1475] {strides = array<i32>} : memref<2x2x128xi32, #tpu.memory_space<vmem>>, vector<1x1x16xi32>,
      %get3A_1477 = vector.shape_cast %get3A_1476 : vector<1x1x16xi32> to vector<16xi32>
      %swap3A_1478 = arith.constant 0 : i32
      %swap3A_1479 = arith.index_cast %swap3A_1478 : i32 to index
      %swap3A_1480 = arith.constant 64 : index
      %swap3A_1481 = tpu.vector_load %arg10[%swap3A_1479, %swap3A_1480] {strides = array<i32>} : memref<2x128xi32, #tpu.memory_space<vmem>>, vector<1x16xi32>,
      %swap3A_1482 = vector.shape_cast %swap3A_1481 : vector<1x16xi32> to vector<16xi32>
      %swap3A_1483 = vector.shape_cast %get3A_1477 : vector<16xi32> to vector<1x16xi32>
      tpu.vector_store %arg10[%swap3A_1479, %swap3A_1480], %swap3A_1483 {strides = array<i32>} : memref<2x128xi32, #tpu.memory_space<vmem>>, vector<1x16xi32>,
      %get3A_1484 = arith.constant 0 : i32
      %get3A_1485 = arith.constant 1 : i32
      %get3A_1486 = arith.index_cast %get3A_1484 : i32 to index
      %get3A_1487 = arith.index_cast %get3A_1485 : i32 to index
      %get3A_1488 = arith.constant 80 : index
      %get3A_1489 = tpu.vector_load %arg8[%get3A_1486, %get3A_1487, %get3A_1488] {strides = array<i32>} : memref<2x2x128xi32, #tpu.memory_space<vmem>>, vector<1x1x16xi32>,
      %get3A_1490 = vector.shape_cast %get3A_1489 : vector<1x1x16xi32> to vector<16xi32>
      %swap3A_1491 = arith.constant 0 : i32
      %swap3A_1492 = arith.index_cast %swap3A_1491 : i32 to index
      %swap3A_1493 = arith.constant 80 : index
      %swap3A_1494 = tpu.vector_load %arg10[%swap3A_1492, %swap3A_1493] {strides = array<i32>} : memref<2x128xi32, #tpu.memory_space<vmem>>, vector<1x16xi32>,
      %swap3A_1495 = vector.shape_cast %swap3A_1494 : vector<1x16xi32> to vector<16xi32>
      %swap3A_1496 = vector.shape_cast %get3A_1490 : vector<16xi32> to vector<1x16xi32>
      tpu.vector_store %arg10[%swap3A_1492, %swap3A_1493], %swap3A_1496 {strides = array<i32>} : memref<2x128xi32, #tpu.memory_space<vmem>>, vector<1x16xi32>,
      %get3A_1497 = arith.constant 0 : i32
      %get3A_1498 = arith.constant 1 : i32
      %get3A_1499 = arith.index_cast %get3A_1497 : i32 to index
      %get3A_1500 = arith.index_cast %get3A_1498 : i32 to index
      %get3A_1501 = arith.constant 96 : index
      %get3A_1502 = tpu.vector_load %arg8[%get3A_1499, %get3A_1500, %get3A_1501] {strides = array<i32>} : memref<2x2x128xi32, #tpu.memory_space<vmem>>, vector<1x1x16xi32>,
      %get3A_1503 = vector.shape_cast %get3A_1502 : vector<1x1x16xi32> to vector<16xi32>
      %swap3A_1504 = arith.constant 0 : i32
      %swap3A_1505 = arith.index_cast %swap3A_1504 : i32 to index
      %swap3A_1506 = arith.constant 96 : index
      %swap3A_1507 = tpu.vector_load %arg10[%swap3A_1505, %swap3A_1506] {strides = array<i32>} : memref<2x128xi32, #tpu.memory_space<vmem>>, vector<1x16xi32>,
      %swap3A_1508 = vector.shape_cast %swap3A_1507 : vector<1x16xi32> to vector<16xi32>
      %swap3A_1509 = vector.shape_cast %get3A_1503 : vector<16xi32> to vector<1x16xi32>
      tpu.vector_store %arg10[%swap3A_1505, %swap3A_1506], %swap3A_1509 {strides = array<i32>} : memref<2x128xi32, #tpu.memory_space<vmem>>, vector<1x16xi32>,
      %get3A_1510 = arith.constant 0 : i32
      %get3A_1511 = arith.constant 1 : i32
      %get3A_1512 = arith.index_cast %get3A_1510 : i32 to index
      %get3A_1513 = arith.index_cast %get3A_1511 : i32 to index
      %get3A_1514 = arith.constant 112 : index
      %get3A_1515 = tpu.vector_load %arg8[%get3A_1512, %get3A_1513, %get3A_1514] {strides = array<i32>} : memref<2x2x128xi32, #tpu.memory_space<vmem>>, vector<1x1x16xi32>,
      %get3A_1516 = vector.shape_cast %get3A_1515 : vector<1x1x16xi32> to vector<16xi32>
      %swap3A_1517 = arith.constant 0 : i32
      %swap3A_1518 = arith.index_cast %swap3A_1517 : i32 to index
      %swap3A_1519 = arith.constant 112 : index
      %swap3A_1520 = tpu.vector_load %arg10[%swap3A_1518, %swap3A_1519] {strides = array<i32>} : memref<2x128xi32, #tpu.memory_space<vmem>>, vector<1x16xi32>,
      %swap3A_1521 = vector.shape_cast %swap3A_1520 : vector<1x16xi32> to vector<16xi32>
      %swap3A_1522 = vector.shape_cast %get3A_1516 : vector<16xi32> to vector<1x16xi32>
      tpu.vector_store %arg10[%swap3A_1518, %swap3A_1519], %swap3A_1522 {strides = array<i32>} : memref<2x128xi32, #tpu.memory_space<vmem>>, vector<1x16xi32>,
      %dma_start3A_1523 = arith.constant 0 : i32
      %dma_start3A_1524 = arith.constant 0 : i32
      %dma_start3A_1525 = tpu.memref_slice %arg10[%dma_start3A_1523, %dma_start3A_1524] : memref<2x128xi32, #tpu.memory_space<vmem>> -> memref<1x128xi32, #tpu.memory_space<vmem>>
      %dma_start3A_1526 = tpu.memref_squeeze %dma_start3A_1525 : memref<1x128xi32, #tpu.memory_space<vmem>> -> memref<128xi32, #tpu.memory_space<vmem>>
      %dma_start3A_1527 = arith.constant 0 : i32
      %dma_start3A_1528 = arith.constant 0 : i32
      %dma_start3A_1529 = tpu.memref_slice %arg16[%dma_start3A_1527, %dma_start3A_1528] : memref<10240x16xf32, #tpu.memory_space<vmem_shared>> -> memref<10240x16xf32, #tpu.memory_space<vmem_shared>>
      tpu.enqueue_indirect_dma source(%arg14 : memref<128x16xf32, #tpu.memory_space<vmem>>) target(%dma_start3A_1529 : memref<10240x16xf32, #tpu.memory_space<vmem_shared>>) offsets(%dma_start3A_1526 : memref<128xi32, #tpu.memory_space<vmem>>) semaphore(%arg23 : memref<!tpu.dma_semaphore, #tpu.memory_space<semaphore_mem>>) {add = true}
      %dma_start3A_1530 = arith.constant 1 : i32
      %dma_start3A_1531 = arith.constant 0 : i32
      %dma_start3A_1532 = arith.constant 0 : i32
      %dma_start3A_1533 = tpu.memref_slice %arg8[%dma_start3A_1530, %dma_start3A_1531, %dma_start3A_1532] : memref<2x2x128xi32, #tpu.memory_space<vmem>> -> memref<1x1x128xi32, #tpu.memory_space<vmem>>
      %dma_start3A_1534 = tpu.memref_squeeze %dma_start3A_1533 : memref<1x1x128xi32, #tpu.memory_space<vmem>> -> memref<128xi32, #tpu.memory_space<vmem>>
      %dma_start3A_1535 = arith.constant 0 : i32
      %dma_start3A_1536 = arith.constant 0 : i32
      %dma_start3A_1537 = tpu.memref_slice %arg2[%dma_start3A_1535, %dma_start3A_1536] : memref<10000x128xf32, #tpu.memory_space<hbm>> -> memref<10000x128xf32, #tpu.memory_space<hbm>>
      tpu.enqueue_indirect_dma source(%dma_start3A_1537 : memref<10000x128xf32, #tpu.memory_space<hbm>>) target(%arg13 : memref<128x128xf32, #tpu.memory_space<vmem>>) offsets(%dma_start3A_1534 : memref<128xi32, #tpu.memory_space<vmem>>) semaphore(%arg20 : memref<!tpu.dma_semaphore, #tpu.memory_space<semaphore_mem>>)
      %dma_wait3A_1538 = arith.constant 0 : i32
      %dma_wait3A_1539 = arith.constant 1 : i32
      %dma_wait3A_1540 = arith.constant 0 : i32
      %dma_wait3A_1541 = tpu.memref_slice %arg8[%dma_wait3A_1538, %dma_wait3A_1539, %dma_wait3A_1540] : memref<2x2x128xi32, #tpu.memory_space<vmem>> -> memref<1x1x128xi32, #tpu.memory_space<vmem>>
      %dma_wait3A_1542 = tpu.memref_squeeze %dma_wait3A_1541 : memref<1x1x128xi32, #tpu.memory_space<vmem>> -> memref<128xi32, #tpu.memory_space<vmem>>
      %dma_wait3A_1543 = arith.constant 0 : i32
      %dma_wait3A_1544 = arith.constant 0 : i32
      %dma_wait3A_1545 = tpu.memref_slice %arg15[%dma_wait3A_1543, %dma_wait3A_1544] : memref<10240x128xf32, #tpu.memory_space<vmem_shared>> -> memref<10240x128xf32, #tpu.memory_space<vmem_shared>>
      tpu.wait_indirect_dma semaphore(%arg21 : memref<!tpu.dma_semaphore, #tpu.memory_space<semaphore_mem>>) src(%arg12 : memref<128x128xf32, #tpu.memory_space<vmem>>) dst(%dma_wait3A_1545 : memref<10240x128xf32, #tpu.memory_space<vmem_shared>>)
      %get3A_1546 = arith.constant 1 : i32
      %get3A_1547 = arith.constant 1 : i32
      %get3A_1548 = arith.index_cast %get3A_1546 : i32 to index
      %get3A_1549 = arith.index_cast %get3A_1547 : i32 to index
      %get3A_1550 = arith.constant 0 : index
      %get3A_1551 = tpu.vector_load %arg8[%get3A_1548, %get3A_1549, %get3A_1550] {strides = array<i32>} : memref<2x2x128xi32, #tpu.memory_space<vmem>>, vector<1x1x16xi32>,
      %get3A_1552 = vector.shape_cast %get3A_1551 : vector<1x1x16xi32> to vector<16xi32>
      %swap3A_1553 = arith.constant 1 : i32
      %swap3A_1554 = arith.index_cast %swap3A_1553 : i32 to index
      %swap3A_1555 = arith.constant 0 : index
      %swap3A_1556 = tpu.vector_load %arg10[%swap3A_1554, %swap3A_1555] {strides = array<i32>} : memref<2x128xi32, #tpu.memory_space<vmem>>, vector<1x16xi32>,
      %swap3A_1557 = vector.shape_cast %swap3A_1556 : vector<1x16xi32> to vector<16xi32>
      %swap3A_1558 = vector.shape_cast %get3A_1552 : vector<16xi32> to vector<1x16xi32>
      tpu.vector_store %arg10[%swap3A_1554, %swap3A_1555], %swap3A_1558 {strides = array<i32>} : memref<2x128xi32, #tpu.memory_space<vmem>>, vector<1x16xi32>,
      %get3A_1559 = arith.constant 1 : i32
      %get3A_1560 = arith.constant 1 : i32
      %get3A_1561 = arith.index_cast %get3A_1559 : i32 to index
      %get3A_1562 = arith.index_cast %get3A_1560 : i32 to index
      %get3A_1563 = arith.constant 16 : index
      %get3A_1564 = tpu.vector_load %arg8[%get3A_1561, %get3A_1562, %get3A_1563] {strides = array<i32>} : memref<2x2x128xi32, #tpu.memory_space<vmem>>, vector<1x1x16xi32>,
      %get3A_1565 = vector.shape_cast %get3A_1564 : vector<1x1x16xi32> to vector<16xi32>
      %swap3A_1566 = arith.constant 1 : i32
      %swap3A_1567 = arith.index_cast %swap3A_1566 : i32 to index
      %swap3A_1568 = arith.constant 16 : index
      %swap3A_1569 = tpu.vector_load %arg10[%swap3A_1567, %swap3A_1568] {strides = array<i32>} : memref<2x128xi32, #tpu.memory_space<vmem>>, vector<1x16xi32>,
      %swap3A_1570 = vector.shape_cast %swap3A_1569 : vector<1x16xi32> to vector<16xi32>
      %swap3A_1571 = vector.shape_cast %get3A_1565 : vector<16xi32> to vector<1x16xi32>
      tpu.vector_store %arg10[%swap3A_1567, %swap3A_1568], %swap3A_1571 {strides = array<i32>} : memref<2x128xi32, #tpu.memory_space<vmem>>, vector<1x16xi32>,
      %get3A_1572 = arith.constant 1 : i32
      %get3A_1573 = arith.constant 1 : i32
      %get3A_1574 = arith.index_cast %get3A_1572 : i32 to index
      %get3A_1575 = arith.index_cast %get3A_1573 : i32 to index
      %get3A_1576 = arith.constant 32 : index
      %get3A_1577 = tpu.vector_load %arg8[%get3A_1574, %get3A_1575, %get3A_1576] {strides = array<i32>} : memref<2x2x128xi32, #tpu.memory_space<vmem>>, vector<1x1x16xi32>,
      %get3A_1578 = vector.shape_cast %get3A_1577 : vector<1x1x16xi32> to vector<16xi32>
      %swap3A_1579 = arith.constant 1 : i32
      %swap3A_1580 = arith.index_cast %swap3A_1579 : i32 to index
      %swap3A_1581 = arith.constant 32 : index
      %swap3A_1582 = tpu.vector_load %arg10[%swap3A_1580, %swap3A_1581] {strides = array<i32>} : memref<2x128xi32, #tpu.memory_space<vmem>>, vector<1x16xi32>,
      %swap3A_1583 = vector.shape_cast %swap3A_1582 : vector<1x16xi32> to vector<16xi32>
      %swap3A_1584 = vector.shape_cast %get3A_1578 : vector<16xi32> to vector<1x16xi32>
      tpu.vector_store %arg10[%swap3A_1580, %swap3A_1581], %swap3A_1584 {strides = array<i32>} : memref<2x128xi32, #tpu.memory_space<vmem>>, vector<1x16xi32>,
      %get3A_1585 = arith.constant 1 : i32
      %get3A_1586 = arith.constant 1 : i32
      %get3A_1587 = arith.index_cast %get3A_1585 : i32 to index
      %get3A_1588 = arith.index_cast %get3A_1586 : i32 to index
      %get3A_1589 = arith.constant 48 : index
      %get3A_1590 = tpu.vector_load %arg8[%get3A_1587, %get3A_1588, %get3A_1589] {strides = array<i32>} : memref<2x2x128xi32, #tpu.memory_space<vmem>>, vector<1x1x16xi32>,
      %get3A_1591 = vector.shape_cast %get3A_1590 : vector<1x1x16xi32> to vector<16xi32>
      %swap3A_1592 = arith.constant 1 : i32
      %swap3A_1593 = arith.index_cast %swap3A_1592 : i32 to index
      %swap3A_1594 = arith.constant 48 : index
      %swap3A_1595 = tpu.vector_load %arg10[%swap3A_1593, %swap3A_1594] {strides = array<i32>} : memref<2x128xi32, #tpu.memory_space<vmem>>, vector<1x16xi32>,
      %swap3A_1596 = vector.shape_cast %swap3A_1595 : vector<1x16xi32> to vector<16xi32>
      %swap3A_1597 = vector.shape_cast %get3A_1591 : vector<16xi32> to vector<1x16xi32>
      tpu.vector_store %arg10[%swap3A_1593, %swap3A_1594], %swap3A_1597 {strides = array<i32>} : memref<2x128xi32, #tpu.memory_space<vmem>>, vector<1x16xi32>,
      %get3A_1598 = arith.constant 1 : i32
      %get3A_1599 = arith.constant 1 : i32
      %get3A_1600 = arith.index_cast %get3A_1598 : i32 to index
      %get3A_1601 = arith.index_cast %get3A_1599 : i32 to index
      %get3A_1602 = arith.constant 64 : index
      %get3A_1603 = tpu.vector_load %arg8[%get3A_1600, %get3A_1601, %get3A_1602] {strides = array<i32>} : memref<2x2x128xi32, #tpu.memory_space<vmem>>, vector<1x1x16xi32>,
      %get3A_1604 = vector.shape_cast %get3A_1603 : vector<1x1x16xi32> to vector<16xi32>
      %swap3A_1605 = arith.constant 1 : i32
      %swap3A_1606 = arith.index_cast %swap3A_1605 : i32 to index
      %swap3A_1607 = arith.constant 64 : index
      %swap3A_1608 = tpu.vector_load %arg10[%swap3A_1606, %swap3A_1607] {strides = array<i32>} : memref<2x128xi32, #tpu.memory_space<vmem>>, vector<1x16xi32>,
      %swap3A_1609 = vector.shape_cast %swap3A_1608 : vector<1x16xi32> to vector<16xi32>
      %swap3A_1610 = vector.shape_cast %get3A_1604 : vector<16xi32> to vector<1x16xi32>
      tpu.vector_store %arg10[%swap3A_1606, %swap3A_1607], %swap3A_1610 {strides = array<i32>} : memref<2x128xi32, #tpu.memory_space<vmem>>, vector<1x16xi32>,
      %get3A_1611 = arith.constant 1 : i32
      %get3A_1612 = arith.constant 1 : i32
      %get3A_1613 = arith.index_cast %get3A_1611 : i32 to index
      %get3A_1614 = arith.index_cast %get3A_1612 : i32 to index
      %get3A_1615 = arith.constant 80 : index
      %get3A_1616 = tpu.vector_load %arg8[%get3A_1613, %get3A_1614, %get3A_1615] {strides = array<i32>} : memref<2x2x128xi32, #tpu.memory_space<vmem>>, vector<1x1x16xi32>,
      %get3A_1617 = vector.shape_cast %get3A_1616 : vector<1x1x16xi32> to vector<16xi32>
      %swap3A_1618 = arith.constant 1 : i32
      %swap3A_1619 = arith.index_cast %swap3A_1618 : i32 to index
      %swap3A_1620 = arith.constant 80 : index
      %swap3A_1621 = tpu.vector_load %arg10[%swap3A_1619, %swap3A_1620] {strides = array<i32>} : memref<2x128xi32, #tpu.memory_space<vmem>>, vector<1x16xi32>,
      %swap3A_1622 = vector.shape_cast %swap3A_1621 : vector<1x16xi32> to vector<16xi32>
      %swap3A_1623 = vector.shape_cast %get3A_1617 : vector<16xi32> to vector<1x16xi32>
      tpu.vector_store %arg10[%swap3A_1619, %swap3A_1620], %swap3A_1623 {strides = array<i32>} : memref<2x128xi32, #tpu.memory_space<vmem>>, vector<1x16xi32>,
      %get3A_1624 = arith.constant 1 : i32
      %get3A_1625 = arith.constant 1 : i32
      %get3A_1626 = arith.index_cast %get3A_1624 : i32 to index
      %get3A_1627 = arith.index_cast %get3A_1625 : i32 to index
      %get3A_1628 = arith.constant 96 : index
      %get3A_1629 = tpu.vector_load %arg8[%get3A_1626, %get3A_1627, %get3A_1628] {strides = array<i32>} : memref<2x2x128xi32, #tpu.memory_space<vmem>>, vector<1x1x16xi32>,
      %get3A_1630 = vector.shape_cast %get3A_1629 : vector<1x1x16xi32> to vector<16xi32>
      %swap3A_1631 = arith.constant 1 : i32
      %swap3A_1632 = arith.index_cast %swap3A_1631 : i32 to index
      %swap3A_1633 = arith.constant 96 : index
      %swap3A_1634 = tpu.vector_load %arg10[%swap3A_1632, %swap3A_1633] {strides = array<i32>} : memref<2x128xi32, #tpu.memory_space<vmem>>, vector<1x16xi32>,
      %swap3A_1635 = vector.shape_cast %swap3A_1634 : vector<1x16xi32> to vector<16xi32>
      %swap3A_1636 = vector.shape_cast %get3A_1630 : vector<16xi32> to vector<1x16xi32>
      tpu.vector_store %arg10[%swap3A_1632, %swap3A_1633], %swap3A_1636 {strides = array<i32>} : memref<2x128xi32, #tpu.memory_space<vmem>>, vector<1x16xi32>,
      %get3A_1637 = arith.constant 1 : i32
      %get3A_1638 = arith.constant 1 : i32
      %get3A_1639 = arith.index_cast %get3A_1637 : i32 to index
      %get3A_1640 = arith.index_cast %get3A_1638 : i32 to index
      %get3A_1641 = arith.constant 112 : index
      %get3A_1642 = tpu.vector_load %arg8[%get3A_1639, %get3A_1640, %get3A_1641] {strides = array<i32>} : memref<2x2x128xi32, #tpu.memory_space<vmem>>, vector<1x1x16xi32>,
      %get3A_1643 = vector.shape_cast %get3A_1642 : vector<1x1x16xi32> to vector<16xi32>
      %swap3A_1644 = arith.constant 1 : i32
      %swap3A_1645 = arith.index_cast %swap3A_1644 : i32 to index
      %swap3A_1646 = arith.constant 112 : index
      %swap3A_1647 = tpu.vector_load %arg10[%swap3A_1645, %swap3A_1646] {strides = array<i32>} : memref<2x128xi32, #tpu.memory_space<vmem>>, vector<1x16xi32>,
      %swap3A_1648 = vector.shape_cast %swap3A_1647 : vector<1x16xi32> to vector<16xi32>
      %swap3A_1649 = vector.shape_cast %get3A_1643 : vector<16xi32> to vector<1x16xi32>
      tpu.vector_store %arg10[%swap3A_1645, %swap3A_1646], %swap3A_1649 {strides = array<i32>} : memref<2x128xi32, #tpu.memory_space<vmem>>, vector<1x16xi32>,
      %dma_start3A_1650 = arith.constant 1 : i32
      %dma_start3A_1651 = arith.constant 0 : i32
      %dma_start3A_1652 = tpu.memref_slice %arg10[%dma_start3A_1650, %dma_start3A_1651] : memref<2x128xi32, #tpu.memory_space<vmem>> -> memref<1x128xi32, #tpu.memory_space<vmem>>
      %dma_start3A_1653 = tpu.memref_squeeze %dma_start3A_1652 : memref<1x128xi32, #tpu.memory_space<vmem>> -> memref<128xi32, #tpu.memory_space<vmem>>
      %dma_start3A_1654 = arith.constant 0 : i32
      %dma_start3A_1655 = arith.constant 0 : i32
      %dma_start3A_1656 = tpu.memref_slice %arg16[%dma_start3A_1654, %dma_start3A_1655] : memref<10240x16xf32, #tpu.memory_space<vmem_shared>> -> memref<10240x16xf32, #tpu.memory_space<vmem_shared>>
      tpu.enqueue_indirect_dma source(%arg14 : memref<128x16xf32, #tpu.memory_space<vmem>>) target(%dma_start3A_1656 : memref<10240x16xf32, #tpu.memory_space<vmem_shared>>) offsets(%dma_start3A_1653 : memref<128xi32, #tpu.memory_space<vmem>>) semaphore(%arg23 : memref<!tpu.dma_semaphore, #tpu.memory_space<semaphore_mem>>) {add = true}
      %dma_wait3A_1657 = arith.constant 0 : i32
      %dma_wait3A_1658 = arith.constant 0 : i32
      %dma_wait3A_1659 = arith.constant 0 : i32
      %dma_wait3A_1660 = tpu.memref_slice %arg8[%dma_wait3A_1657, %dma_wait3A_1658, %dma_wait3A_1659] : memref<2x2x128xi32, #tpu.memory_space<vmem>> -> memref<1x1x128xi32, #tpu.memory_space<vmem>>
      %dma_wait3A_1661 = tpu.memref_squeeze %dma_wait3A_1660 : memref<1x1x128xi32, #tpu.memory_space<vmem>> -> memref<128xi32, #tpu.memory_space<vmem>>
      %dma_wait3A_1662 = arith.constant 0 : i32
      %dma_wait3A_1663 = arith.constant 0 : i32
      %dma_wait3A_1664 = tpu.memref_slice %arg2[%dma_wait3A_1662, %dma_wait3A_1663] : memref<10000x128xf32, #tpu.memory_space<hbm>> -> memref<10000x128xf32, #tpu.memory_space<hbm>>
      tpu.wait_indirect_dma semaphore(%arg20 : memref<!tpu.dma_semaphore, #tpu.memory_space<semaphore_mem>>) src(%dma_wait3A_1664 : memref<10000x128xf32, #tpu.memory_space<hbm>>) dst(%arg13 : memref<128x128xf32, #tpu.memory_space<vmem>>)
      %dma_start3A_1665 = arith.constant 0 : i32
      %dma_start3A_1666 = arith.constant 0 : i32
      %dma_start3A_1667 = tpu.memref_slice %arg3[%add3A_1398, %dma_start3A_1665, %dma_start3A_1666] : memref<2500x2x128xi32, #tpu.memory_space<hbm>> -> memref<2x2x128xi32, #tpu.memory_space<hbm>>
      %dma_start3A_1668 = arith.constant 0 : i32
      %dma_start3A_1669 = arith.constant 0 : i32
      %dma_start3A_1670 = tpu.memref_slice %arg3[%add3A_1398, %dma_start3A_1668, %dma_start3A_1669] : memref<2500x2x128xi32, #tpu.memory_space<hbm>> -> memref<2x2x128xi32, #tpu.memory_space<hbm>>
      tpu.enqueue_dma source(%dma_start3A_1670 : memref<2x2x128xi32, #tpu.memory_space<hbm>>) target(%arg8 : memref<2x2x128xi32, #tpu.memory_space<vmem>>) target_semaphore(%arg17 : memref<!tpu.dma_semaphore, #tpu.memory_space<semaphore_mem>>)
      %dma_start3A_1671 = arith.constant 1 : i32
      %dma_start3A_1672 = arith.constant 0 : i32
      %dma_start3A_1673 = tpu.memref_slice %arg10[%dma_start3A_1671, %dma_start3A_1672] : memref<2x128xi32, #tpu.memory_space<vmem>> -> memref<1x128xi32, #tpu.memory_space<vmem>>
      %dma_start3A_1674 = tpu.memref_squeeze %dma_start3A_1673 : memref<1x128xi32, #tpu.memory_space<vmem>> -> memref<128xi32, #tpu.memory_space<vmem>>
      %dma_start3A_1675 = arith.constant 0 : i32
      %dma_start3A_1676 = arith.constant 0 : i32
      %dma_start3A_1677 = tpu.memref_slice %arg15[%dma_start3A_1675, %dma_start3A_1676] : memref<10240x128xf32, #tpu.memory_space<vmem_shared>> -> memref<10240x128xf32, #tpu.memory_space<vmem_shared>>
      tpu.enqueue_indirect_dma source(%arg13 : memref<128x128xf32, #tpu.memory_space<vmem>>) target(%dma_start3A_1677 : memref<10240x128xf32, #tpu.memory_space<vmem_shared>>) offsets(%dma_start3A_1674 : memref<128xi32, #tpu.memory_space<vmem>>) semaphore(%arg22 : memref<!tpu.dma_semaphore, #tpu.memory_space<semaphore_mem>>) {add = true}
      %dma_wait3A_1678 = arith.constant 0 : i32
      %dma_wait3A_1679 = arith.constant 0 : i32
      %dma_wait3A_1680 = arith.constant 0 : i32
      %dma_wait3A_1681 = tpu.memref_slice %arg3[%dma_wait3A_1678, %dma_wait3A_1679, %dma_wait3A_1680] : memref<2500x2x128xi32, #tpu.memory_space<hbm>> -> memref<2x2x128xi32, #tpu.memory_space<hbm>>
      %dma_wait3A_1682 = arith.constant 0 : i32
      %dma_wait3A_1683 = arith.constant 0 : i32
      %dma_wait3A_1684 = arith.constant 0 : i32
      %dma_wait3A_1685 = tpu.memref_slice %arg3[%dma_wait3A_1682, %dma_wait3A_1683, %dma_wait3A_1684] : memref<2500x2x128xi32, #tpu.memory_space<hbm>> -> memref<2x2x128xi32, #tpu.memory_space<hbm>>
      tpu.wait_dma2 semaphore(%arg18 : memref<!tpu.dma_semaphore, #tpu.memory_space<semaphore_mem>>) src(%dma_wait3A_1685 : memref<2x2x128xi32, #tpu.memory_space<hbm>>) dst(%arg9 : memref<2x2x128xi32, #tpu.memory_space<vmem>>)
      %dma_start3A_1686 = arith.constant 0 : i32
      %dma_start3A_1687 = arith.constant 0 : i32
      %dma_start3A_1688 = arith.constant 0 : i32
      %dma_start3A_1689 = tpu.memref_slice %arg9[%dma_start3A_1686, %dma_start3A_1687, %dma_start3A_1688] : memref<2x2x128xi32, #tpu.memory_space<vmem>> -> memref<1x1x128xi32, #tpu.memory_space<vmem>>
      %dma_start3A_1690 = tpu.memref_squeeze %dma_start3A_1689 : memref<1x1x128xi32, #tpu.memory_space<vmem>> -> memref<128xi32, #tpu.memory_space<vmem>>
      %dma_start3A_1691 = arith.constant 0 : i32
      %dma_start3A_1692 = arith.constant 0 : i32
      %dma_start3A_1693 = tpu.memref_slice %arg2[%dma_start3A_1691, %dma_start3A_1692] : memref<10000x128xf32, #tpu.memory_space<hbm>> -> memref<10000x128xf32, #tpu.memory_space<hbm>>
      tpu.enqueue_indirect_dma source(%dma_start3A_1693 : memref<10000x128xf32, #tpu.memory_space<hbm>>) target(%arg12 : memref<128x128xf32, #tpu.memory_space<vmem>>) offsets(%dma_start3A_1690 : memref<128xi32, #tpu.memory_space<vmem>>) semaphore(%arg19 : memref<!tpu.dma_semaphore, #tpu.memory_space<semaphore_mem>>)
      %dma_wait3A_1694 = arith.constant 0 : i32
      %dma_wait3A_1695 = arith.constant 1 : i32
      %dma_wait3A_1696 = arith.constant 0 : i32
      %dma_wait3A_1697 = tpu.memref_slice %arg8[%dma_wait3A_1694, %dma_wait3A_1695, %dma_wait3A_1696] : memref<2x2x128xi32, #tpu.memory_space<vmem>> -> memref<1x1x128xi32, #tpu.memory_space<vmem>>
      %dma_wait3A_1698 = tpu.memref_squeeze %dma_wait3A_1697 : memref<1x1x128xi32, #tpu.memory_space<vmem>> -> memref<128xi32, #tpu.memory_space<vmem>>
      %dma_wait3A_1699 = arith.constant 0 : i32
      %dma_wait3A_1700 = arith.constant 0 : i32
      %dma_wait3A_1701 = tpu.memref_slice %arg15[%dma_wait3A_1699, %dma_wait3A_1700] : memref<10240x128xf32, #tpu.memory_space<vmem_shared>> -> memref<10240x128xf32, #tpu.memory_space<vmem_shared>>
      tpu.wait_indirect_dma semaphore(%arg22 : memref<!tpu.dma_semaphore, #tpu.memory_space<semaphore_mem>>) src(%arg13 : memref<128x128xf32, #tpu.memory_space<vmem>>) dst(%dma_wait3A_1701 : memref<10240x128xf32, #tpu.memory_space<vmem_shared>>)
      %add3A_1702 = arith.constant 2 : i32
      %add3A_1703 = arith.addi %add3A_1396, %add3A_1702 : i32
      %add3A_1704 = arith.constant 6 : i32
      %add3A_1705 = arith.addi %add3A_1396, %add3A_1704 : i32
      %lt3A_1706 = arith.constant 18 : i32
      %lt3A_1707 = arith.cmpi slt, %scan3A_1392, %lt3A_1706 : i32
      %gt3A_1708 = arith.constant 0 : i32
      %gt3A_1709 = arith.cmpi sgt, %scan3A_1392, %gt3A_1708 : i32
      %dma_wait3A_1710 = arith.constant 0 : i32
      %dma_wait3A_1711 = arith.constant 0 : i32
      %dma_wait3A_1712 = arith.constant 0 : i32
      %dma_wait3A_1713 = tpu.memref_slice %arg8[%dma_wait3A_1710, %dma_wait3A_1711, %dma_wait3A_1712] : memref<2x2x128xi32, #tpu.memory_space<vmem>> -> memref<1x1x128xi32, #tpu.memory_space<vmem>>
      %dma_wait3A_1714 = tpu.memref_squeeze %dma_wait3A_1713 : memref<1x1x128xi32, #tpu.memory_space<vmem>> -> memref<128xi32, #tpu.memory_space<vmem>>
      %dma_wait3A_1715 = arith.constant 0 : i32
      %dma_wait3A_1716 = arith.constant 0 : i32
      %dma_wait3A_1717 = tpu.memref_slice %arg2[%dma_wait3A_1715, %dma_wait3A_1716] : memref<10000x128xf32, #tpu.memory_space<hbm>> -> memref<10000x128xf32, #tpu.memory_space<hbm>>
      tpu.wait_indirect_dma semaphore(%arg19 : memref<!tpu.dma_semaphore, #tpu.memory_space<semaphore_mem>>) src(%dma_wait3A_1717 : memref<10000x128xf32, #tpu.memory_space<hbm>>) dst(%arg12 : memref<128x128xf32, #tpu.memory_space<vmem>>)
      %dma_start3A_1718 = arith.constant 0 : i32
      %dma_start3A_1719 = arith.constant 1 : i32
      %dma_start3A_1720 = arith.constant 0 : i32
      %dma_start3A_1721 = tpu.memref_slice %arg9[%dma_start3A_1718, %dma_start3A_1719, %dma_start3A_1720] : memref<2x2x128xi32, #tpu.memory_space<vmem>> -> memref<1x1x128xi32, #tpu.memory_space<vmem>>
      %dma_start3A_1722 = tpu.memref_squeeze %dma_start3A_1721 : memref<1x1x128xi32, #tpu.memory_space<vmem>> -> memref<128xi32, #tpu.memory_space<vmem>>
      %dma_start3A_1723 = arith.constant 0 : i32
      %dma_start3A_1724 = arith.constant 0 : i32
      %dma_start3A_1725 = tpu.memref_slice %arg15[%dma_start3A_1723, %dma_start3A_1724] : memref<10240x128xf32, #tpu.memory_space<vmem_shared>> -> memref<10240x128xf32, #tpu.memory_space<vmem_shared>>
      tpu.enqueue_indirect_dma source(%arg12 : memref<128x128xf32, #tpu.memory_space<vmem>>) target(%dma_start3A_1725 : memref<10240x128xf32, #tpu.memory_space<vmem_shared>>) offsets(%dma_start3A_1722 : memref<128xi32, #tpu.memory_space<vmem>>) semaphore(%arg21 : memref<!tpu.dma_semaphore, #tpu.memory_space<semaphore_mem>>) {add = true}
      %convert_element_type3A_1726 = arith.extui %gt3A_1709 : i1 to i32
      %cond3A_1727 = arith.constant 0 : i32
      %cond3A_1728 = arith.cmpi ne, %convert_element_type3A_1726, %cond3A_1727 : i32
      scf.if %cond3A_1728 {
        %dma_wait3A_2010 = arith.constant 0 : i32
        %dma_wait3A_2011 = arith.constant 0 : i32
        %dma_wait3A_2012 = tpu.memref_slice %arg11[%dma_wait3A_2010, %dma_wait3A_2011] : memref<2x128xi32, #tpu.memory_space<vmem>> -> memref<1x128xi32, #tpu.memory_space<vmem>>
        %dma_wait3A_2013 = tpu.memref_squeeze %dma_wait3A_2012 : memref<1x128xi32, #tpu.memory_space<vmem>> -> memref<128xi32, #tpu.memory_space<vmem>>
        %dma_wait3A_2014 = arith.constant 0 : i32
        %dma_wait3A_2015 = arith.constant 0 : i32
        %dma_wait3A_2016 = tpu.memref_slice %arg16[%dma_wait3A_2014, %dma_wait3A_2015] : memref<10240x16xf32, #tpu.memory_space<vmem_shared>> -> memref<10240x16xf32, #tpu.memory_space<vmem_shared>>
        tpu.wait_indirect_dma semaphore(%arg24 : memref<!tpu.dma_semaphore, #tpu.memory_space<semaphore_mem>>) src(%arg14 : memref<128x16xf32, #tpu.memory_space<vmem>>) dst(%dma_wait3A_2016 : memref<10240x16xf32, #tpu.memory_space<vmem_shared>>)
        %dma_wait3A_2017 = arith.constant 0 : i32
        %dma_wait3A_2018 = arith.constant 0 : i32
        %dma_wait3A_2019 = tpu.memref_slice %arg11[%dma_wait3A_2017, %dma_wait3A_2018] : memref<2x128xi32, #tpu.memory_space<vmem>> -> memref<1x128xi32, #tpu.memory_space<vmem>>
        %dma_wait3A_2020 = tpu.memref_squeeze %dma_wait3A_2019 : memref<1x128xi32, #tpu.memory_space<vmem>> -> memref<128xi32, #tpu.memory_space<vmem>>
        %dma_wait3A_2021 = arith.constant 0 : i32
        %dma_wait3A_2022 = arith.constant 0 : i32
        %dma_wait3A_2023 = tpu.memref_slice %arg16[%dma_wait3A_2021, %dma_wait3A_2022] : memref<10240x16xf32, #tpu.memory_space<vmem_shared>> -> memref<10240x16xf32, #tpu.memory_space<vmem_shared>>
        tpu.wait_indirect_dma semaphore(%arg24 : memref<!tpu.dma_semaphore, #tpu.memory_space<semaphore_mem>>) src(%arg14 : memref<128x16xf32, #tpu.memory_space<vmem>>) dst(%dma_wait3A_2023 : memref<10240x16xf32, #tpu.memory_space<vmem_shared>>)
      } else {
      }
      %get3A_1729 = arith.constant 0 : i32
      %get3A_1730 = arith.constant 1 : i32
      %get3A_1731 = arith.index_cast %get3A_1729 : i32 to index
      %get3A_1732 = arith.index_cast %get3A_1730 : i32 to index
      %get3A_1733 = arith.constant 0 : index
      %get3A_1734 = tpu.vector_load %arg9[%get3A_1731, %get3A_1732, %get3A_1733] {strides = array<i32>} : memref<2x2x128xi32, #tpu.memory_space<vmem>>, vector<1x1x16xi32>,
      %get3A_1735 = vector.shape_cast %get3A_1734 : vector<1x1x16xi32> to vector<16xi32>
      %swap3A_1736 = arith.constant 0 : i32
      %swap3A_1737 = arith.index_cast %swap3A_1736 : i32 to index
      %swap3A_1738 = arith.constant 0 : index
      %swap3A_1739 = tpu.vector_load %arg11[%swap3A_1737, %swap3A_1738] {strides = array<i32>} : memref<2x128xi32, #tpu.memory_space<vmem>>, vector<1x16xi32>,
      %swap3A_1740 = vector.shape_cast %swap3A_1739 : vector<1x16xi32> to vector<16xi32>
      %swap3A_1741 = vector.shape_cast %get3A_1735 : vector<16xi32> to vector<1x16xi32>
      tpu.vector_store %arg11[%swap3A_1737, %swap3A_1738], %swap3A_1741 {strides = array<i32>} : memref<2x128xi32, #tpu.memory_space<vmem>>, vector<1x16xi32>,
      %get3A_1742 = arith.constant 0 : i32
      %get3A_1743 = arith.constant 1 : i32
      %get3A_1744 = arith.index_cast %get3A_1742 : i32 to index
      %get3A_1745 = arith.index_cast %get3A_1743 : i32 to index
      %get3A_1746 = arith.constant 16 : index
      %get3A_1747 = tpu.vector_load %arg9[%get3A_1744, %get3A_1745, %get3A_1746] {strides = array<i32>} : memref<2x2x128xi32, #tpu.memory_space<vmem>>, vector<1x1x16xi32>,
      %get3A_1748 = vector.shape_cast %get3A_1747 : vector<1x1x16xi32> to vector<16xi32>
      %swap3A_1749 = arith.constant 0 : i32
      %swap3A_1750 = arith.index_cast %swap3A_1749 : i32 to index
      %swap3A_1751 = arith.constant 16 : index
      %swap3A_1752 = tpu.vector_load %arg11[%swap3A_1750, %swap3A_1751] {strides = array<i32>} : memref<2x128xi32, #tpu.memory_space<vmem>>, vector<1x16xi32>,
      %swap3A_1753 = vector.shape_cast %swap3A_1752 : vector<1x16xi32> to vector<16xi32>
      %swap3A_1754 = vector.shape_cast %get3A_1748 : vector<16xi32> to vector<1x16xi32>
      tpu.vector_store %arg11[%swap3A_1750, %swap3A_1751], %swap3A_1754 {strides = array<i32>} : memref<2x128xi32, #tpu.memory_space<vmem>>, vector<1x16xi32>,
      %get3A_1755 = arith.constant 0 : i32
      %get3A_1756 = arith.constant 1 : i32
      %get3A_1757 = arith.index_cast %get3A_1755 : i32 to index
      %get3A_1758 = arith.index_cast %get3A_1756 : i32 to index
      %get3A_1759 = arith.constant 32 : index
      %get3A_1760 = tpu.vector_load %arg9[%get3A_1757, %get3A_1758, %get3A_1759] {strides = array<i32>} : memref<2x2x128xi32, #tpu.memory_space<vmem>>, vector<1x1x16xi32>,
      %get3A_1761 = vector.shape_cast %get3A_1760 : vector<1x1x16xi32> to vector<16xi32>
      %swap3A_1762 = arith.constant 0 : i32
      %swap3A_1763 = arith.index_cast %swap3A_1762 : i32 to index
      %swap3A_1764 = arith.constant 32 : index
      %swap3A_1765 = tpu.vector_load %arg11[%swap3A_1763, %swap3A_1764] {strides = array<i32>} : memref<2x128xi32, #tpu.memory_space<vmem>>, vector<1x16xi32>,
      %swap3A_1766 = vector.shape_cast %swap3A_1765 : vector<1x16xi32> to vector<16xi32>
      %swap3A_1767 = vector.shape_cast %get3A_1761 : vector<16xi32> to vector<1x16xi32>
      tpu.vector_store %arg11[%swap3A_1763, %swap3A_1764], %swap3A_1767 {strides = array<i32>} : memref<2x128xi32, #tpu.memory_space<vmem>>, vector<1x16xi32>,
      %get3A_1768 = arith.constant 0 : i32
      %get3A_1769 = arith.constant 1 : i32
      %get3A_1770 = arith.index_cast %get3A_1768 : i32 to index
      %get3A_1771 = arith.index_cast %get3A_1769 : i32 to index
      %get3A_1772 = arith.constant 48 : index
      %get3A_1773 = tpu.vector_load %arg9[%get3A_1770, %get3A_1771, %get3A_1772] {strides = array<i32>} : memref<2x2x128xi32, #tpu.memory_space<vmem>>, vector<1x1x16xi32>,
      %get3A_1774 = vector.shape_cast %get3A_1773 : vector<1x1x16xi32> to vector<16xi32>
      %swap3A_1775 = arith.constant 0 : i32
      %swap3A_1776 = arith.index_cast %swap3A_1775 : i32 to index
      %swap3A_1777 = arith.constant 48 : index
      %swap3A_1778 = tpu.vector_load %arg11[%swap3A_1776, %swap3A_1777] {strides = array<i32>} : memref<2x128xi32, #tpu.memory_space<vmem>>, vector<1x16xi32>,
      %swap3A_1779 = vector.shape_cast %swap3A_1778 : vector<1x16xi32> to vector<16xi32>
      %swap3A_1780 = vector.shape_cast %get3A_1774 : vector<16xi32> to vector<1x16xi32>
      tpu.vector_store %arg11[%swap3A_1776, %swap3A_1777], %swap3A_1780 {strides = array<i32>} : memref<2x128xi32, #tpu.memory_space<vmem>>, vector<1x16xi32>,
      %get3A_1781 = arith.constant 0 : i32
      %get3A_1782 = arith.constant 1 : i32
      %get3A_1783 = arith.index_cast %get3A_1781 : i32 to index
      %get3A_1784 = arith.index_cast %get3A_1782 : i32 to index
      %get3A_1785 = arith.constant 64 : index
      %get3A_1786 = tpu.vector_load %arg9[%get3A_1783, %get3A_1784, %get3A_1785] {strides = array<i32>} : memref<2x2x128xi32, #tpu.memory_space<vmem>>, vector<1x1x16xi32>,
      %get3A_1787 = vector.shape_cast %get3A_1786 : vector<1x1x16xi32> to vector<16xi32>
      %swap3A_1788 = arith.constant 0 : i32
      %swap3A_1789 = arith.index_cast %swap3A_1788 : i32 to index
      %swap3A_1790 = arith.constant 64 : index
      %swap3A_1791 = tpu.vector_load %arg11[%swap3A_1789, %swap3A_1790] {strides = array<i32>} : memref<2x128xi32, #tpu.memory_space<vmem>>, vector<1x16xi32>,
      %swap3A_1792 = vector.shape_cast %swap3A_1791 : vector<1x16xi32> to vector<16xi32>
      %swap3A_1793 = vector.shape_cast %get3A_1787 : vector<16xi32> to vector<1x16xi32>
      tpu.vector_store %arg11[%swap3A_1789, %swap3A_1790], %swap3A_1793 {strides = array<i32>} : memref<2x128xi32, #tpu.memory_space<vmem>>, vector<1x16xi32>,
      %get3A_1794 = arith.constant 0 : i32
      %get3A_1795 = arith.constant 1 : i32
      %get3A_1796 = arith.index_cast %get3A_1794 : i32 to index
      %get3A_1797 = arith.index_cast %get3A_1795 : i32 to index
      %get3A_1798 = arith.constant 80 : index
      %get3A_1799 = tpu.vector_load %arg9[%get3A_1796, %get3A_1797, %get3A_1798] {strides = array<i32>} : memref<2x2x128xi32, #tpu.memory_space<vmem>>, vector<1x1x16xi32>,
      %get3A_1800 = vector.shape_cast %get3A_1799 : vector<1x1x16xi32> to vector<16xi32>
      %swap3A_1801 = arith.constant 0 : i32
      %swap3A_1802 = arith.index_cast %swap3A_1801 : i32 to index
      %swap3A_1803 = arith.constant 80 : index
      %swap3A_1804 = tpu.vector_load %arg11[%swap3A_1802, %swap3A_1803] {strides = array<i32>} : memref<2x128xi32, #tpu.memory_space<vmem>>, vector<1x16xi32>,
      %swap3A_1805 = vector.shape_cast %swap3A_1804 : vector<1x16xi32> to vector<16xi32>
      %swap3A_1806 = vector.shape_cast %get3A_1800 : vector<16xi32> to vector<1x16xi32>
      tpu.vector_store %arg11[%swap3A_1802, %swap3A_1803], %swap3A_1806 {strides = array<i32>} : memref<2x128xi32, #tpu.memory_space<vmem>>, vector<1x16xi32>,
      %get3A_1807 = arith.constant 0 : i32
      %get3A_1808 = arith.constant 1 : i32
      %get3A_1809 = arith.index_cast %get3A_1807 : i32 to index
      %get3A_1810 = arith.index_cast %get3A_1808 : i32 to index
      %get3A_1811 = arith.constant 96 : index
      %get3A_1812 = tpu.vector_load %arg9[%get3A_1809, %get3A_1810, %get3A_1811] {strides = array<i32>} : memref<2x2x128xi32, #tpu.memory_space<vmem>>, vector<1x1x16xi32>,
      %get3A_1813 = vector.shape_cast %get3A_1812 : vector<1x1x16xi32> to vector<16xi32>
      %swap3A_1814 = arith.constant 0 : i32
      %swap3A_1815 = arith.index_cast %swap3A_1814 : i32 to index
      %swap3A_1816 = arith.constant 96 : index
      %swap3A_1817 = tpu.vector_load %arg11[%swap3A_1815, %swap3A_1816] {strides = array<i32>} : memref<2x128xi32, #tpu.memory_space<vmem>>, vector<1x16xi32>,
      %swap3A_1818 = vector.shape_cast %swap3A_1817 : vector<1x16xi32> to vector<16xi32>
      %swap3A_1819 = vector.shape_cast %get3A_1813 : vector<16xi32> to vector<1x16xi32>
      tpu.vector_store %arg11[%swap3A_1815, %swap3A_1816], %swap3A_1819 {strides = array<i32>} : memref<2x128xi32, #tpu.memory_space<vmem>>, vector<1x16xi32>,
      %get3A_1820 = arith.constant 0 : i32
      %get3A_1821 = arith.constant 1 : i32
      %get3A_1822 = arith.index_cast %get3A_1820 : i32 to index
      %get3A_1823 = arith.index_cast %get3A_1821 : i32 to index
      %get3A_1824 = arith.constant 112 : index
      %get3A_1825 = tpu.vector_load %arg9[%get3A_1822, %get3A_1823, %get3A_1824] {strides = array<i32>} : memref<2x2x128xi32, #tpu.memory_space<vmem>>, vector<1x1x16xi32>,
      %get3A_1826 = vector.shape_cast %get3A_1825 : vector<1x1x16xi32> to vector<16xi32>
      %swap3A_1827 = arith.constant 0 : i32
      %swap3A_1828 = arith.index_cast %swap3A_1827 : i32 to index
      %swap3A_1829 = arith.constant 112 : index
      %swap3A_1830 = tpu.vector_load %arg11[%swap3A_1828, %swap3A_1829] {strides = array<i32>} : memref<2x128xi32, #tpu.memory_space<vmem>>, vector<1x16xi32>,
      %swap3A_1831 = vector.shape_cast %swap3A_1830 : vector<1x16xi32> to vector<16xi32>
      %swap3A_1832 = vector.shape_cast %get3A_1826 : vector<16xi32> to vector<1x16xi32>
      tpu.vector_store %arg11[%swap3A_1828, %swap3A_1829], %swap3A_1832 {strides = array<i32>} : memref<2x128xi32, #tpu.memory_space<vmem>>, vector<1x16xi32>,
      %dma_start3A_1833 = arith.constant 0 : i32
      %dma_start3A_1834 = arith.constant 0 : i32
      %dma_start3A_1835 = tpu.memref_slice %arg11[%dma_start3A_1833, %dma_start3A_1834] : memref<2x128xi32, #tpu.memory_space<vmem>> -> memref<1x128xi32, #tpu.memory_space<vmem>>
      %dma_start3A_1836 = tpu.memref_squeeze %dma_start3A_1835 : memref<1x128xi32, #tpu.memory_space<vmem>> -> memref<128xi32, #tpu.memory_space<vmem>>
      %dma_start3A_1837 = arith.constant 0 : i32
      %dma_start3A_1838 = arith.constant 0 : i32
      %dma_start3A_1839 = tpu.memref_slice %arg16[%dma_start3A_1837, %dma_start3A_1838] : memref<10240x16xf32, #tpu.memory_space<vmem_shared>> -> memref<10240x16xf32, #tpu.memory_space<vmem_shared>>
      tpu.enqueue_indirect_dma source(%arg14 : memref<128x16xf32, #tpu.memory_space<vmem>>) target(%dma_start3A_1839 : memref<10240x16xf32, #tpu.memory_space<vmem_shared>>) offsets(%dma_start3A_1836 : memref<128xi32, #tpu.memory_space<vmem>>) semaphore(%arg24 : memref<!tpu.dma_semaphore, #tpu.memory_space<semaphore_mem>>) {add = true}
      %dma_start3A_1840 = arith.constant 1 : i32
      %dma_start3A_1841 = arith.constant 0 : i32
      %dma_start3A_1842 = arith.constant 0 : i32
      %dma_start3A_1843 = tpu.memref_slice %arg9[%dma_start3A_1840, %dma_start3A_1841, %dma_start3A_1842] : memref<2x2x128xi32, #tpu.memory_space<vmem>> -> memref<1x1x128xi32, #tpu.memory_space<vmem>>
      %dma_start3A_1844 = tpu.memref_squeeze %dma_start3A_1843 : memref<1x1x128xi32, #tpu.memory_space<vmem>> -> memref<128xi32, #tpu.memory_space<vmem>>
      %dma_start3A_1845 = arith.constant 0 : i32
      %dma_start3A_1846 = arith.constant 0 : i32
      %dma_start3A_1847 = tpu.memref_slice %arg2[%dma_start3A_1845, %dma_start3A_1846] : memref<10000x128xf32, #tpu.memory_space<hbm>> -> memref<10000x128xf32, #tpu.memory_space<hbm>>
      tpu.enqueue_indirect_dma source(%dma_start3A_1847 : memref<10000x128xf32, #tpu.memory_space<hbm>>) target(%arg13 : memref<128x128xf32, #tpu.memory_space<vmem>>) offsets(%dma_start3A_1844 : memref<128xi32, #tpu.memory_space<vmem>>) semaphore(%arg20 : memref<!tpu.dma_semaphore, #tpu.memory_space<semaphore_mem>>)
      %dma_wait3A_1848 = arith.constant 0 : i32
      %dma_wait3A_1849 = arith.constant 1 : i32
      %dma_wait3A_1850 = arith.constant 0 : i32
      %dma_wait3A_1851 = tpu.memref_slice %arg8[%dma_wait3A_1848, %dma_wait3A_1849, %dma_wait3A_1850] : memref<2x2x128xi32, #tpu.memory_space<vmem>> -> memref<1x1x128xi32, #tpu.memory_space<vmem>>
      %dma_wait3A_1852 = tpu.memref_squeeze %dma_wait3A_1851 : memref<1x1x128xi32, #tpu.memory_space<vmem>> -> memref<128xi32, #tpu.memory_space<vmem>>
      %dma_wait3A_1853 = arith.constant 0 : i32
      %dma_wait3A_1854 = arith.constant 0 : i32
      %dma_wait3A_1855 = tpu.memref_slice %arg15[%dma_wait3A_1853, %dma_wait3A_1854] : memref<10240x128xf32, #tpu.memory_space<vmem_shared>> -> memref<10240x128xf32, #tpu.memory_space<vmem_shared>>
      tpu.wait_indirect_dma semaphore(%arg21 : memref<!tpu.dma_semaphore, #tpu.memory_space<semaphore_mem>>) src(%arg12 : memref<128x128xf32, #tpu.memory_space<vmem>>) dst(%dma_wait3A_1855 : memref<10240x128xf32, #tpu.memory_space<vmem_shared>>)
      %get3A_1856 = arith.constant 1 : i32
      %get3A_1857 = arith.constant 1 : i32
      %get3A_1858 = arith.index_cast %get3A_1856 : i32 to index
      %get3A_1859 = arith.index_cast %get3A_1857 : i32 to index
      %get3A_1860 = arith.constant 0 : index
      %get3A_1861 = tpu.vector_load %arg9[%get3A_1858, %get3A_1859, %get3A_1860] {strides = array<i32>} : memref<2x2x128xi32, #tpu.memory_space<vmem>>, vector<1x1x16xi32>,
      %get3A_1862 = vector.shape_cast %get3A_1861 : vector<1x1x16xi32> to vector<16xi32>
      %swap3A_1863 = arith.constant 1 : i32
      %swap3A_1864 = arith.index_cast %swap3A_1863 : i32 to index
      %swap3A_1865 = arith.constant 0 : index
      %swap3A_1866 = tpu.vector_load %arg11[%swap3A_1864, %swap3A_1865] {strides = array<i32>} : memref<2x128xi32, #tpu.memory_space<vmem>>, vector<1x16xi32>,
      %swap3A_1867 = vector.shape_cast %swap3A_1866 : vector<1x16xi32> to vector<16xi32>
      %swap3A_1868 = vector.shape_cast %get3A_1862 : vector<16xi32> to vector<1x16xi32>
      tpu.vector_store %arg11[%swap3A_1864, %swap3A_1865], %swap3A_1868 {strides = array<i32>} : memref<2x128xi32, #tpu.memory_space<vmem>>, vector<1x16xi32>,
      %get3A_1869 = arith.constant 1 : i32
      %get3A_1870 = arith.constant 1 : i32
      %get3A_1871 = arith.index_cast %get3A_1869 : i32 to index
      %get3A_1872 = arith.index_cast %get3A_1870 : i32 to index
      %get3A_1873 = arith.constant 16 : index
      %get3A_1874 = tpu.vector_load %arg9[%get3A_1871, %get3A_1872, %get3A_1873] {strides = array<i32>} : memref<2x2x128xi32, #tpu.memory_space<vmem>>, vector<1x1x16xi32>,
      %get3A_1875 = vector.shape_cast %get3A_1874 : vector<1x1x16xi32> to vector<16xi32>
      %swap3A_1876 = arith.constant 1 : i32
      %swap3A_1877 = arith.index_cast %swap3A_1876 : i32 to index
      %swap3A_1878 = arith.constant 16 : index
      %swap3A_1879 = tpu.vector_load %arg11[%swap3A_1877, %swap3A_1878] {strides = array<i32>} : memref<2x128xi32, #tpu.memory_space<vmem>>, vector<1x16xi32>,
      %swap3A_1880 = vector.shape_cast %swap3A_1879 : vector<1x16xi32> to vector<16xi32>
      %swap3A_1881 = vector.shape_cast %get3A_1875 : vector<16xi32> to vector<1x16xi32>
      tpu.vector_store %arg11[%swap3A_1877, %swap3A_1878], %swap3A_1881 {strides = array<i32>} : memref<2x128xi32, #tpu.memory_space<vmem>>, vector<1x16xi32>,
      %get3A_1882 = arith.constant 1 : i32
      %get3A_1883 = arith.constant 1 : i32
      %get3A_1884 = arith.index_cast %get3A_1882 : i32 to index
      %get3A_1885 = arith.index_cast %get3A_1883 : i32 to index
      %get3A_1886 = arith.constant 32 : index
      %get3A_1887 = tpu.vector_load %arg9[%get3A_1884, %get3A_1885, %get3A_1886] {strides = array<i32>} : memref<2x2x128xi32, #tpu.memory_space<vmem>>, vector<1x1x16xi32>,
      %get3A_1888 = vector.shape_cast %get3A_1887 : vector<1x1x16xi32> to vector<16xi32>
      %swap3A_1889 = arith.constant 1 : i32
      %swap3A_1890 = arith.index_cast %swap3A_1889 : i32 to index
      %swap3A_1891 = arith.constant 32 : index
      %swap3A_1892 = tpu.vector_load %arg11[%swap3A_1890, %swap3A_1891] {strides = array<i32>} : memref<2x128xi32, #tpu.memory_space<vmem>>, vector<1x16xi32>,
      %swap3A_1893 = vector.shape_cast %swap3A_1892 : vector<1x16xi32> to vector<16xi32>
      %swap3A_1894 = vector.shape_cast %get3A_1888 : vector<16xi32> to vector<1x16xi32>
      tpu.vector_store %arg11[%swap3A_1890, %swap3A_1891], %swap3A_1894 {strides = array<i32>} : memref<2x128xi32, #tpu.memory_space<vmem>>, vector<1x16xi32>,
      %get3A_1895 = arith.constant 1 : i32
      %get3A_1896 = arith.constant 1 : i32
      %get3A_1897 = arith.index_cast %get3A_1895 : i32 to index
      %get3A_1898 = arith.index_cast %get3A_1896 : i32 to index
      %get3A_1899 = arith.constant 48 : index
      %get3A_1900 = tpu.vector_load %arg9[%get3A_1897, %get3A_1898, %get3A_1899] {strides = array<i32>} : memref<2x2x128xi32, #tpu.memory_space<vmem>>, vector<1x1x16xi32>,
      %get3A_1901 = vector.shape_cast %get3A_1900 : vector<1x1x16xi32> to vector<16xi32>
      %swap3A_1902 = arith.constant 1 : i32
      %swap3A_1903 = arith.index_cast %swap3A_1902 : i32 to index
      %swap3A_1904 = arith.constant 48 : index
      %swap3A_1905 = tpu.vector_load %arg11[%swap3A_1903, %swap3A_1904] {strides = array<i32>} : memref<2x128xi32, #tpu.memory_space<vmem>>, vector<1x16xi32>,
      %swap3A_1906 = vector.shape_cast %swap3A_1905 : vector<1x16xi32> to vector<16xi32>
      %swap3A_1907 = vector.shape_cast %get3A_1901 : vector<16xi32> to vector<1x16xi32>
      tpu.vector_store %arg11[%swap3A_1903, %swap3A_1904], %swap3A_1907 {strides = array<i32>} : memref<2x128xi32, #tpu.memory_space<vmem>>, vector<1x16xi32>,
      %get3A_1908 = arith.constant 1 : i32
      %get3A_1909 = arith.constant 1 : i32
      %get3A_1910 = arith.index_cast %get3A_1908 : i32 to index
      %get3A_1911 = arith.index_cast %get3A_1909 : i32 to index
      %get3A_1912 = arith.constant 64 : index
      %get3A_1913 = tpu.vector_load %arg9[%get3A_1910, %get3A_1911, %get3A_1912] {strides = array<i32>} : memref<2x2x128xi32, #tpu.memory_space<vmem>>, vector<1x1x16xi32>,
      %get3A_1914 = vector.shape_cast %get3A_1913 : vector<1x1x16xi32> to vector<16xi32>
      %swap3A_1915 = arith.constant 1 : i32
      %swap3A_1916 = arith.index_cast %swap3A_1915 : i32 to index
      %swap3A_1917 = arith.constant 64 : index
      %swap3A_1918 = tpu.vector_load %arg11[%swap3A_1916, %swap3A_1917] {strides = array<i32>} : memref<2x128xi32, #tpu.memory_space<vmem>>, vector<1x16xi32>,
      %swap3A_1919 = vector.shape_cast %swap3A_1918 : vector<1x16xi32> to vector<16xi32>
      %swap3A_1920 = vector.shape_cast %get3A_1914 : vector<16xi32> to vector<1x16xi32>
      tpu.vector_store %arg11[%swap3A_1916, %swap3A_1917], %swap3A_1920 {strides = array<i32>} : memref<2x128xi32, #tpu.memory_space<vmem>>, vector<1x16xi32>,
      %get3A_1921 = arith.constant 1 : i32
      %get3A_1922 = arith.constant 1 : i32
      %get3A_1923 = arith.index_cast %get3A_1921 : i32 to index
      %get3A_1924 = arith.index_cast %get3A_1922 : i32 to index
      %get3A_1925 = arith.constant 80 : index
      %get3A_1926 = tpu.vector_load %arg9[%get3A_1923, %get3A_1924, %get3A_1925] {strides = array<i32>} : memref<2x2x128xi32, #tpu.memory_space<vmem>>, vector<1x1x16xi32>,
      %get3A_1927 = vector.shape_cast %get3A_1926 : vector<1x1x16xi32> to vector<16xi32>
      %swap3A_1928 = arith.constant 1 : i32
      %swap3A_1929 = arith.index_cast %swap3A_1928 : i32 to index
      %swap3A_1930 = arith.constant 80 : index
      %swap3A_1931 = tpu.vector_load %arg11[%swap3A_1929, %swap3A_1930] {strides = array<i32>} : memref<2x128xi32, #tpu.memory_space<vmem>>, vector<1x16xi32>,
      %swap3A_1932 = vector.shape_cast %swap3A_1931 : vector<1x16xi32> to vector<16xi32>
      %swap3A_1933 = vector.shape_cast %get3A_1927 : vector<16xi32> to vector<1x16xi32>
      tpu.vector_store %arg11[%swap3A_1929, %swap3A_1930], %swap3A_1933 {strides = array<i32>} : memref<2x128xi32, #tpu.memory_space<vmem>>, vector<1x16xi32>,
      %get3A_1934 = arith.constant 1 : i32
      %get3A_1935 = arith.constant 1 : i32
      %get3A_1936 = arith.index_cast %get3A_1934 : i32 to index
      %get3A_1937 = arith.index_cast %get3A_1935 : i32 to index
      %get3A_1938 = arith.constant 96 : index
      %get3A_1939 = tpu.vector_load %arg9[%get3A_1936, %get3A_1937, %get3A_1938] {strides = array<i32>} : memref<2x2x128xi32, #tpu.memory_space<vmem>>, vector<1x1x16xi32>,
      %get3A_1940 = vector.shape_cast %get3A_1939 : vector<1x1x16xi32> to vector<16xi32>
      %swap3A_1941 = arith.constant 1 : i32
      %swap3A_1942 = arith.index_cast %swap3A_1941 : i32 to index
      %swap3A_1943 = arith.constant 96 : index
      %swap3A_1944 = tpu.vector_load %arg11[%swap3A_1942, %swap3A_1943] {strides = array<i32>} : memref<2x128xi32, #tpu.memory_space<vmem>>, vector<1x16xi32>,
      %swap3A_1945 = vector.shape_cast %swap3A_1944 : vector<1x16xi32> to vector<16xi32>
      %swap3A_1946 = vector.shape_cast %get3A_1940 : vector<16xi32> to vector<1x16xi32>
      tpu.vector_store %arg11[%swap3A_1942, %swap3A_1943], %swap3A_1946 {strides = array<i32>} : memref<2x128xi32, #tpu.memory_space<vmem>>, vector<1x16xi32>,
      %get3A_1947 = arith.constant 1 : i32
      %get3A_1948 = arith.constant 1 : i32
      %get3A_1949 = arith.index_cast %get3A_1947 : i32 to index
      %get3A_1950 = arith.index_cast %get3A_1948 : i32 to index
      %get3A_1951 = arith.constant 112 : index
      %get3A_1952 = tpu.vector_load %arg9[%get3A_1949, %get3A_1950, %get3A_1951] {strides = array<i32>} : memref<2x2x128xi32, #tpu.memory_space<vmem>>, vector<1x1x16xi32>,
      %get3A_1953 = vector.shape_cast %get3A_1952 : vector<1x1x16xi32> to vector<16xi32>
      %swap3A_1954 = arith.constant 1 : i32
      %swap3A_1955 = arith.index_cast %swap3A_1954 : i32 to index
      %swap3A_1956 = arith.constant 112 : index
      %swap3A_1957 = tpu.vector_load %arg11[%swap3A_1955, %swap3A_1956] {strides = array<i32>} : memref<2x128xi32, #tpu.memory_space<vmem>>, vector<1x16xi32>,
      %swap3A_1958 = vector.shape_cast %swap3A_1957 : vector<1x16xi32> to vector<16xi32>
      %swap3A_1959 = vector.shape_cast %get3A_1953 : vector<16xi32> to vector<1x16xi32>
      tpu.vector_store %arg11[%swap3A_1955, %swap3A_1956], %swap3A_1959 {strides = array<i32>} : memref<2x128xi32, #tpu.memory_space<vmem>>, vector<1x16xi32>,
      %dma_start3A_1960 = arith.constant 1 : i32
      %dma_start3A_1961 = arith.constant 0 : i32
      %dma_start3A_1962 = tpu.memref_slice %arg11[%dma_start3A_1960, %dma_start3A_1961] : memref<2x128xi32, #tpu.memory_space<vmem>> -> memref<1x128xi32, #tpu.memory_space<vmem>>
      %dma_start3A_1963 = tpu.memref_squeeze %dma_start3A_1962 : memref<1x128xi32, #tpu.memory_space<vmem>> -> memref<128xi32, #tpu.memory_space<vmem>>
      %dma_start3A_1964 = arith.constant 0 : i32
      %dma_start3A_1965 = arith.constant 0 : i32
      %dma_start3A_1966 = tpu.memref_slice %arg16[%dma_start3A_1964, %dma_start3A_1965] : memref<10240x16xf32, #tpu.memory_space<vmem_shared>> -> memref<10240x16xf32, #tpu.memory_space<vmem_shared>>
      tpu.enqueue_indirect_dma source(%arg14 : memref<128x16xf32, #tpu.memory_space<vmem>>) target(%dma_start3A_1966 : memref<10240x16xf32, #tpu.memory_space<vmem_shared>>) offsets(%dma_start3A_1963 : memref<128xi32, #tpu.memory_space<vmem>>) semaphore(%arg24 : memref<!tpu.dma_semaphore, #tpu.memory_space<semaphore_mem>>) {add = true}
      %dma_wait3A_1967 = arith.constant 0 : i32
      %dma_wait3A_1968 = arith.constant 0 : i32
      %dma_wait3A_1969 = arith.constant 0 : i32
      %dma_wait3A_1970 = tpu.memref_slice %arg8[%dma_wait3A_1967, %dma_wait3A_1968, %dma_wait3A_1969] : memref<2x2x128xi32, #tpu.memory_space<vmem>> -> memref<1x1x128xi32, #tpu.memory_space<vmem>>
      %dma_wait3A_1971 = tpu.memref_squeeze %dma_wait3A_1970 : memref<1x1x128xi32, #tpu.memory_space<vmem>> -> memref<128xi32, #tpu.memory_space<vmem>>
      %dma_wait3A_1972 = arith.constant 0 : i32
      %dma_wait3A_1973 = arith.constant 0 : i32
      %dma_wait3A_1974 = tpu.memref_slice %arg2[%dma_wait3A_1972, %dma_wait3A_1973] : memref<10000x128xf32, #tpu.memory_space<hbm>> -> memref<10000x128xf32, #tpu.memory_space<hbm>>
      tpu.wait_indirect_dma semaphore(%arg20 : memref<!tpu.dma_semaphore, #tpu.memory_space<semaphore_mem>>) src(%dma_wait3A_1974 : memref<10000x128xf32, #tpu.memory_space<hbm>>) dst(%arg13 : memref<128x128xf32, #tpu.memory_space<vmem>>)
      %convert_element_type3A_1975 = arith.extui %lt3A_1707 : i1 to i32
      %cond3A_1976 = arith.constant 0 : i32
      %cond3A_1977 = arith.cmpi ne, %convert_element_type3A_1975, %cond3A_1976 : i32
      scf.if %cond3A_1977 {
        %dma_start3A_2010 = arith.constant 0 : i32
        %dma_start3A_2011 = arith.constant 0 : i32
        %dma_start3A_2012 = tpu.memref_slice %arg3[%add3A_1705, %dma_start3A_2010, %dma_start3A_2011] : memref<2500x2x128xi32, #tpu.memory_space<hbm>> -> memref<2x2x128xi32, #tpu.memory_space<hbm>>
        %dma_start3A_2013 = arith.constant 0 : i32
        %dma_start3A_2014 = arith.constant 0 : i32
        %dma_start3A_2015 = tpu.memref_slice %arg3[%add3A_1705, %dma_start3A_2013, %dma_start3A_2014] : memref<2500x2x128xi32, #tpu.memory_space<hbm>> -> memref<2x2x128xi32, #tpu.memory_space<hbm>>
        tpu.enqueue_dma source(%dma_start3A_2015 : memref<2x2x128xi32, #tpu.memory_space<hbm>>) target(%arg9 : memref<2x2x128xi32, #tpu.memory_space<vmem>>) target_semaphore(%arg18 : memref<!tpu.dma_semaphore, #tpu.memory_space<semaphore_mem>>)
      } else {
      }
      %dma_start3A_1978 = arith.constant 1 : i32
      %dma_start3A_1979 = arith.constant 0 : i32
      %dma_start3A_1980 = tpu.memref_slice %arg11[%dma_start3A_1978, %dma_start3A_1979] : memref<2x128xi32, #tpu.memory_space<vmem>> -> memref<1x128xi32, #tpu.memory_space<vmem>>
      %dma_start3A_1981 = tpu.memref_squeeze %dma_start3A_1980 : memref<1x128xi32, #tpu.memory_space<vmem>> -> memref<128xi32, #tpu.memory_space<vmem>>
      %dma_start3A_1982 = arith.constant 0 : i32
      %dma_start3A_1983 = arith.constant 0 : i32
      %dma_start3A_1984 = tpu.memref_slice %arg15[%dma_start3A_1982, %dma_start3A_1983] : memref<10240x128xf32, #tpu.memory_space<vmem_shared>> -> memref<10240x128xf32, #tpu.memory_space<vmem_shared>>
      tpu.enqueue_indirect_dma source(%arg13 : memref<128x128xf32, #tpu.memory_space<vmem>>) target(%dma_start3A_1984 : memref<10240x128xf32, #tpu.memory_space<vmem_shared>>) offsets(%dma_start3A_1981 : memref<128xi32, #tpu.memory_space<vmem>>) semaphore(%arg22 : memref<!tpu.dma_semaphore, #tpu.memory_space<semaphore_mem>>) {add = true}
      %dma_wait3A_1985 = arith.constant 0 : i32
      %dma_wait3A_1986 = arith.constant 0 : i32
      %dma_wait3A_1987 = arith.constant 0 : i32
      %dma_wait3A_1988 = tpu.memref_slice %arg3[%dma_wait3A_1985, %dma_wait3A_1986, %dma_wait3A_1987] : memref<2500x2x128xi32, #tpu.memory_space<hbm>> -> memref<2x2x128xi32, #tpu.memory_space<hbm>>
      %dma_wait3A_1989 = arith.constant 0 : i32
      %dma_wait3A_1990 = arith.constant 0 : i32
      %dma_wait3A_1991 = arith.constant 0 : i32
      %dma_wait3A_1992 = tpu.memref_slice %arg3[%dma_wait3A_1989, %dma_wait3A_1990, %dma_wait3A_1991] : memref<2500x2x128xi32, #tpu.memory_space<hbm>> -> memref<2x2x128xi32, #tpu.memory_space<hbm>>
      tpu.wait_dma2 semaphore(%arg17 : memref<!tpu.dma_semaphore, #tpu.memory_space<semaphore_mem>>) src(%dma_wait3A_1992 : memref<2x2x128xi32, #tpu.memory_space<hbm>>) dst(%arg8 : memref<2x2x128xi32, #tpu.memory_space<vmem>>)
      %dma_start3A_1993 = arith.constant 0 : i32
      %dma_start3A_1994 = arith.constant 0 : i32
      %dma_start3A_1995 = arith.constant 0 : i32
      %dma_start3A_1996 = tpu.memref_slice %arg8[%dma_start3A_1993, %dma_start3A_1994, %dma_start3A_1995] : memref<2x2x128xi32, #tpu.memory_space<vmem>> -> memref<1x1x128xi32, #tpu.memory_space<vmem>>
      %dma_start3A_1997 = tpu.memref_squeeze %dma_start3A_1996 : memref<1x1x128xi32, #tpu.memory_space<vmem>> -> memref<128xi32, #tpu.memory_space<vmem>>
      %dma_start3A_1998 = arith.constant 0 : i32
      %dma_start3A_1999 = arith.constant 0 : i32
      %dma_start3A_2000 = tpu.memref_slice %arg2[%dma_start3A_1998, %dma_start3A_1999] : memref<10000x128xf32, #tpu.memory_space<hbm>> -> memref<10000x128xf32, #tpu.memory_space<hbm>>
      tpu.enqueue_indirect_dma source(%dma_start3A_2000 : memref<10000x128xf32, #tpu.memory_space<hbm>>) target(%arg12 : memref<128x128xf32, #tpu.memory_space<vmem>>) offsets(%dma_start3A_1997 : memref<128xi32, #tpu.memory_space<vmem>>) semaphore(%arg19 : memref<!tpu.dma_semaphore, #tpu.memory_space<semaphore_mem>>)
      %dma_wait3A_2001 = arith.constant 0 : i32
      %dma_wait3A_2002 = arith.constant 1 : i32
      %dma_wait3A_2003 = arith.constant 0 : i32
      %dma_wait3A_2004 = tpu.memref_slice %arg8[%dma_wait3A_2001, %dma_wait3A_2002, %dma_wait3A_2003] : memref<2x2x128xi32, #tpu.memory_space<vmem>> -> memref<1x1x128xi32, #tpu.memory_space<vmem>>
      %dma_wait3A_2005 = tpu.memref_squeeze %dma_wait3A_2004 : memref<1x1x128xi32, #tpu.memory_space<vmem>> -> memref<128xi32, #tpu.memory_space<vmem>>
      %dma_wait3A_2006 = arith.constant 0 : i32
      %dma_wait3A_2007 = arith.constant 0 : i32
      %dma_wait3A_2008 = tpu.memref_slice %arg15[%dma_wait3A_2006, %dma_wait3A_2007] : memref<10240x128xf32, #tpu.memory_space<vmem_shared>> -> memref<10240x128xf32, #tpu.memory_space<vmem_shared>>
      tpu.wait_indirect_dma semaphore(%arg22 : memref<!tpu.dma_semaphore, #tpu.memory_space<semaphore_mem>>) src(%arg13 : memref<128x128xf32, #tpu.memory_space<vmem>>) dst(%dma_wait3A_2008 : memref<10240x128xf32, #tpu.memory_space<vmem_shared>>)
      %scan3A_2009 = arith.constant 0 : i32
      scf.yield %scan3A_2009 : i32
    }
    %scan3A_1062 = arith.constant 19 : i32
    %dma_wait3A_1063 = arith.constant 0 : i32
    %dma_wait3A_1064 = arith.constant 0 : i32
    %dma_wait3A_1065 = arith.constant 0 : i32
    %dma_wait3A_1066 = tpu.memref_slice %arg8[%dma_wait3A_1063, %dma_wait3A_1064, %dma_wait3A_1065] : memref<2x2x128xi32, #tpu.memory_space<vmem>> -> memref<1x1x128xi32, #tpu.memory_space<vmem>>
    %dma_wait3A_1067 = tpu.memref_squeeze %dma_wait3A_1066 : memref<1x1x128xi32, #tpu.memory_space<vmem>> -> memref<128xi32, #tpu.memory_space<vmem>>
    %dma_wait3A_1068 = arith.constant 0 : i32
    %dma_wait3A_1069 = arith.constant 0 : i32
    %dma_wait3A_1070 = tpu.memref_slice %arg2[%dma_wait3A_1068, %dma_wait3A_1069] : memref<10000x128xf32, #tpu.memory_space<hbm>> -> memref<10000x128xf32, #tpu.memory_space<hbm>>
    tpu.wait_indirect_dma semaphore(%arg19 : memref<!tpu.dma_semaphore, #tpu.memory_space<semaphore_mem>>) src(%dma_wait3A_1070 : memref<10000x128xf32, #tpu.memory_space<hbm>>) dst(%arg12 : memref<128x128xf32, #tpu.memory_space<vmem>>)
    %dma_start3A_1071 = arith.constant 0 : i32
    %dma_start3A_1072 = arith.constant 1 : i32
    %dma_start3A_1073 = arith.constant 0 : i32
    %dma_start3A_1074 = tpu.memref_slice %arg8[%dma_start3A_1071, %dma_start3A_1072, %dma_start3A_1073] : memref<2x2x128xi32, #tpu.memory_space<vmem>> -> memref<1x1x128xi32, #tpu.memory_space<vmem>>
    %dma_start3A_1075 = tpu.memref_squeeze %dma_start3A_1074 : memref<1x1x128xi32, #tpu.memory_space<vmem>> -> memref<128xi32, #tpu.memory_space<vmem>>
    %dma_start3A_1076 = arith.constant 0 : i32
    %dma_start3A_1077 = arith.constant 0 : i32
    %dma_start3A_1078 = tpu.memref_slice %arg15[%dma_start3A_1076, %dma_start3A_1077] : memref<10240x128xf32, #tpu.memory_space<vmem_shared>> -> memref<10240x128xf32, #tpu.memory_space<vmem_shared>>
    tpu.enqueue_indirect_dma source(%arg12 : memref<128x128xf32, #tpu.memory_space<vmem>>) target(%dma_start3A_1078 : memref<10240x128xf32, #tpu.memory_space<vmem_shared>>) offsets(%dma_start3A_1075 : memref<128xi32, #tpu.memory_space<vmem>>) semaphore(%arg21 : memref<!tpu.dma_semaphore, #tpu.memory_space<semaphore_mem>>) {add = true}
    %dma_wait3A_1079 = arith.constant 0 : i32
    %dma_wait3A_1080 = arith.constant 0 : i32
    %dma_wait3A_1081 = tpu.memref_slice %arg10[%dma_wait3A_1079, %dma_wait3A_1080] : memref<2x128xi32, #tpu.memory_space<vmem>> -> memref<1x128xi32, #tpu.memory_space<vmem>>
    %dma_wait3A_1082 = tpu.memref_squeeze %dma_wait3A_1081 : memref<1x128xi32, #tpu.memory_space<vmem>> -> memref<128xi32, #tpu.memory_space<vmem>>
    %dma_wait3A_1083 = arith.constant 0 : i32
    %dma_wait3A_1084 = arith.constant 0 : i32
    %dma_wait3A_1085 = tpu.memref_slice %arg16[%dma_wait3A_1083, %dma_wait3A_1084] : memref<10240x16xf32, #tpu.memory_space<vmem_shared>> -> memref<10240x16xf32, #tpu.memory_space<vmem_shared>>
    tpu.wait_indirect_dma semaphore(%arg23 : memref<!tpu.dma_semaphore, #tpu.memory_space<semaphore_mem>>) src(%arg14 : memref<128x16xf32, #tpu.memory_space<vmem>>) dst(%dma_wait3A_1085 : memref<10240x16xf32, #tpu.memory_space<vmem_shared>>)
    %dma_wait3A_1086 = arith.constant 0 : i32
    %dma_wait3A_1087 = arith.constant 0 : i32
    %dma_wait3A_1088 = tpu.memref_slice %arg10[%dma_wait3A_1086, %dma_wait3A_1087] : memref<2x128xi32, #tpu.memory_space<vmem>> -> memref<1x128xi32, #tpu.memory_space<vmem>>
    %dma_wait3A_1089 = tpu.memref_squeeze %dma_wait3A_1088 : memref<1x128xi32, #tpu.memory_space<vmem>> -> memref<128xi32, #tpu.memory_space<vmem>>
    %dma_wait3A_1090 = arith.constant 0 : i32
    %dma_wait3A_1091 = arith.constant 0 : i32
    %dma_wait3A_1092 = tpu.memref_slice %arg16[%dma_wait3A_1090, %dma_wait3A_1091] : memref<10240x16xf32, #tpu.memory_space<vmem_shared>> -> memref<10240x16xf32, #tpu.memory_space<vmem_shared>>
    tpu.wait_indirect_dma semaphore(%arg23 : memref<!tpu.dma_semaphore, #tpu.memory_space<semaphore_mem>>) src(%arg14 : memref<128x16xf32, #tpu.memory_space<vmem>>) dst(%dma_wait3A_1092 : memref<10240x16xf32, #tpu.memory_space<vmem_shared>>)
    %get3A = arith.constant 0 : i32
    %get3A_1093 = arith.constant 1 : i32
    %get3A_1094 = arith.index_cast %get3A : i32 to index
    %get3A_1095 = arith.index_cast %get3A_1093 : i32 to index
    %get3A_1096 = arith.constant 0 : index
    %get3A_1097 = tpu.vector_load %arg8[%get3A_1094, %get3A_1095, %get3A_1096] {strides = array<i32>} : memref<2x2x128xi32, #tpu.memory_space<vmem>>, vector<1x1x16xi32>,
    %get3A_1098 = vector.shape_cast %get3A_1097 : vector<1x1x16xi32> to vector<16xi32>
    %swap3A_1099 = arith.constant 0 : i32
    %swap3A_1100 = arith.index_cast %swap3A_1099 : i32 to index
    %swap3A_1101 = arith.constant 0 : index
    %swap3A_1102 = tpu.vector_load %arg10[%swap3A_1100, %swap3A_1101] {strides = array<i32>} : memref<2x128xi32, #tpu.memory_space<vmem>>, vector<1x16xi32>,
    %swap3A_1103 = vector.shape_cast %swap3A_1102 : vector<1x16xi32> to vector<16xi32>
    %swap3A_1104 = vector.shape_cast %get3A_1098 : vector<16xi32> to vector<1x16xi32>
    tpu.vector_store %arg10[%swap3A_1100, %swap3A_1101], %swap3A_1104 {strides = array<i32>} : memref<2x128xi32, #tpu.memory_space<vmem>>, vector<1x16xi32>,
    %get3A_1105 = arith.constant 0 : i32
    %get3A_1106 = arith.constant 1 : i32
    %get3A_1107 = arith.index_cast %get3A_1105 : i32 to index
    %get3A_1108 = arith.index_cast %get3A_1106 : i32 to index
    %get3A_1109 = arith.constant 16 : index
    %get3A_1110 = tpu.vector_load %arg8[%get3A_1107, %get3A_1108, %get3A_1109] {strides = array<i32>} : memref<2x2x128xi32, #tpu.memory_space<vmem>>, vector<1x1x16xi32>,
    %get3A_1111 = vector.shape_cast %get3A_1110 : vector<1x1x16xi32> to vector<16xi32>
    %swap3A_1112 = arith.constant 0 : i32
    %swap3A_1113 = arith.index_cast %swap3A_1112 : i32 to index
    %swap3A_1114 = arith.constant 16 : index
    %swap3A_1115 = tpu.vector_load %arg10[%swap3A_1113, %swap3A_1114] {strides = array<i32>} : memref<2x128xi32, #tpu.memory_space<vmem>>, vector<1x16xi32>,
    %swap3A_1116 = vector.shape_cast %swap3A_1115 : vector<1x16xi32> to vector<16xi32>
    %swap3A_1117 = vector.shape_cast %get3A_1111 : vector<16xi32> to vector<1x16xi32>
    tpu.vector_store %arg10[%swap3A_1113, %swap3A_1114], %swap3A_1117 {strides = array<i32>} : memref<2x128xi32, #tpu.memory_space<vmem>>, vector<1x16xi32>,
    %get3A_1118 = arith.constant 0 : i32
    %get3A_1119 = arith.constant 1 : i32
    %get3A_1120 = arith.index_cast %get3A_1118 : i32 to index
    %get3A_1121 = arith.index_cast %get3A_1119 : i32 to index
    %get3A_1122 = arith.constant 32 : index
    %get3A_1123 = tpu.vector_load %arg8[%get3A_1120, %get3A_1121, %get3A_1122] {strides = array<i32>} : memref<2x2x128xi32, #tpu.memory_space<vmem>>, vector<1x1x16xi32>,
    %get3A_1124 = vector.shape_cast %get3A_1123 : vector<1x1x16xi32> to vector<16xi32>
    %swap3A_1125 = arith.constant 0 : i32
    %swap3A_1126 = arith.index_cast %swap3A_1125 : i32 to index
    %swap3A_1127 = arith.constant 32 : index
    %swap3A_1128 = tpu.vector_load %arg10[%swap3A_1126, %swap3A_1127] {strides = array<i32>} : memref<2x128xi32, #tpu.memory_space<vmem>>, vector<1x16xi32>,
    %swap3A_1129 = vector.shape_cast %swap3A_1128 : vector<1x16xi32> to vector<16xi32>
    %swap3A_1130 = vector.shape_cast %get3A_1124 : vector<16xi32> to vector<1x16xi32>
    tpu.vector_store %arg10[%swap3A_1126, %swap3A_1127], %swap3A_1130 {strides = array<i32>} : memref<2x128xi32, #tpu.memory_space<vmem>>, vector<1x16xi32>,
    %get3A_1131 = arith.constant 0 : i32
    %get3A_1132 = arith.constant 1 : i32
    %get3A_1133 = arith.index_cast %get3A_1131 : i32 to index
    %get3A_1134 = arith.index_cast %get3A_1132 : i32 to index
    %get3A_1135 = arith.constant 48 : index
    %get3A_1136 = tpu.vector_load %arg8[%get3A_1133, %get3A_1134, %get3A_1135] {strides = array<i32>} : memref<2x2x128xi32, #tpu.memory_space<vmem>>, vector<1x1x16xi32>,
    %get3A_1137 = vector.shape_cast %get3A_1136 : vector<1x1x16xi32> to vector<16xi32>
    %swap3A_1138 = arith.constant 0 : i32
    %swap3A_1139 = arith.index_cast %swap3A_1138 : i32 to index
    %swap3A_1140 = arith.constant 48 : index
    %swap3A_1141 = tpu.vector_load %arg10[%swap3A_1139, %swap3A_1140] {strides = array<i32>} : memref<2x128xi32, #tpu.memory_space<vmem>>, vector<1x16xi32>,
    %swap3A_1142 = vector.shape_cast %swap3A_1141 : vector<1x16xi32> to vector<16xi32>
    %swap3A_1143 = vector.shape_cast %get3A_1137 : vector<16xi32> to vector<1x16xi32>
    tpu.vector_store %arg10[%swap3A_1139, %swap3A_1140], %swap3A_1143 {strides = array<i32>} : memref<2x128xi32, #tpu.memory_space<vmem>>, vector<1x16xi32>,
    %get3A_1144 = arith.constant 0 : i32
    %get3A_1145 = arith.constant 1 : i32
    %get3A_1146 = arith.index_cast %get3A_1144 : i32 to index
    %get3A_1147 = arith.index_cast %get3A_1145 : i32 to index
    %get3A_1148 = arith.constant 64 : index
    %get3A_1149 = tpu.vector_load %arg8[%get3A_1146, %get3A_1147, %get3A_1148] {strides = array<i32>} : memref<2x2x128xi32, #tpu.memory_space<vmem>>, vector<1x1x16xi32>,
    %get3A_1150 = vector.shape_cast %get3A_1149 : vector<1x1x16xi32> to vector<16xi32>
    %swap3A_1151 = arith.constant 0 : i32
    %swap3A_1152 = arith.index_cast %swap3A_1151 : i32 to index
    %swap3A_1153 = arith.constant 64 : index
    %swap3A_1154 = tpu.vector_load %arg10[%swap3A_1152, %swap3A_1153] {strides = array<i32>} : memref<2x128xi32, #tpu.memory_space<vmem>>, vector<1x16xi32>,
    %swap3A_1155 = vector.shape_cast %swap3A_1154 : vector<1x16xi32> to vector<16xi32>
    %swap3A_1156 = vector.shape_cast %get3A_1150 : vector<16xi32> to vector<1x16xi32>
    tpu.vector_store %arg10[%swap3A_1152, %swap3A_1153], %swap3A_1156 {strides = array<i32>} : memref<2x128xi32, #tpu.memory_space<vmem>>, vector<1x16xi32>,
    %get3A_1157 = arith.constant 0 : i32
    %get3A_1158 = arith.constant 1 : i32
    %get3A_1159 = arith.index_cast %get3A_1157 : i32 to index
    %get3A_1160 = arith.index_cast %get3A_1158 : i32 to index
    %get3A_1161 = arith.constant 80 : index
    %get3A_1162 = tpu.vector_load %arg8[%get3A_1159, %get3A_1160, %get3A_1161] {strides = array<i32>} : memref<2x2x128xi32, #tpu.memory_space<vmem>>, vector<1x1x16xi32>,
    %get3A_1163 = vector.shape_cast %get3A_1162 : vector<1x1x16xi32> to vector<16xi32>
    %swap3A_1164 = arith.constant 0 : i32
    %swap3A_1165 = arith.index_cast %swap3A_1164 : i32 to index
    %swap3A_1166 = arith.constant 80 : index
    %swap3A_1167 = tpu.vector_load %arg10[%swap3A_1165, %swap3A_1166] {strides = array<i32>} : memref<2x128xi32, #tpu.memory_space<vmem>>, vector<1x16xi32>,
    %swap3A_1168 = vector.shape_cast %swap3A_1167 : vector<1x16xi32> to vector<16xi32>
    %swap3A_1169 = vector.shape_cast %get3A_1163 : vector<16xi32> to vector<1x16xi32>
    tpu.vector_store %arg10[%swap3A_1165, %swap3A_1166], %swap3A_1169 {strides = array<i32>} : memref<2x128xi32, #tpu.memory_space<vmem>>, vector<1x16xi32>,
    %get3A_1170 = arith.constant 0 : i32
    %get3A_1171 = arith.constant 1 : i32
    %get3A_1172 = arith.index_cast %get3A_1170 : i32 to index
    %get3A_1173 = arith.index_cast %get3A_1171 : i32 to index
    %get3A_1174 = arith.constant 96 : index
    %get3A_1175 = tpu.vector_load %arg8[%get3A_1172, %get3A_1173, %get3A_1174] {strides = array<i32>} : memref<2x2x128xi32, #tpu.memory_space<vmem>>, vector<1x1x16xi32>,
    %get3A_1176 = vector.shape_cast %get3A_1175 : vector<1x1x16xi32> to vector<16xi32>
    %swap3A_1177 = arith.constant 0 : i32
    %swap3A_1178 = arith.index_cast %swap3A_1177 : i32 to index
    %swap3A_1179 = arith.constant 96 : index
    %swap3A_1180 = tpu.vector_load %arg10[%swap3A_1178, %swap3A_1179] {strides = array<i32>} : memref<2x128xi32, #tpu.memory_space<vmem>>, vector<1x16xi32>,
    %swap3A_1181 = vector.shape_cast %swap3A_1180 : vector<1x16xi32> to vector<16xi32>
    %swap3A_1182 = vector.shape_cast %get3A_1176 : vector<16xi32> to vector<1x16xi32>
    tpu.vector_store %arg10[%swap3A_1178, %swap3A_1179], %swap3A_1182 {strides = array<i32>} : memref<2x128xi32, #tpu.memory_space<vmem>>, vector<1x16xi32>,
    %get3A_1183 = arith.constant 0 : i32
    %get3A_1184 = arith.constant 1 : i32
    %get3A_1185 = arith.index_cast %get3A_1183 : i32 to index
    %get3A_1186 = arith.index_cast %get3A_1184 : i32 to index
    %get3A_1187 = arith.constant 112 : index
    %get3A_1188 = tpu.vector_load %arg8[%get3A_1185, %get3A_1186, %get3A_1187] {strides = array<i32>} : memref<2x2x128xi32, #tpu.memory_space<vmem>>, vector<1x1x16xi32>,
    %get3A_1189 = vector.shape_cast %get3A_1188 : vector<1x1x16xi32> to vector<16xi32>
    %swap3A_1190 = arith.constant 0 : i32
    %swap3A_1191 = arith.index_cast %swap3A_1190 : i32 to index
    %swap3A_1192 = arith.constant 112 : index
    %swap3A_1193 = tpu.vector_load %arg10[%swap3A_1191, %swap3A_1192] {strides = array<i32>} : memref<2x128xi32, #tpu.memory_space<vmem>>, vector<1x16xi32>,
    %swap3A_1194 = vector.shape_cast %swap3A_1193 : vector<1x16xi32> to vector<16xi32>
    %swap3A_1195 = vector.shape_cast %get3A_1189 : vector<16xi32> to vector<1x16xi32>
    tpu.vector_store %arg10[%swap3A_1191, %swap3A_1192], %swap3A_1195 {strides = array<i32>} : memref<2x128xi32, #tpu.memory_space<vmem>>, vector<1x16xi32>,
    %dma_start3A_1196 = arith.constant 0 : i32
    %dma_start3A_1197 = arith.constant 0 : i32
    %dma_start3A_1198 = tpu.memref_slice %arg10[%dma_start3A_1196, %dma_start3A_1197] : memref<2x128xi32, #tpu.memory_space<vmem>> -> memref<1x128xi32, #tpu.memory_space<vmem>>
    %dma_start3A_1199 = tpu.memref_squeeze %dma_start3A_1198 : memref<1x128xi32, #tpu.memory_space<vmem>> -> memref<128xi32, #tpu.memory_space<vmem>>
    %dma_start3A_1200 = arith.constant 0 : i32
    %dma_start3A_1201 = arith.constant 0 : i32
    %dma_start3A_1202 = tpu.memref_slice %arg16[%dma_start3A_1200, %dma_start3A_1201] : memref<10240x16xf32, #tpu.memory_space<vmem_shared>> -> memref<10240x16xf32, #tpu.memory_space<vmem_shared>>
    tpu.enqueue_indirect_dma source(%arg14 : memref<128x16xf32, #tpu.memory_space<vmem>>) target(%dma_start3A_1202 : memref<10240x16xf32, #tpu.memory_space<vmem_shared>>) offsets(%dma_start3A_1199 : memref<128xi32, #tpu.memory_space<vmem>>) semaphore(%arg23 : memref<!tpu.dma_semaphore, #tpu.memory_space<semaphore_mem>>) {add = true}
    %dma_start3A_1203 = arith.constant 1 : i32
    %dma_start3A_1204 = arith.constant 0 : i32
    %dma_start3A_1205 = arith.constant 0 : i32
    %dma_start3A_1206 = tpu.memref_slice %arg8[%dma_start3A_1203, %dma_start3A_1204, %dma_start3A_1205] : memref<2x2x128xi32, #tpu.memory_space<vmem>> -> memref<1x1x128xi32, #tpu.memory_space<vmem>>
    %dma_start3A_1207 = tpu.memref_squeeze %dma_start3A_1206 : memref<1x1x128xi32, #tpu.memory_space<vmem>> -> memref<128xi32, #tpu.memory_space<vmem>>
    %dma_start3A_1208 = arith.constant 0 : i32
    %dma_start3A_1209 = arith.constant 0 : i32
    %dma_start3A_1210 = tpu.memref_slice %arg2[%dma_start3A_1208, %dma_start3A_1209] : memref<10000x128xf32, #tpu.memory_space<hbm>> -> memref<10000x128xf32, #tpu.memory_space<hbm>>
    tpu.enqueue_indirect_dma source(%dma_start3A_1210 : memref<10000x128xf32, #tpu.memory_space<hbm>>) target(%arg13 : memref<128x128xf32, #tpu.memory_space<vmem>>) offsets(%dma_start3A_1207 : memref<128xi32, #tpu.memory_space<vmem>>) semaphore(%arg20 : memref<!tpu.dma_semaphore, #tpu.memory_space<semaphore_mem>>)
    %dma_wait3A_1211 = arith.constant 0 : i32
    %dma_wait3A_1212 = arith.constant 1 : i32
    %dma_wait3A_1213 = arith.constant 0 : i32
    %dma_wait3A_1214 = tpu.memref_slice %arg8[%dma_wait3A_1211, %dma_wait3A_1212, %dma_wait3A_1213] : memref<2x2x128xi32, #tpu.memory_space<vmem>> -> memref<1x1x128xi32, #tpu.memory_space<vmem>>
    %dma_wait3A_1215 = tpu.memref_squeeze %dma_wait3A_1214 : memref<1x1x128xi32, #tpu.memory_space<vmem>> -> memref<128xi32, #tpu.memory_space<vmem>>
    %dma_wait3A_1216 = arith.constant 0 : i32
    %dma_wait3A_1217 = arith.constant 0 : i32
    %dma_wait3A_1218 = tpu.memref_slice %arg15[%dma_wait3A_1216, %dma_wait3A_1217] : memref<10240x128xf32, #tpu.memory_space<vmem_shared>> -> memref<10240x128xf32, #tpu.memory_space<vmem_shared>>
    tpu.wait_indirect_dma semaphore(%arg21 : memref<!tpu.dma_semaphore, #tpu.memory_space<semaphore_mem>>) src(%arg12 : memref<128x128xf32, #tpu.memory_space<vmem>>) dst(%dma_wait3A_1218 : memref<10240x128xf32, #tpu.memory_space<vmem_shared>>)
    %get3A_1219 = arith.constant 1 : i32
    %get3A_1220 = arith.constant 1 : i32
    %get3A_1221 = arith.index_cast %get3A_1219 : i32 to index
    %get3A_1222 = arith.index_cast %get3A_1220 : i32 to index
    %get3A_1223 = arith.constant 0 : index
    %get3A_1224 = tpu.vector_load %arg8[%get3A_1221, %get3A_1222, %get3A_1223] {strides = array<i32>} : memref<2x2x128xi32, #tpu.memory_space<vmem>>, vector<1x1x16xi32>,
    %get3A_1225 = vector.shape_cast %get3A_1224 : vector<1x1x16xi32> to vector<16xi32>
    %swap3A_1226 = arith.constant 1 : i32
    %swap3A_1227 = arith.index_cast %swap3A_1226 : i32 to index
    %swap3A_1228 = arith.constant 0 : index
    %swap3A_1229 = tpu.vector_load %arg10[%swap3A_1227, %swap3A_1228] {strides = array<i32>} : memref<2x128xi32, #tpu.memory_space<vmem>>, vector<1x16xi32>,
    %swap3A_1230 = vector.shape_cast %swap3A_1229 : vector<1x16xi32> to vector<16xi32>
    %swap3A_1231 = vector.shape_cast %get3A_1225 : vector<16xi32> to vector<1x16xi32>
    tpu.vector_store %arg10[%swap3A_1227, %swap3A_1228], %swap3A_1231 {strides = array<i32>} : memref<2x128xi32, #tpu.memory_space<vmem>>, vector<1x16xi32>,
    %get3A_1232 = arith.constant 1 : i32
    %get3A_1233 = arith.constant 1 : i32
    %get3A_1234 = arith.index_cast %get3A_1232 : i32 to index
    %get3A_1235 = arith.index_cast %get3A_1233 : i32 to index
    %get3A_1236 = arith.constant 16 : index
    %get3A_1237 = tpu.vector_load %arg8[%get3A_1234, %get3A_1235, %get3A_1236] {strides = array<i32>} : memref<2x2x128xi32, #tpu.memory_space<vmem>>, vector<1x1x16xi32>,
    %get3A_1238 = vector.shape_cast %get3A_1237 : vector<1x1x16xi32> to vector<16xi32>
    %swap3A_1239 = arith.constant 1 : i32
    %swap3A_1240 = arith.index_cast %swap3A_1239 : i32 to index
    %swap3A_1241 = arith.constant 16 : index
    %swap3A_1242 = tpu.vector_load %arg10[%swap3A_1240, %swap3A_1241] {strides = array<i32>} : memref<2x128xi32, #tpu.memory_space<vmem>>, vector<1x16xi32>,
    %swap3A_1243 = vector.shape_cast %swap3A_1242 : vector<1x16xi32> to vector<16xi32>
    %swap3A_1244 = vector.shape_cast %get3A_1238 : vector<16xi32> to vector<1x16xi32>
    tpu.vector_store %arg10[%swap3A_1240, %swap3A_1241], %swap3A_1244 {strides = array<i32>} : memref<2x128xi32, #tpu.memory_space<vmem>>, vector<1x16xi32>,
    %get3A_1245 = arith.constant 1 : i32
    %get3A_1246 = arith.constant 1 : i32
    %get3A_1247 = arith.index_cast %get3A_1245 : i32 to index
    %get3A_1248 = arith.index_cast %get3A_1246 : i32 to index
    %get3A_1249 = arith.constant 32 : index
    %get3A_1250 = tpu.vector_load %arg8[%get3A_1247, %get3A_1248, %get3A_1249] {strides = array<i32>} : memref<2x2x128xi32, #tpu.memory_space<vmem>>, vector<1x1x16xi32>,
    %get3A_1251 = vector.shape_cast %get3A_1250 : vector<1x1x16xi32> to vector<16xi32>
    %swap3A_1252 = arith.constant 1 : i32
    %swap3A_1253 = arith.index_cast %swap3A_1252 : i32 to index
    %swap3A_1254 = arith.constant 32 : index
    %swap3A_1255 = tpu.vector_load %arg10[%swap3A_1253, %swap3A_1254] {strides = array<i32>} : memref<2x128xi32, #tpu.memory_space<vmem>>, vector<1x16xi32>,
    %swap3A_1256 = vector.shape_cast %swap3A_1255 : vector<1x16xi32> to vector<16xi32>
    %swap3A_1257 = vector.shape_cast %get3A_1251 : vector<16xi32> to vector<1x16xi32>
    tpu.vector_store %arg10[%swap3A_1253, %swap3A_1254], %swap3A_1257 {strides = array<i32>} : memref<2x128xi32, #tpu.memory_space<vmem>>, vector<1x16xi32>,
    %get3A_1258 = arith.constant 1 : i32
    %get3A_1259 = arith.constant 1 : i32
    %get3A_1260 = arith.index_cast %get3A_1258 : i32 to index
    %get3A_1261 = arith.index_cast %get3A_1259 : i32 to index
    %get3A_1262 = arith.constant 48 : index
    %get3A_1263 = tpu.vector_load %arg8[%get3A_1260, %get3A_1261, %get3A_1262] {strides = array<i32>} : memref<2x2x128xi32, #tpu.memory_space<vmem>>, vector<1x1x16xi32>,
    %get3A_1264 = vector.shape_cast %get3A_1263 : vector<1x1x16xi32> to vector<16xi32>
    %swap3A_1265 = arith.constant 1 : i32
    %swap3A_1266 = arith.index_cast %swap3A_1265 : i32 to index
    %swap3A_1267 = arith.constant 48 : index
    %swap3A_1268 = tpu.vector_load %arg10[%swap3A_1266, %swap3A_1267] {strides = array<i32>} : memref<2x128xi32, #tpu.memory_space<vmem>>, vector<1x16xi32>,
    %swap3A_1269 = vector.shape_cast %swap3A_1268 : vector<1x16xi32> to vector<16xi32>
    %swap3A_1270 = vector.shape_cast %get3A_1264 : vector<16xi32> to vector<1x16xi32>
    tpu.vector_store %arg10[%swap3A_1266, %swap3A_1267], %swap3A_1270 {strides = array<i32>} : memref<2x128xi32, #tpu.memory_space<vmem>>, vector<1x16xi32>,
    %get3A_1271 = arith.constant 1 : i32
    %get3A_1272 = arith.constant 1 : i32
    %get3A_1273 = arith.index_cast %get3A_1271 : i32 to index
    %get3A_1274 = arith.index_cast %get3A_1272 : i32 to index
    %get3A_1275 = arith.constant 64 : index
    %get3A_1276 = tpu.vector_load %arg8[%get3A_1273, %get3A_1274, %get3A_1275] {strides = array<i32>} : memref<2x2x128xi32, #tpu.memory_space<vmem>>, vector<1x1x16xi32>,
    %get3A_1277 = vector.shape_cast %get3A_1276 : vector<1x1x16xi32> to vector<16xi32>
    %swap3A_1278 = arith.constant 1 : i32
    %swap3A_1279 = arith.index_cast %swap3A_1278 : i32 to index
    %swap3A_1280 = arith.constant 64 : index
    %swap3A_1281 = tpu.vector_load %arg10[%swap3A_1279, %swap3A_1280] {strides = array<i32>} : memref<2x128xi32, #tpu.memory_space<vmem>>, vector<1x16xi32>,
    %swap3A_1282 = vector.shape_cast %swap3A_1281 : vector<1x16xi32> to vector<16xi32>
    %swap3A_1283 = vector.shape_cast %get3A_1277 : vector<16xi32> to vector<1x16xi32>
    tpu.vector_store %arg10[%swap3A_1279, %swap3A_1280], %swap3A_1283 {strides = array<i32>} : memref<2x128xi32, #tpu.memory_space<vmem>>, vector<1x16xi32>,
    %get3A_1284 = arith.constant 1 : i32
    %get3A_1285 = arith.constant 1 : i32
    %get3A_1286 = arith.index_cast %get3A_1284 : i32 to index
    %get3A_1287 = arith.index_cast %get3A_1285 : i32 to index
    %get3A_1288 = arith.constant 80 : index
    %get3A_1289 = tpu.vector_load %arg8[%get3A_1286, %get3A_1287, %get3A_1288] {strides = array<i32>} : memref<2x2x128xi32, #tpu.memory_space<vmem>>, vector<1x1x16xi32>,
    %get3A_1290 = vector.shape_cast %get3A_1289 : vector<1x1x16xi32> to vector<16xi32>
    %swap3A_1291 = arith.constant 1 : i32
    %swap3A_1292 = arith.index_cast %swap3A_1291 : i32 to index
    %swap3A_1293 = arith.constant 80 : index
    %swap3A_1294 = tpu.vector_load %arg10[%swap3A_1292, %swap3A_1293] {strides = array<i32>} : memref<2x128xi32, #tpu.memory_space<vmem>>, vector<1x16xi32>,
    %swap3A_1295 = vector.shape_cast %swap3A_1294 : vector<1x16xi32> to vector<16xi32>
    %swap3A_1296 = vector.shape_cast %get3A_1290 : vector<16xi32> to vector<1x16xi32>
    tpu.vector_store %arg10[%swap3A_1292, %swap3A_1293], %swap3A_1296 {strides = array<i32>} : memref<2x128xi32, #tpu.memory_space<vmem>>, vector<1x16xi32>,
    %get3A_1297 = arith.constant 1 : i32
    %get3A_1298 = arith.constant 1 : i32
    %get3A_1299 = arith.index_cast %get3A_1297 : i32 to index
    %get3A_1300 = arith.index_cast %get3A_1298 : i32 to index
    %get3A_1301 = arith.constant 96 : index
    %get3A_1302 = tpu.vector_load %arg8[%get3A_1299, %get3A_1300, %get3A_1301] {strides = array<i32>} : memref<2x2x128xi32, #tpu.memory_space<vmem>>, vector<1x1x16xi32>,
    %get3A_1303 = vector.shape_cast %get3A_1302 : vector<1x1x16xi32> to vector<16xi32>
    %swap3A_1304 = arith.constant 1 : i32
    %swap3A_1305 = arith.index_cast %swap3A_1304 : i32 to index
    %swap3A_1306 = arith.constant 96 : index
    %swap3A_1307 = tpu.vector_load %arg10[%swap3A_1305, %swap3A_1306] {strides = array<i32>} : memref<2x128xi32, #tpu.memory_space<vmem>>, vector<1x16xi32>,
    %swap3A_1308 = vector.shape_cast %swap3A_1307 : vector<1x16xi32> to vector<16xi32>
    %swap3A_1309 = vector.shape_cast %get3A_1303 : vector<16xi32> to vector<1x16xi32>
    tpu.vector_store %arg10[%swap3A_1305, %swap3A_1306], %swap3A_1309 {strides = array<i32>} : memref<2x128xi32, #tpu.memory_space<vmem>>, vector<1x16xi32>,
    %get3A_1310 = arith.constant 1 : i32
    %get3A_1311 = arith.constant 1 : i32
    %get3A_1312 = arith.index_cast %get3A_1310 : i32 to index
    %get3A_1313 = arith.index_cast %get3A_1311 : i32 to index
    %get3A_1314 = arith.constant 112 : index
    %get3A_1315 = tpu.vector_load %arg8[%get3A_1312, %get3A_1313, %get3A_1314] {strides = array<i32>} : memref<2x2x128xi32, #tpu.memory_space<vmem>>, vector<1x1x16xi32>,
    %get3A_1316 = vector.shape_cast %get3A_1315 : vector<1x1x16xi32> to vector<16xi32>
    %swap3A_1317 = arith.constant 1 : i32
    %swap3A_1318 = arith.index_cast %swap3A_1317 : i32 to index
    %swap3A_1319 = arith.constant 112 : index
    %swap3A_1320 = tpu.vector_load %arg10[%swap3A_1318, %swap3A_1319] {strides = array<i32>} : memref<2x128xi32, #tpu.memory_space<vmem>>, vector<1x16xi32>,
    %swap3A_1321 = vector.shape_cast %swap3A_1320 : vector<1x16xi32> to vector<16xi32>
    %swap3A_1322 = vector.shape_cast %get3A_1316 : vector<16xi32> to vector<1x16xi32>
    tpu.vector_store %arg10[%swap3A_1318, %swap3A_1319], %swap3A_1322 {strides = array<i32>} : memref<2x128xi32, #tpu.memory_space<vmem>>, vector<1x16xi32>,
    %dma_start3A_1323 = arith.constant 1 : i32
    %dma_start3A_1324 = arith.constant 0 : i32
    %dma_start3A_1325 = tpu.memref_slice %arg10[%dma_start3A_1323, %dma_start3A_1324] : memref<2x128xi32, #tpu.memory_space<vmem>> -> memref<1x128xi32, #tpu.memory_space<vmem>>
    %dma_start3A_1326 = tpu.memref_squeeze %dma_start3A_1325 : memref<1x128xi32, #tpu.memory_space<vmem>> -> memref<128xi32, #tpu.memory_space<vmem>>
    %dma_start3A_1327 = arith.constant 0 : i32
    %dma_start3A_1328 = arith.constant 0 : i32
    %dma_start3A_1329 = tpu.memref_slice %arg16[%dma_start3A_1327, %dma_start3A_1328] : memref<10240x16xf32, #tpu.memory_space<vmem_shared>> -> memref<10240x16xf32, #tpu.memory_space<vmem_shared>>
    tpu.enqueue_indirect_dma source(%arg14 : memref<128x16xf32, #tpu.memory_space<vmem>>) target(%dma_start3A_1329 : memref<10240x16xf32, #tpu.memory_space<vmem_shared>>) offsets(%dma_start3A_1326 : memref<128xi32, #tpu.memory_space<vmem>>) semaphore(%arg23 : memref<!tpu.dma_semaphore, #tpu.memory_space<semaphore_mem>>) {add = true}
    %dma_wait3A_1330 = arith.constant 0 : i32
    %dma_wait3A_1331 = arith.constant 0 : i32
    %dma_wait3A_1332 = arith.constant 0 : i32
    %dma_wait3A_1333 = tpu.memref_slice %arg8[%dma_wait3A_1330, %dma_wait3A_1331, %dma_wait3A_1332] : memref<2x2x128xi32, #tpu.memory_space<vmem>> -> memref<1x1x128xi32, #tpu.memory_space<vmem>>
    %dma_wait3A_1334 = tpu.memref_squeeze %dma_wait3A_1333 : memref<1x1x128xi32, #tpu.memory_space<vmem>> -> memref<128xi32, #tpu.memory_space<vmem>>
    %dma_wait3A_1335 = arith.constant 0 : i32
    %dma_wait3A_1336 = arith.constant 0 : i32
    %dma_wait3A_1337 = tpu.memref_slice %arg2[%dma_wait3A_1335, %dma_wait3A_1336] : memref<10000x128xf32, #tpu.memory_space<hbm>> -> memref<10000x128xf32, #tpu.memory_space<hbm>>
    tpu.wait_indirect_dma semaphore(%arg20 : memref<!tpu.dma_semaphore, #tpu.memory_space<semaphore_mem>>) src(%dma_wait3A_1337 : memref<10000x128xf32, #tpu.memory_space<hbm>>) dst(%arg13 : memref<128x128xf32, #tpu.memory_space<vmem>>)
    %dma_start3A_1338 = arith.constant 1 : i32
    %dma_start3A_1339 = arith.constant 0 : i32
    %dma_start3A_1340 = tpu.memref_slice %arg10[%dma_start3A_1338, %dma_start3A_1339] : memref<2x128xi32, #tpu.memory_space<vmem>> -> memref<1x128xi32, #tpu.memory_space<vmem>>
    %dma_start3A_1341 = tpu.memref_squeeze %dma_start3A_1340 : memref<1x128xi32, #tpu.memory_space<vmem>> -> memref<128xi32, #tpu.memory_space<vmem>>
    %dma_start3A_1342 = arith.constant 0 : i32
    %dma_start3A_1343 = arith.constant 0 : i32
    %dma_start3A_1344 = tpu.memref_slice %arg15[%dma_start3A_1342, %dma_start3A_1343] : memref<10240x128xf32, #tpu.memory_space<vmem_shared>> -> memref<10240x128xf32, #tpu.memory_space<vmem_shared>>
    tpu.enqueue_indirect_dma source(%arg13 : memref<128x128xf32, #tpu.memory_space<vmem>>) target(%dma_start3A_1344 : memref<10240x128xf32, #tpu.memory_space<vmem_shared>>) offsets(%dma_start3A_1341 : memref<128xi32, #tpu.memory_space<vmem>>) semaphore(%arg22 : memref<!tpu.dma_semaphore, #tpu.memory_space<semaphore_mem>>) {add = true}
    %dma_wait3A_1345 = arith.constant 0 : i32
    %dma_wait3A_1346 = arith.constant 1 : i32
    %dma_wait3A_1347 = arith.constant 0 : i32
    %dma_wait3A_1348 = tpu.memref_slice %arg8[%dma_wait3A_1345, %dma_wait3A_1346, %dma_wait3A_1347] : memref<2x2x128xi32, #tpu.memory_space<vmem>> -> memref<1x1x128xi32, #tpu.memory_space<vmem>>
    %dma_wait3A_1349 = tpu.memref_squeeze %dma_wait3A_1348 : memref<1x1x128xi32, #tpu.memory_space<vmem>> -> memref<128xi32, #tpu.memory_space<vmem>>
    %dma_wait3A_1350 = arith.constant 0 : i32
    %dma_wait3A_1351 = arith.constant 0 : i32
    %dma_wait3A_1352 = tpu.memref_slice %arg15[%dma_wait3A_1350, %dma_wait3A_1351] : memref<10240x128xf32, #tpu.memory_space<vmem_shared>> -> memref<10240x128xf32, #tpu.memory_space<vmem_shared>>
    tpu.wait_indirect_dma semaphore(%arg22 : memref<!tpu.dma_semaphore, #tpu.memory_space<semaphore_mem>>) src(%arg13 : memref<128x128xf32, #tpu.memory_space<vmem>>) dst(%dma_wait3A_1352 : memref<10240x128xf32, #tpu.memory_space<vmem_shared>>)
    %dma_wait3A_1353 = arith.constant 0 : i32
    %dma_wait3A_1354 = arith.constant 0 : i32
    %dma_wait3A_1355 = tpu.memref_slice %arg10[%dma_wait3A_1353, %dma_wait3A_1354] : memref<2x128xi32, #tpu.memory_space<vmem>> -> memref<1x128xi32, #tpu.memory_space<vmem>>
    %dma_wait3A_1356 = tpu.memref_squeeze %dma_wait3A_1355 : memref<1x128xi32, #tpu.memory_space<vmem>> -> memref<128xi32, #tpu.memory_space<vmem>>
    %dma_wait3A_1357 = arith.constant 0 : i32
    %dma_wait3A_1358 = arith.constant 0 : i32
    %dma_wait3A_1359 = tpu.memref_slice %arg16[%dma_wait3A_1357, %dma_wait3A_1358] : memref<10240x16xf32, #tpu.memory_space<vmem_shared>> -> memref<10240x16xf32, #tpu.memory_space<vmem_shared>>
    tpu.wait_indirect_dma semaphore(%arg23 : memref<!tpu.dma_semaphore, #tpu.memory_space<semaphore_mem>>) src(%arg14 : memref<128x16xf32, #tpu.memory_space<vmem>>) dst(%dma_wait3A_1359 : memref<10240x16xf32, #tpu.memory_space<vmem_shared>>)
    %dma_wait3A_1360 = arith.constant 0 : i32
    %dma_wait3A_1361 = arith.constant 0 : i32
    %dma_wait3A_1362 = tpu.memref_slice %arg10[%dma_wait3A_1360, %dma_wait3A_1361] : memref<2x128xi32, #tpu.memory_space<vmem>> -> memref<1x128xi32, #tpu.memory_space<vmem>>
    %dma_wait3A_1363 = tpu.memref_squeeze %dma_wait3A_1362 : memref<1x128xi32, #tpu.memory_space<vmem>> -> memref<128xi32, #tpu.memory_space<vmem>>
    %dma_wait3A_1364 = arith.constant 0 : i32
    %dma_wait3A_1365 = arith.constant 0 : i32
    %dma_wait3A_1366 = tpu.memref_slice %arg16[%dma_wait3A_1364, %dma_wait3A_1365] : memref<10240x16xf32, #tpu.memory_space<vmem_shared>> -> memref<10240x16xf32, #tpu.memory_space<vmem_shared>>
    tpu.wait_indirect_dma semaphore(%arg23 : memref<!tpu.dma_semaphore, #tpu.memory_space<semaphore_mem>>) src(%arg14 : memref<128x16xf32, #tpu.memory_space<vmem>>) dst(%dma_wait3A_1366 : memref<10240x16xf32, #tpu.memory_space<vmem_shared>>)
    %dma_wait3A_1367 = arith.constant 0 : i32
    %dma_wait3A_1368 = arith.constant 0 : i32
    %dma_wait3A_1369 = tpu.memref_slice %arg11[%dma_wait3A_1367, %dma_wait3A_1368] : memref<2x128xi32, #tpu.memory_space<vmem>> -> memref<1x128xi32, #tpu.memory_space<vmem>>
    %dma_wait3A_1370 = tpu.memref_squeeze %dma_wait3A_1369 : memref<1x128xi32, #tpu.memory_space<vmem>> -> memref<128xi32, #tpu.memory_space<vmem>>
    %dma_wait3A_1371 = arith.constant 0 : i32
    %dma_wait3A_1372 = arith.constant 0 : i32
    %dma_wait3A_1373 = tpu.memref_slice %arg16[%dma_wait3A_1371, %dma_wait3A_1372] : memref<10240x16xf32, #tpu.memory_space<vmem_shared>> -> memref<10240x16xf32, #tpu.memory_space<vmem_shared>>
    tpu.wait_indirect_dma semaphore(%arg24 : memref<!tpu.dma_semaphore, #tpu.memory_space<semaphore_mem>>) src(%arg14 : memref<128x16xf32, #tpu.memory_space<vmem>>) dst(%dma_wait3A_1373 : memref<10240x16xf32, #tpu.memory_space<vmem_shared>>)
    %dma_wait3A_1374 = arith.constant 0 : i32
    %dma_wait3A_1375 = arith.constant 0 : i32
    %dma_wait3A_1376 = tpu.memref_slice %arg11[%dma_wait3A_1374, %dma_wait3A_1375] : memref<2x128xi32, #tpu.memory_space<vmem>> -> memref<1x128xi32, #tpu.memory_space<vmem>>
    %dma_wait3A_1377 = tpu.memref_squeeze %dma_wait3A_1376 : memref<1x128xi32, #tpu.memory_space<vmem>> -> memref<128xi32, #tpu.memory_space<vmem>>
    %dma_wait3A_1378 = arith.constant 0 : i32
    %dma_wait3A_1379 = arith.constant 0 : i32
    %dma_wait3A_1380 = tpu.memref_slice %arg16[%dma_wait3A_1378, %dma_wait3A_1379] : memref<10240x16xf32, #tpu.memory_space<vmem_shared>> -> memref<10240x16xf32, #tpu.memory_space<vmem_shared>>
    tpu.wait_indirect_dma semaphore(%arg24 : memref<!tpu.dma_semaphore, #tpu.memory_space<semaphore_mem>>) src(%arg14 : memref<128x16xf32, #tpu.memory_space<vmem>>) dst(%dma_wait3A_1380 : memref<10240x16xf32, #tpu.memory_space<vmem_shared>>)
    %lt3A = arith.constant 4 : i32
    %lt3A_1381 = arith.cmpi slt, %add3A, %lt3A : i32
    %convert_element_type3A = arith.extui %lt3A_1381 : i1 to i32
    %cond3A = arith.constant 0 : i32
    %cond3A_1382 = arith.cmpi ne, %convert_element_type3A, %cond3A : i32
    scf.if %cond3A_1382 {
      %add3A_1392 = arith.constant 2496 : i32
      %add3A_1393 = arith.addi %add3A_1392, %add3A : i32
      "tpu.region"() ({
        %run_scoped3A_1413 = tpu.sem_alloc : memref<!tpu.dma_semaphore, #tpu.memory_space<semaphore_mem>>
        %dma_start3A_1414 = arith.constant 0 : i32
        %dma_start3A_1415 = arith.constant 0 : i32
        %dma_start3A_1416 = tpu.memref_slice %arg3[%add3A_1393, %dma_start3A_1414, %dma_start3A_1415] : memref<2500x2x128xi32, #tpu.memory_space<hbm>> -> memref<2x2x128xi32, #tpu.memory_space<hbm>>
        %dma_start3A_1417 = arith.constant 0 : i32
        %dma_start3A_1418 = arith.constant 0 : i32
        %dma_start3A_1419 = tpu.memref_slice %arg3[%add3A_1393, %dma_start3A_1417, %dma_start3A_1418] : memref<2500x2x128xi32, #tpu.memory_space<hbm>> -> memref<2x2x128xi32, #tpu.memory_space<hbm>>
        tpu.enqueue_dma source(%dma_start3A_1419 : memref<2x2x128xi32, #tpu.memory_space<hbm>>) target(%arg8 : memref<2x2x128xi32, #tpu.memory_space<vmem>>) target_semaphore(%run_scoped3A_1413 : memref<!tpu.dma_semaphore, #tpu.memory_space<semaphore_mem>>)
        %dma_wait3A_1420 = arith.constant 0 : i32
        %dma_wait3A_1421 = arith.constant 0 : i32
        %dma_wait3A_1422 = tpu.memref_slice %arg3[%add3A_1393, %dma_wait3A_1420, %dma_wait3A_1421] : memref<2500x2x128xi32, #tpu.memory_space<hbm>> -> memref<2x2x128xi32, #tpu.memory_space<hbm>>
        %dma_wait3A_1423 = arith.constant 0 : i32
        %dma_wait3A_1424 = arith.constant 0 : i32
        %dma_wait3A_1425 = tpu.memref_slice %arg3[%add3A_1393, %dma_wait3A_1423, %dma_wait3A_1424] : memref<2500x2x128xi32, #tpu.memory_space<hbm>> -> memref<2x2x128xi32, #tpu.memory_space<hbm>>
        tpu.wait_dma2 semaphore(%run_scoped3A_1413 : memref<!tpu.dma_semaphore, #tpu.memory_space<semaphore_mem>>) src(%dma_wait3A_1425 : memref<2x2x128xi32, #tpu.memory_space<hbm>>) dst(%arg8 : memref<2x2x128xi32, #tpu.memory_space<vmem>>)
        tpu.yield
      }) : () -> ()
      %dma_start3A_1394 = arith.constant 0 : i32
      %dma_start3A_1395 = arith.constant 0 : i32
      %dma_start3A_1396 = arith.constant 0 : i32
      %dma_start3A_1397 = tpu.memref_slice %arg8[%dma_start3A_1394, %dma_start3A_1395, %dma_start3A_1396] : memref<2x2x128xi32, #tpu.memory_space<vmem>> -> memref<1x1x128xi32, #tpu.memory_space<vmem>>
      %dma_start3A_1398 = tpu.memref_squeeze %dma_start3A_1397 : memref<1x1x128xi32, #tpu.memory_space<vmem>> -> memref<128xi32, #tpu.memory_space<vmem>>
      %dma_start3A_1399 = arith.constant 0 : i32
      %dma_start3A_1400 = arith.constant 0 : i32
      %dma_start3A_1401 = tpu.memref_slice %arg2[%dma_start3A_1399, %dma_start3A_1400] : memref<10000x128xf32, #tpu.memory_space<hbm>> -> memref<10000x128xf32, #tpu.memory_space<hbm>>
      tpu.enqueue_indirect_dma source(%dma_start3A_1401 : memref<10000x128xf32, #tpu.memory_space<hbm>>) target(%arg12 : memref<128x128xf32, #tpu.memory_space<vmem>>) offsets(%dma_start3A_1398 : memref<128xi32, #tpu.memory_space<vmem>>) semaphore(%arg19 : memref<!tpu.dma_semaphore, #tpu.memory_space<semaphore_mem>>)
      %dma_wait3A_1402 = arith.constant 0 : i32
      %dma_wait3A_1403 = arith.constant 0 : i32
      %dma_wait3A_1404 = arith.constant 0 : i32
      %dma_wait3A_1405 = tpu.memref_slice %arg8[%dma_wait3A_1402, %dma_wait3A_1403, %dma_wait3A_1404] : memref<2x2x128xi32, #tpu.memory_space<vmem>> -> memref<1x1x128xi32, #tpu.memory_space<vmem>>
      %dma_wait3A_1406 = tpu.memref_squeeze %dma_wait3A_1405 : memref<1x1x128xi32, #tpu.memory_space<vmem>> -> memref<128xi32, #tpu.memory_space<vmem>>
      %dma_wait3A_1407 = arith.constant 0 : i32
      %dma_wait3A_1408 = arith.constant 0 : i32
      %dma_wait3A_1409 = tpu.memref_slice %arg2[%dma_wait3A_1407, %dma_wait3A_1408] : memref<10000x128xf32, #tpu.memory_space<hbm>> -> memref<10000x128xf32, #tpu.memory_space<hbm>>
      tpu.wait_indirect_dma semaphore(%arg19 : memref<!tpu.dma_semaphore, #tpu.memory_space<semaphore_mem>>) src(%dma_wait3A_1409 : memref<10000x128xf32, #tpu.memory_space<hbm>>) dst(%arg12 : memref<128x128xf32, #tpu.memory_space<vmem>>)
      %run_scoped3A = arith.constant 0 : i32
      %run_scoped3A_1410 = arith.constant 1 : i32
      "tpu.region"() ({
        %run_scoped3A_1413 = tpu.sem_alloc : memref<!tpu.dma_semaphore, #tpu.memory_space<semaphore_mem>>
        %dma_start3A_1414 = arith.constant 0 : i32
        %dma_start3A_1415 = tpu.memref_slice %arg8[%run_scoped3A, %run_scoped3A_1410, %dma_start3A_1414] : memref<2x2x128xi32, #tpu.memory_space<vmem>> -> memref<1x1x128xi32, #tpu.memory_space<vmem>>
        %dma_start3A_1416 = tpu.memref_squeeze %dma_start3A_1415 : memref<1x1x128xi32, #tpu.memory_space<vmem>> -> memref<128xi32, #tpu.memory_space<vmem>>
        %dma_start3A_1417 = arith.constant 0 : i32
        %dma_start3A_1418 = arith.constant 0 : i32
        %dma_start3A_1419 = tpu.memref_slice %arg15[%dma_start3A_1417, %dma_start3A_1418] : memref<10240x128xf32, #tpu.memory_space<vmem_shared>> -> memref<10240x128xf32, #tpu.memory_space<vmem_shared>>
        tpu.enqueue_indirect_dma source(%arg12 : memref<128x128xf32, #tpu.memory_space<vmem>>) target(%dma_start3A_1419 : memref<10240x128xf32, #tpu.memory_space<vmem_shared>>) offsets(%dma_start3A_1416 : memref<128xi32, #tpu.memory_space<vmem>>) semaphore(%run_scoped3A_1413 : memref<!tpu.dma_semaphore, #tpu.memory_space<semaphore_mem>>) {add = true}
        %dma_wait3A_1420 = arith.constant 0 : i32
        %dma_wait3A_1421 = tpu.memref_slice %arg8[%run_scoped3A, %run_scoped3A_1410, %dma_wait3A_1420] : memref<2x2x128xi32, #tpu.memory_space<vmem>> -> memref<1x1x128xi32, #tpu.memory_space<vmem>>
        %dma_wait3A_1422 = tpu.memref_squeeze %dma_wait3A_1421 : memref<1x1x128xi32, #tpu.memory_space<vmem>> -> memref<128xi32, #tpu.memory_space<vmem>>
        %dma_wait3A_1423 = arith.constant 0 : i32
        %dma_wait3A_1424 = arith.constant 0 : i32
        %dma_wait3A_1425 = tpu.memref_slice %arg15[%dma_wait3A_1423, %dma_wait3A_1424] : memref<10240x128xf32, #tpu.memory_space<vmem_shared>> -> memref<10240x128xf32, #tpu.memory_space<vmem_shared>>
        tpu.wait_indirect_dma semaphore(%run_scoped3A_1413 : memref<!tpu.dma_semaphore, #tpu.memory_space<semaphore_mem>>) src(%arg12 : memref<128x128xf32, #tpu.memory_space<vmem>>) dst(%dma_wait3A_1425 : memref<10240x128xf32, #tpu.memory_space<vmem_shared>>)
        tpu.yield
      }) : () -> ()
      %run_scoped3A_1411 = arith.constant 0 : i32
      %run_scoped3A_1412 = arith.constant 1 : i32
      "tpu.region"() ({
        %run_scoped3A_1413 = tpu.sem_alloc : memref<!tpu.dma_semaphore, #tpu.memory_space<semaphore_mem>>
        %dma_start3A_1414 = arith.constant 0 : i32
        %dma_start3A_1415 = tpu.memref_slice %arg8[%run_scoped3A_1411, %run_scoped3A_1412, %dma_start3A_1414] : memref<2x2x128xi32, #tpu.memory_space<vmem>> -> memref<1x1x128xi32, #tpu.memory_space<vmem>>
        %dma_start3A_1416 = tpu.memref_squeeze %dma_start3A_1415 : memref<1x1x128xi32, #tpu.memory_space<vmem>> -> memref<128xi32, #tpu.memory_space<vmem>>
        %dma_start3A_1417 = arith.constant 0 : i32
        %dma_start3A_1418 = arith.constant 0 : i32
        %dma_start3A_1419 = tpu.memref_slice %arg16[%dma_start3A_1417, %dma_start3A_1418] : memref<10240x16xf32, #tpu.memory_space<vmem_shared>> -> memref<10240x16xf32, #tpu.memory_space<vmem_shared>>
        tpu.enqueue_indirect_dma source(%arg14 : memref<128x16xf32, #tpu.memory_space<vmem>>) target(%dma_start3A_1419 : memref<10240x16xf32, #tpu.memory_space<vmem_shared>>) offsets(%dma_start3A_1416 : memref<128xi32, #tpu.memory_space<vmem>>) semaphore(%run_scoped3A_1413 : memref<!tpu.dma_semaphore, #tpu.memory_space<semaphore_mem>>) {add = true}
        %dma_wait3A_1420 = arith.constant 0 : i32
        %dma_wait3A_1421 = tpu.memref_slice %arg8[%run_scoped3A_1411, %run_scoped3A_1412, %dma_wait3A_1420] : memref<2x2x128xi32, #tpu.memory_space<vmem>> -> memref<1x1x128xi32, #tpu.memory_space<vmem>>
        %dma_wait3A_1422 = tpu.memref_squeeze %dma_wait3A_1421 : memref<1x1x128xi32, #tpu.memory_space<vmem>> -> memref<128xi32, #tpu.memory_space<vmem>>
        %dma_wait3A_1423 = arith.constant 0 : i32
        %dma_wait3A_1424 = arith.constant 0 : i32
        %dma_wait3A_1425 = tpu.memref_slice %arg16[%dma_wait3A_1423, %dma_wait3A_1424] : memref<10240x16xf32, #tpu.memory_space<vmem_shared>> -> memref<10240x16xf32, #tpu.memory_space<vmem_shared>>
        tpu.wait_indirect_dma semaphore(%run_scoped3A_1413 : memref<!tpu.dma_semaphore, #tpu.memory_space<semaphore_mem>>) src(%arg14 : memref<128x16xf32, #tpu.memory_space<vmem>>) dst(%dma_wait3A_1425 : memref<10240x16xf32, #tpu.memory_space<vmem_shared>>)
        tpu.yield
      }) : () -> ()
    } else {
    }
    %barrier3A_1383 = arith.constant 0 : index
    tpu.barrier barrier_id(%barrier3A_1383)
    %mul3A_1384 = arith.constant 640 : i32
    %mul3A_1385 = arith.muli %arg1, %mul3A_1384 : i32
    %mul3A_1386 = arith.constant 640 : i32
    %mul3A_1387 = arith.muli %arg1, %mul3A_1386 : i32
    "tpu.region"() ({
      %run_scoped3A = tpu.sem_alloc : memref<!tpu.dma_semaphore, #tpu.memory_space<semaphore_mem>>
      %dma_start3A_1392 = arith.constant 0 : i32
      %dma_start3A_1393 = tpu.memref_slice %arg6[%arg0, %mul3A_1387, %dma_start3A_1392] : memref<2x10240x128xf32, #tpu.memory_space<hbm>> -> memref<1x640x128xf32, #tpu.memory_space<hbm>>
      %dma_start3A_1394 = tpu.memref_squeeze %dma_start3A_1393 : memref<1x640x128xf32, #tpu.memory_space<hbm>> -> memref<640x128xf32, #tpu.memory_space<hbm>>
      %dma_start3A_1395 = arith.constant 0 : i32
      %dma_start3A_1396 = tpu.memref_slice %arg15[%mul3A_1385, %dma_start3A_1395] : memref<10240x128xf32, #tpu.memory_space<vmem_shared>> -> memref<640x128xf32, #tpu.memory_space<vmem_shared>>
      tpu.enqueue_dma source(%dma_start3A_1396 : memref<640x128xf32, #tpu.memory_space<vmem_shared>>) target(%dma_start3A_1394 : memref<640x128xf32, #tpu.memory_space<hbm>>) target_semaphore(%run_scoped3A : memref<!tpu.dma_semaphore, #tpu.memory_space<semaphore_mem>>)
      %dma_wait3A_1397 = arith.constant 0 : i32
      %dma_wait3A_1398 = tpu.memref_slice %arg6[%arg0, %mul3A_1387, %dma_wait3A_1397] : memref<2x10240x128xf32, #tpu.memory_space<hbm>> -> memref<1x640x128xf32, #tpu.memory_space<hbm>>
      %dma_wait3A_1399 = tpu.memref_squeeze %dma_wait3A_1398 : memref<1x640x128xf32, #tpu.memory_space<hbm>> -> memref<640x128xf32, #tpu.memory_space<hbm>>
      %dma_wait3A_1400 = arith.constant 0 : i32
      %dma_wait3A_1401 = tpu.memref_slice %arg15[%mul3A_1385, %dma_wait3A_1400] : memref<10240x128xf32, #tpu.memory_space<vmem_shared>> -> memref<640x128xf32, #tpu.memory_space<vmem_shared>>
      tpu.wait_dma2 semaphore(%run_scoped3A : memref<!tpu.dma_semaphore, #tpu.memory_space<semaphore_mem>>) src(%dma_wait3A_1401 : memref<640x128xf32, #tpu.memory_space<vmem_shared>>) dst(%dma_wait3A_1399 : memref<640x128xf32, #tpu.memory_space<hbm>>)
      tpu.yield
    }) : () -> ()
    %mul3A_1388 = arith.constant 640 : i32
    %mul3A_1389 = arith.muli %arg1, %mul3A_1388 : i32
    %mul3A_1390 = arith.constant 640 : i32
    %mul3A_1391 = arith.muli %arg1, %mul3A_1390 : i32
    "tpu.region"() ({
      %run_scoped3A = tpu.sem_alloc : memref<!tpu.dma_semaphore, #tpu.memory_space<semaphore_mem>>
      %dma_start3A_1392 = arith.constant 0 : i32
      %dma_start3A_1393 = tpu.memref_slice %arg7[%arg0, %mul3A_1391, %dma_start3A_1392] : memref<2x10240x16xf32, #tpu.memory_space<hbm>> -> memref<1x640x16xf32, #tpu.memory_space<hbm>>
      %dma_start3A_1394 = tpu.memref_squeeze %dma_start3A_1393 : memref<1x640x16xf32, #tpu.memory_space<hbm>> -> memref<640x16xf32, #tpu.memory_space<hbm>>
      %dma_start3A_1395 = arith.constant 0 : i32
      %dma_start3A_1396 = tpu.memref_slice %arg16[%mul3A_1389, %dma_start3A_1395] : memref<10240x16xf32, #tpu.memory_space<vmem_shared>> -> memref<640x16xf32, #tpu.memory_space<vmem_shared>>
      tpu.enqueue_dma source(%dma_start3A_1396 : memref<640x16xf32, #tpu.memory_space<vmem_shared>>) target(%dma_start3A_1394 : memref<640x16xf32, #tpu.memory_space<hbm>>) target_semaphore(%run_scoped3A : memref<!tpu.dma_semaphore, #tpu.memory_space<semaphore_mem>>)
      %dma_wait3A_1397 = arith.constant 0 : i32
      %dma_wait3A_1398 = tpu.memref_slice %arg7[%arg0, %mul3A_1391, %dma_wait3A_1397] : memref<2x10240x16xf32, #tpu.memory_space<hbm>> -> memref<1x640x16xf32, #tpu.memory_space<hbm>>
      %dma_wait3A_1399 = tpu.memref_squeeze %dma_wait3A_1398 : memref<1x640x16xf32, #tpu.memory_space<hbm>> -> memref<640x16xf32, #tpu.memory_space<hbm>>
      %dma_wait3A_1400 = arith.constant 0 : i32
      %dma_wait3A_1401 = tpu.memref_slice %arg16[%mul3A_1389, %dma_wait3A_1400] : memref<10240x16xf32, #tpu.memory_space<vmem_shared>> -> memref<640x16xf32, #tpu.memory_space<vmem_shared>>
      tpu.wait_dma2 semaphore(%run_scoped3A : memref<!tpu.dma_semaphore, #tpu.memory_space<semaphore_mem>>) src(%dma_wait3A_1401 : memref<640x16xf32, #tpu.memory_space<vmem_shared>>) dst(%dma_wait3A_1399 : memref<640x16xf32, #tpu.memory_space<hbm>>)
      tpu.yield
    }) : () -> ()
    return
  }
}

module attributes {stable_mosaic.version = 14 : i64} {
  func.func @_tc_body(%arg0: i32, %arg1: memref<2x1024x128xf32, #tpu.memory_space<vmem>>, %arg2: memref<2x1024x16xf32, #tpu.memory_space<vmem>>, %arg3: memref<1024x128xf32, #tpu.memory_space<vmem>>, %arg4: memref<128x128xf32, #tpu.memory_space<vmem>>, %arg5: memref<128x128xf32, #tpu.memory_space<vmem>>, %arg6: memref<1x128xf32, #tpu.memory_space<vmem>>, %arg7: memref<1024x128xf32, #tpu.memory_space<vmem>>) attributes {dimension_semantics = [#tpu.dimension_semantics<arbitrary>], iteration_bounds = array<i64: 10>, scalar_prefetch = 0 : i64, scratch_operands = 0 : i64, tpu.core_type = #tpu.core_type<tc>, window_params = [{transform_indices = @transform_0, window_bounds = array<i64: 2, 1024, 128>}, {transform_indices = @transform_1, window_bounds = array<i64: 2, 1024, 16>}, {transform_indices = @transform_2, window_bounds = array<i64: 1024, 128>}, {pipeline_mode = #tpu.pipeline_mode<synchronous>, transform_indices = @transform_3, window_bounds = array<i64: 128, 128>}, {pipeline_mode = #tpu.pipeline_mode<synchronous>, transform_indices = @transform_4, window_bounds = array<i64: 128, 128>}, {pipeline_mode = #tpu.pipeline_mode<synchronous>, transform_indices = @transform_5, window_bounds = array<i64: 1, 128>}, {transform_indices = @transform_6, window_bounds = array<i64: 1024, 128>}]} {
    %get3A = arith.constant 0 : index
    %get3A_0 = arith.constant 0 : index
    %get3A_1 = arith.constant 0 : index
    %get3A_2 = vector.load %arg1[%get3A, %get3A_0, %get3A_1] : memref<2x1024x128xf32, #tpu.memory_space<vmem>>, vector<1x1024x128xf32>
    %get3A_3 = vector.shape_cast %get3A_2 : vector<1x1024x128xf32> to vector<1024x128xf32>
    %get3A_4 = arith.constant 1 : index
    %get3A_5 = arith.constant 0 : index
    %get3A_6 = arith.constant 0 : index
    %get3A_7 = vector.load %arg1[%get3A_4, %get3A_5, %get3A_6] : memref<2x1024x128xf32, #tpu.memory_space<vmem>>, vector<1x1024x128xf32>
    %get3A_8 = vector.shape_cast %get3A_7 : vector<1x1024x128xf32> to vector<1024x128xf32>
    %add3A = arith.addf %get3A_3, %get3A_8 : vector<1024x128xf32>
    %get3A_9 = arith.constant 0 : index
    %get3A_10 = arith.constant 0 : index
    %get3A_11 = arith.constant 0 : index
    %get3A_12 = vector.load %arg2[%get3A_9, %get3A_10, %get3A_11] : memref<2x1024x16xf32, #tpu.memory_space<vmem>>, vector<1x1024x1xf32>
    %get3A_13 = vector.shape_cast %get3A_12 : vector<1x1024x1xf32> to vector<1024x1xf32>
    %get3A_14 = arith.constant 1 : index
    %get3A_15 = arith.constant 0 : index
    %get3A_16 = arith.constant 0 : index
    %get3A_17 = vector.load %arg2[%get3A_14, %get3A_15, %get3A_16] : memref<2x1024x16xf32, #tpu.memory_space<vmem>>, vector<1x1024x1xf32>
    %get3A_18 = vector.shape_cast %get3A_17 : vector<1x1024x1xf32> to vector<1024x1xf32>
    %add3A_19 = arith.addf %get3A_13, %get3A_18 : vector<1024x1xf32>
    %max3A = arith.constant 1.000000e+00 : f32
    %max3A_20 = vector.broadcast %max3A : f32 to vector<1024x1xf32>
    %max3A_21 = arith.maximumf %add3A_19, %max3A_20 : vector<1024x1xf32>
    %div3A = vector.broadcast %max3A_21 : vector<1024x1xf32> to vector<1024x128xf32>
    %div3A_22 = arith.divf %add3A, %div3A : vector<1024x128xf32>
    %get3A_23 = arith.constant 0 : index
    %get3A_24 = arith.constant 0 : index
    %get3A_25 = vector.load %arg4[%get3A_23, %get3A_24] : memref<128x128xf32, #tpu.memory_space<vmem>>, vector<128x128xf32>
    %dot_general3A = arith.constant dense<0.000000e+00> : vector<1024x128xf32>
    %dot_general3A_26 = tpu.matmul %div3A_22, %get3A_25, %dot_general3A {dimension_numbers = #tpu.dot_dimension_numbers<[1], [0], [0], [1], [0, 0, 1, 1], [], []>, transpose_lhs_hint = false} : vector<1024x128xf32>, vector<128x128xf32>, vector<1024x128xf32> -> vector<1024x128xf32>
    %get3A_27 = arith.constant 0 : index
    %get3A_28 = arith.constant 0 : index
    %get3A_29 = vector.load %arg3[%get3A_27, %get3A_28] : memref<1024x128xf32, #tpu.memory_space<vmem>>, vector<1024x128xf32>
    %get3A_30 = arith.constant 0 : index
    %get3A_31 = arith.constant 0 : index
    %get3A_32 = vector.load %arg5[%get3A_30, %get3A_31] : memref<128x128xf32, #tpu.memory_space<vmem>>, vector<128x128xf32>
    %dot_general3A_33 = arith.constant dense<0.000000e+00> : vector<1024x128xf32>
    %dot_general3A_34 = tpu.matmul %get3A_29, %get3A_32, %dot_general3A_33 {dimension_numbers = #tpu.dot_dimension_numbers<[1], [0], [0], [1], [0, 0, 1, 1], [], []>, transpose_lhs_hint = false} : vector<1024x128xf32>, vector<128x128xf32>, vector<1024x128xf32> -> vector<1024x128xf32>
    %add3A_35 = arith.addf %dot_general3A_26, %dot_general3A_34 : vector<1024x128xf32>
    %get3A_36 = arith.constant 0 : index
    %get3A_37 = arith.constant 0 : index
    %get3A_38 = vector.load %arg6[%get3A_36, %get3A_37] : memref<1x128xf32, #tpu.memory_space<vmem>>, vector<1x128xf32>
    %add3A_39 = vector.broadcast %get3A_38 : vector<1x128xf32> to vector<1024x128xf32>
    %add3A_40 = arith.addf %add3A_35, %add3A_39 : vector<1024x128xf32>
    %max3A_41 = arith.constant 0.000000e+00 : f32
    %max3A_42 = vector.broadcast %max3A_41 : f32 to vector<1024x128xf32>
    %max3A_43 = arith.maximumf %add3A_40, %max3A_42 : vector<1024x128xf32>
    %swap3A = arith.constant 0 : index
    %swap3A_44 = arith.constant 0 : index
    %swap3A_45 = vector.load %arg7[%swap3A, %swap3A_44] : memref<1024x128xf32, #tpu.memory_space<vmem>>, vector<1024x128xf32>
    tpu.vector_store %arg7[%swap3A, %swap3A_44], %max3A_43 {strides = array<i32>} : memref<1024x128xf32, #tpu.memory_space<vmem>>, vector<1024x128xf32>,
    return
  }
  func.func @transform_0(%arg0: i32) -> (i32, i32, i32) {
    %c0_i32 = arith.constant 0 : i32
    %c0_i32_0 = arith.constant 0 : i32
    %c0_i32_1 = arith.constant 0 : i32
    return %c0_i32, %arg0, %c0_i32_0 : i32, i32, i32
  }
  func.func @transform_1(%arg0: i32) -> (i32, i32, i32) {
    %c0_i32 = arith.constant 0 : i32
    %c0_i32_0 = arith.constant 0 : i32
    %c0_i32_1 = arith.constant 0 : i32
    return %c0_i32, %arg0, %c0_i32_0 : i32, i32, i32
  }
  func.func @transform_2(%arg0: i32) -> (i32, i32) {
    %c0_i32 = arith.constant 0 : i32
    %c0_i32_0 = arith.constant 0 : i32
    return %arg0, %c0_i32 : i32, i32
  }
  func.func @transform_3(%arg0: i32) -> (i32, i32) {
    %c0_i32 = arith.constant 0 : i32
    %c0_i32_0 = arith.constant 0 : i32
    %c0_i32_1 = arith.constant 0 : i32
    return %c0_i32, %c0_i32_0 : i32, i32
  }
  func.func @transform_4(%arg0: i32) -> (i32, i32) {
    %c0_i32 = arith.constant 0 : i32
    %c0_i32_0 = arith.constant 0 : i32
    %c0_i32_1 = arith.constant 0 : i32
    return %c0_i32, %c0_i32_0 : i32, i32
  }
  func.func @transform_5(%arg0: i32) -> (i32, i32) {
    %c0_i32 = arith.constant 0 : i32
    %c0_i32_0 = arith.constant 0 : i32
    %c0_i32_1 = arith.constant 0 : i32
    return %c0_i32, %c0_i32_0 : i32, i32
  }
  func.func @transform_6(%arg0: i32) -> (i32, i32) {
    %c0_i32 = arith.constant 0 : i32
    %c0_i32_0 = arith.constant 0 : i32
    return %arg0, %c0_i32 : i32, i32
  }
}

</mosaic_0001>

<sc_bundles>
// kernel: kernel.4.cloned.1.call-start
scs
__scs_entry_jumppad:
0x0: {  	(pc) =	sbr.rel $0x88, $3  }
0x1: {  	(tag) =	ssettag $0x0;
	lr =	simm.s32 $0x1  }
0x2: {  	[smem:$0x3F9C] =	sst lr;
	_ =	strace $0xD0000000  }
0x3: {  	_ = 	snop  }
0x4: {  	_ = 	snop  }
0x5: {  	_ = 	snop  }
0x6: {  	_ = 	snop  }
0x7: {  	_ = 	snop  }
__scs_overlays_trampoline_lowered:
0x8: {  	[smem:$0x3FAB] =	sst s0  }
0x9: {  	[smem:$0x3FAC] =	sst s1  }
0xa: {  	[smem:$0x3FAD] =	sst s2  }
0xb: {  	[smem:$0x3FAE] =	sst s3  }
0xc: {  	[smem:$0x3FAF] =	sst s4  }
0xd: {  	[smem:$0x3FB0] =	sst s5  }
0xe: {  	[smem:$0x3FB1] =	sst s6  }
0xf: {  	[smem:$0x3FB2] =	sst s7  }
0x10: {  	[smem:$0x3FB3] =	sst s8  }
0x11: {  	[smem:$0x3FB4] =	sst s9;
	s0 =	simm.s32 @!p0 $0x0  }
0x12: {  	s1 =	sld [smem:$0x3F9A];
	s0 =	simm.s32 @p0 $0x1  }
0x13: {  	[smem:$0x3FB5] =	sst s0;
	s0 =	simm.s32 @!p1 $0x0  }
0x14: {  	s2 =	sld [smem:$0x3F99];
	s0 =	simm.s32 @p1 $0x1  }
0x15: {  	[smem:$0x3FB6] =	sst s0;
	s0 =	simm.s32 @!p2 $0x0  }
0x16: {  	s3 =	sld [smem:$0x3FDB];
	s0 =	simm.s32 @p2 $0x1  }
0x17: {  	s4 =	simm.s32 $0x1BF5;
	[smem:$0x3FB8] =	sst s0  }
0x18: {  	s0 =	sld [smem:$0x3F9B];
	_ =	swait.ge [sflag:s4], $0x0  }
0x19: {  	s7 =	sld [smem:$0x3F9C]  }
0x1a: {  	s8 =	sadd.s32 $0xFFFFE003, lr  }
0x1b: {  	s9 =	sadd.s32 $0xFFFFFEF7, lr;
	s5 =	simm.s32 $0xFFFFFFFF;
	p2 =	slt.u32 s8, $0xFFFFF086  }
0x1c: {  	p1 =	slt.u32 s9, $0xF7A;
	s5 =	simm.s32 @!p2 $0x0  }
0x1d: {  	s5 =	simm.s32 @p1 $0x1;
	p0 =	seq.s32 s7, s2  }
0x1e: {  	s7 =	smul.u32 @!p0 $0xF7A, s2;
	p2 =	seq.s32 @!p0 s5, $0x0  }
0x1f: {  	s9 =	smul.u32 $0xF7A, s1;
	s8 =	simm.s32 @!p0 $0x1BF5;
	p2 =	por !p2, p0  }
0x20: {  	[sflag:s8] =	ssyncset.s32 @!p0 $0xFFFFF086;
	s6 =	sadd.s32 @!p0 s3, s7;
	s7 =	simm.s32 @!p0 $0x108  }
0x21: {  	s3 =	sadd.s32 s3, s9;
	s6 =	sadd.s32 @!p0 $0x88, s6;
	s7 =	simm.s32 @p2 $0x1082  }
0x22: {  	[simem:s7], [sflag:s8] =	dma.local @!p0 [hbm:s6], $0xF7A  }
0x23: {  	s9 =	sor.u32 $0xD0000000, s2;
	s6 =	simm.s32 $0x108;
	_ =	swait.ge @!p0 [sflag:s8], $0x0  }
0x24: {  	s3 =	sadd.s32 $0x88, s3;
	s6 =	simm.s32 @!p1 $0x1082;
	[sflag:s4] =	ssyncset.s32 $0xFFFFF086  }
0x25: {  	[simem:s6], [sflag:s4] =	dma.local [hbm:s3], $0xF7A  }
0x26: {  	[smem:$0x3F9C] =	sst s1;
	(tag) =	ssettag s2;
	_ =	strace s9  }
0x27: {  	s1 =	sld [smem:$0x3FAC]  }
0x28: {  	s2 =	sld [smem:$0x3FAD]  }
0x29: {  	s4 =	sld [smem:$0x3FAF]  }
0x2a: {  	p0 =	seq.s32 s5, $0x0;
	s5 =	sld [smem:$0x3FB0]  }
0x2b: {  	s6 =	sld [smem:$0x3FB1]  }
0x2c: {  	s7 =	sld [smem:$0x3FB2]  }
0x2d: {  	s3 =	simm.s32 $0x108;
	s8 =	sld [smem:$0x3FB3]  }
0x2e: {  	s3 =	simm.s32 @!p0 $0x1082;
	s9 =	sld [smem:$0x3FB4]  }
0x2f: {  	lr =	sadd.s32 s0, s3;
	s0 =	sld [smem:$0x3FAB]  }
0x30: {  	s3 =	sld [smem:$0x3FAE]  }
0x31: {  	[smem:$0x3FB7] =	sst s10  }
0x32: {  	s10 =	sld [smem:$0x3FB5];
	_ =	sdelay $0x3  }
0x33: {  	p0 =	seq.s32 s10, $0x1;
	s10 =	sld [smem:$0x3FB7];
	_ =	sdelay $0x3  }
0x34: {  	[smem:$0x3FB7] =	sst s10  }
0x35: {  	s10 =	sld [smem:$0x3FB6];
	_ =	sdelay $0x3  }
0x36: {  	p1 =	seq.s32 s10, $0x1;
	s10 =	sld [smem:$0x3FB7];
	_ =	sdelay $0x3  }
0x37: {  	[smem:$0x3FB7] =	sst s10  }
0x38: {  	s10 =	sld [smem:$0x3FB8]  }
0x39: {  	_ = 	snop;
	(pc) =	sbr.ind lr, $3  }
0x3a: {  	_ = 	snop  }
0x3b: {  	_ = 	snop  }
0x3c: {  	p2 =	seq.s32 s10, $0x1;
	s10 =	sld [smem:$0x3FB7]  }
0x3d: {  	_ =	shalt  }
0x3e: {  	_ =	shalt  }
0x3f: {  	_ =	shalt  }
0x40: {  	_ =	shalt  }
0x41: {  	_ =	shalt  }
0x42: {  	_ =	shalt  }
0x43: {  	_ =	shalt  }
0x44: {  	_ =	shalt  }
0x45: {  	_ =	shalt  }
0x46: {  	_ =	shalt  }
0x47: {  	_ =	shalt  }
0x48: {  	_ =	shalt  }
0x49: {  	_ =	shalt  }
0x4a: {  	_ =	shalt  }
0x4b: {  	_ =	shalt  }
0x4c: {  	_ =	shalt  }
0x4d: {  	_ =	shalt  }
0x4e: {  	_ =	shalt  }
0x4f: {  	_ =	shalt  }
0x50: {  	_ =	shalt  }
0x51: {  	_ =	shalt  }
0x52: {  	_ =	shalt  }
0x53: {  	_ =	shalt  }
0x54: {  	_ =	shalt  }
0x55: {  	_ =	shalt  }
0x56: {  	_ =	shalt  }
0x57: {  	_ =	shalt  }
0x58: {  	_ =	shalt  }
0x59: {  	_ =	shalt  }
0x5a: {  	_ =	shalt  }
0x5b: {  	_ =	shalt  }
0x5c: {  	_ =	shalt  }
0x5d: {  	_ =	shalt  }
0x5e: {  	_ =	shalt  }
0x5f: {  	_ =	shalt  }
0x60: {  	_ =	shalt  }
0x61: {  	_ =	shalt  }
0x62: {  	_ =	shalt  }
0x63: {  	_ =	shalt  }
0x64: {  	_ =	shalt  }
0x65: {  	_ =	shalt  }
0x66: {  	_ =	shalt  }
0x67: {  	_ =	shalt  }
0x68: {  	_ =	shalt  }
0x69: {  	_ =	shalt  }
0x6a: {  	_ =	shalt  }
0x6b: {  	_ =	shalt  }
0x6c: {  	_ =	shalt  }
0x6d: {  	_ =	shalt  }
0x6e: {  	_ =	shalt  }
0x6f: {  	_ =	shalt  }
0x70: {  	_ =	shalt  }
0x71: {  	_ =	shalt  }
0x72: {  	_ =	shalt  }
0x73: {  	_ =	shalt  }
0x74: {  	_ =	shalt  }
0x75: {  	_ =	shalt  }
0x76: {  	_ =	shalt  }
0x77: {  	_ =	shalt  }
0x78: {  	_ =	shalt  }
0x79: {  	_ =	shalt  }
0x7a: {  	_ =	shalt  }
0x7b: {  	_ =	shalt  }
0x7c: {  	_ =	shalt  }
0x7d: {  	_ =	shalt  }
0x7e: {  	_ =	shalt  }
0x7f: {  	_ =	shalt  }
0x80: {  	_ =	shalt  }
0x81: {  	_ =	shalt  }
0x82: {  	_ =	shalt  }
0x83: {  	_ =	shalt  }
0x84: {  	_ =	shalt  }
0x85: {  	_ =	shalt  }
0x86: {  	_ =	shalt  }
0x87: {  	_ =	shalt  }
.Lfunc_end0:
.L_simem_size_0:
called_computation_lowered:
.L_overlay_start_0:
0x88: {  	s2 =	sld [smem:$0x3FD9]  }
0x89: {  	s3 =	sld [smem:$0x3FFE];
	_ =	sdelay $0x1  }
0x8a: {  	s1 =	srdreg.scid  }
0x8b: {  	s0 =	sand.u32 $0x1, s1  }
0x8c: {  	s17 =	sshll.u32 s0, $0xA;
	s2 =	sadd.s32 s3, s2  }
0x8d: {  	s2 =	sadd.s32 s2, s17  }
0x8e: {  	[smem:$0x3FC3] =	sst s2  }
0x8f: {  	_ = 	snop  }
0x90: {  	s2 =	sld [smem:$0x3FC9]  }
0x91: {  	s18 =	sld [smem:$0x3FC8]  }
0x92: {  	s4 =	sld [smem:$0x3FD0];
	(tm) =	ssettm $0x1  }
0x93: {  	s5 =	sld [smem:$0x3FFB];
	_ =	sdelay $0x3  }
0x94: {  	_ =	strace s5  }
0x95: {  	s5 =	sld [smem:$0x3FFC];
	_ =	sdelay $0x3  }
0x96: {  	_ =	strace s5  }
0x97: {  	s5 =	sld [smem:$0x3FFD];
	_ =	sdelay $0x3  }
0x98: {  	_ =	strace s5  }
0x99: {  	_ =	strace $0x8FFFFFFF  }
0x9a: {  	s19 =	sld [smem:$0x3FDB];
	_ =	sdelay $0x1  }
0x9b: {  	s6 =	simm.s32 $_scs_section_size  }
0x9c: {  	s7 =	simm.s32 $_size__tile_overlayer_lowered;
	s8 =	simm.s32 $_tile_overlayer_lowered  }
0x9d: {  	s22 =	simm.s32 $0x1BFF;
	s21 =	sshll.u32 s8, $0x1;
	s5 =	sadd.s32 s6, s19  }
0x9e: {  	s9 =	simm.s32 $0x0;
	s20 =	sshll.u32 s7, $0x1;
	s7 =	sadd.s32 s21, s5  }
0x9f: {  	[timem:s9], [sflag:s22] =	dma.local [hbm:s7], s20  }
0xa0: {  	_ =	swait.ge [sflag:s22], s20  }
0xa1: {  	s6 =	ssub.s32 $0x0, s20;
	[sflag:s22] =	ssyncset.done $0x0  }
0xa2: {  	[sflag:s22] =	ssyncadd.s32 s6;
	_ =	sdelay $0x1  }
0xa3: {  	s23 =	simm.s32 $0x1B8B  }
0xa4: {  	_ =	swait.ge [sflag:s23], $0x1  }
0xa5: {  	[sflag:s23] =	ssyncset.done $0x0  }
0xa6: {  	s25 =	simm.s32 $0x1B8E;
	s24 =	sld [smem:$0x3FFE];
	[sflag:s23] =	ssyncadd.s32 $0xFFFFFFFF  }
0xa7: {  	s26 =	simm.s32 $execute0_lowered;
	[smem:$0x3FD2] =	sst s25  }
0xa8: {  	s7 =	sshll.u32 s26, $0x1;
	_ =	strace $0x80000046;
	[dreg:$0x1] =	wrdreg $0xFFFFFFFF  }
0xa9: {  	s28 =	simm.s32 $_size_execute0_lowered;
	s5 =	sadd.s32 s5, s7;
	[dreg:$0x0] =	wrdreg $0x0  }
0xaa: {  	s7 =	sshll.u32 s28, $0x1;
	[dreg:$0x2] =	wrdreg s5  }
0xab: {  	[dreg:$0x3] =	wrdreg s7  }
0xac: {  	[dreg:$0x4] =	wrdreg $0xC0  }
0xad: {  	_ =	task [dreg:s9], $0x5FFFF  }
0xae: {  	[dreg:$0x1] =	wrdreg $0xFFFFFFFF  }
0xaf: {  	[dreg:$0x0] =	wrdreg $0x60  }
0xb0: {  	[dreg:$0x2] =	wrdreg s2  }
0xb1: {  	[dreg:$0x3] =	wrdreg s18  }
0xb2: {  	[dreg:$0x4] =	wrdreg s24  }
0xb3: {  	[dreg:$0x5] =	wrdreg s4  }
0xb4: {  	[dreg:$0x6] =	wrdreg $0x8E000  }
0xb5: {  	[dreg:$0x7] =	wrdreg $0x1CE000  }
0xb6: {  	[dreg:$0x8] =	wrdreg $0x9  }
0xb7: {  	_ =	task.clear_ibuf [dreg:s9], $0x9FFFF;
	_ =	strace $0x90000046  }
0xb8: {  	s29 =	simm.s32 $0x9;
	_ =	strace $0x80000048  }
0xb9: {  	_ =	swait.ge [sflag:s29], $0x1  }
0xba: {  	[sflag:s29] =	ssyncadd.s32 $0xFFFFFFFF  }
0xbb: {  	_ =	strace $0x90000048  }
0xbc: {  	_ =	sfence  }
0xbd: {  	s30 =	sld [smem:$0x0];
	_ =	sdelay $0x2  }
0xbe: {  	s31 =	sshll.u32 s1, $0xD;
	s1 =	sshrl.u32 s1, $0x2  }
0xbf: {  	s3 =	sand.u32 $0x4000, s31;
	s1 =	sadd.s32 s1, s30  }
0xc0: {  	s0 =	sor.u32 s3, s0;
	s1 =	sshll.u32 s1, $0x11  }
0xc1: {  	s0 =	sor.u32 s1, s0  }
0xc2: {  	s0 =	sadd.s32 $0x8F2B, s0  }
0xc3: {  	[sflag:s0] =	ssyncadd.remote.s32 $0x1  }
0xc4: {  	_ =	sfence.sel $0xFFFF  }
0xc5: {  	[dreg:$0x0] =	wrdreg $0xFFFFFFFF;
	(pc) =	sbr.abs _section_cstart, $3  }
0xc6: {  	[dreg:$0x1] =	wrdreg $0xFFFFFFFF  }
0xc7: {  	_ =	task.clear_ibuf [dreg:s9], $0x2FFFF;
	_ =	strace $0x9FFFFFFF  }
0xc8: {  	(tm) =	ssettm $0x7FFFFFFF  }
0xc9: {  	_ =	shalt  }
tec
execute0_lowered:
.L_overlay_start_1:
0x0: {  	(tag) =	ssettag $0x1  }
0x1: {  	s1 =	rddreg [dreg:$0x0]  }
0x2: {  	s0 =	rddreg [dreg:$0x1]  }
0x3: {  	s2 =	rddreg [dreg:$0x2]  }
0x4: {  	s6 =	rddreg [dreg:$0x3]  }
0x5: {  	s3 =	rddreg [dreg:$0x4]  }
0x6: {  	s4 =	rddreg [dreg:$0x5];
	s7 =	srdreg.scid  }
0x7: {  	s21 =	stileid.u32;
	s5 =	simm.s32 $0x0;
	s28 =	simm.s32 $0x4600  }
0x8: {  	s29 =	simm.s32 $0x5;
	s30 =	simm.s32 $0x480;
	s8 =	smul.u32 $0x14000, s21  }
0x9: {  	s31 =	simm.s32 $0x4;
	s7 =	sand.u32 $0x1, s7;
	s17 =	smul.u32 $0x2800, s21  }
0xa: {  	[smem:$0x7FF] =	sst s5;
	s10 =	sshll.u32 s21, $0x1;
	s20 =	smul.u32 $0x1380, s21  }
0xb: {  	s11 =	sadd.s32 $0x1E00, s2;
	s12 =	sadd.s32 $0x1800, s2;
	s9 =	smul.u32 $0x140000, s7  }
0xc: {  	_ =	strace $0x80000047;
	s10 =	sor.u32 s7, s10;
	s18 =	smul.u32 $0x28000, s7  }
0xd: {  	[dreg:$0x8] =	wrdreg s11;
	s26 =	ssub.s32 $0x2, s7;
	s7 =	smul.u32 $0x9C0, s7  }
0xe: {  	p0 =	sgt.u32 s21, $0x1;
	[dreg:$0x9] =	wrdreg s12;
	s25 =	smul.u32 $0x4E00, s10  }
0xf: {  	s13 =	sshrl.u32 s26, $0x1;
	s14 =	smul.u32 $0x9C0, s10;
	s10 =	sshll.u32 s10, $0x5  }
0x10: {  	s19 =	sadd.s32 s17, s4;
	s9 =	sadd.s32 s8, s9;
	s15 =	ssub.s32 s26, s13  }
0x11: {  	s8 =	sadd.s32 s8, s3;
	[dreg:$0xc] =	wrdreg s19;
	s10 =	sadd.s32 s10, s0  }
0x12: {  	s22 =	sadd.s32 s17, s18;
	s17 =	simm.s32 $0x1;
	s18 =	simm.s32 $0x80  }
0x13: {  	s19 =	simm.s32 $0x600;
	s26 =	simm.s32 $0x280;
	s9 =	sshrl.u32 s9, $0x3  }
0x14: {  	s11 =	sshrl.u32 s25, $0x3;
	s16 =	sadd.s32 s0, s14;
	s10 =	sadd.s32 $0x13800, s10  }
0x15: {  	s23 =	sshrl.u32 s22, $0x3;
	s24 =	smax.u32 s15, $0x1;
	s25 =	sshll.u32 s21, $0x6  }
0x16: {  	s12 =	sshrl.u32 s8, $0x3;
	s22 =	simm.s32 $0x9;
	[dreg:$0x7] =	wrdreg s26  }
0x17: {  	s26 =	simm.s32 $0x100;
	s8 =	simm.s32 $0x580;
	[dreg:$0xa] =	wrdreg s16  }
0x18: {  	s2 =	sadd.s32 s9, s2;
	s11 =	sadd.s32 s0, s11;
	[dreg:$0xd] =	wrdreg s10  }
0x19: {  	s0 =	sadd.s32 s20, s0;
	[dreg:$0x10] =	wrdreg s24;
	s16 =	simm.s32 $0x200  }
0x1a: {  	s20 =	sor.u32 $0x1C09, s25;
	s24 =	simm.s32 $0x400;
	s25 =	simm.s32 $0x8600  }
0x1b: {  	s9 =	simm.s32 $0x7;
	[dreg:$0x11] =	wrdreg s12;
	s11 =	sadd.s32 $0x40, s11  }
0x1c: {  	s2 =	sadd.s32 $0x4600, s2;
	s15 =	sadd.s32 s7, s0;
	[dreg:$0xb] =	wrdreg s11  }
0x1d: {  	s0 =	simm.s32 $0x2;
	s7 =	simm.s32 $0x300;
	[dreg:$0xe] =	wrdreg s2  }
0x1e: {  	s2 =	sadd.s32 s6, s23;
	s23 =	simm.s32 $0x3;
	s6 =	simm.s32 $0x500  }
0x1f: {  	v0 =	vimm.f32 $1.000000000e+00;
	s11 =	simm.s32 $0x0;
	[dreg:$0xf] =	wrdreg s2;
	s2 =	simm.s32 $0x6  }
.LBB2_1:
0x20: {  	[tilespmem:$0x8600] =	vst v0  }
0x21: {  	[tilespmem:$0x8610] =	vst v0  }
0x22: {  	[tilespmem:$0x8620] =	vst v0  }
0x23: {  	[tilespmem:$0x8630] =	vst v0  }
0x24: {  	[tilespmem:$0x8640] =	vst v0  }
0x25: {  	[tilespmem:$0x8650] =	vst v0  }
0x26: {  	[tilespmem:$0x8660] =	vst v0  }
0x27: {  	[tilespmem:$0x8670] =	vst v0  }
0x28: {  	[tilespmem:$0x8680] =	vst v0  }
0x29: {  	[tilespmem:$0x8690] =	vst v0  }
0x2a: {  	[tilespmem:$0x86A0] =	vst v0  }
0x2b: {  	[tilespmem:$0x86B0] =	vst v0  }
0x2c: {  	[tilespmem:$0x86C0] =	vst v0  }
0x2d: {  	[tilespmem:$0x86D0] =	vst v0  }
0x2e: {  	[tilespmem:$0x86E0] =	vst v0  }
0x2f: {  	[tilespmem:$0x86F0] =	vst v0  }
0x30: {  	[tilespmem:$0x8700] =	vst v0  }
0x31: {  	[tilespmem:$0x8710] =	vst v0  }
0x32: {  	[tilespmem:$0x8720] =	vst v0  }
0x33: {  	[tilespmem:$0x8730] =	vst v0  }
0x34: {  	[tilespmem:$0x8740] =	vst v0  }
0x35: {  	[tilespmem:$0x8750] =	vst v0  }
0x36: {  	[tilespmem:$0x8760] =	vst v0  }
0x37: {  	[tilespmem:$0x8770] =	vst v0  }
0x38: {  	[tilespmem:$0x8780] =	vst v0  }
0x39: {  	[tilespmem:$0x8790] =	vst v0  }
0x3a: {  	[tilespmem:$0x87A0] =	vst v0  }
0x3b: {  	[tilespmem:$0x87B0] =	vst v0  }
0x3c: {  	[tilespmem:$0x87C0] =	vst v0  }
0x3d: {  	[tilespmem:$0x87D0] =	vst v0  }
0x3e: {  	[tilespmem:$0x87E0] =	vst v0  }
0x3f: {  	[tilespmem:$0x87F0] =	vst v0  }
0x40: {  	[tilespmem:$0x8800] =	vst v0  }
0x41: {  	[tilespmem:$0x8810] =	vst v0  }
0x42: {  	[tilespmem:$0x8820] =	vst v0  }
0x43: {  	[tilespmem:$0x8830] =	vst v0  }
0x44: {  	[tilespmem:$0x8840] =	vst v0  }
0x45: {  	[tilespmem:$0x8850] =	vst v0  }
0x46: {  	[tilespmem:$0x8860] =	vst v0  }
0x47: {  	[tilespmem:$0x8870] =	vst v0  }
0x48: {  	[tilespmem:$0x8880] =	vst v0  }
0x49: {  	[tilespmem:$0x8890] =	vst v0  }
0x4a: {  	[tilespmem:$0x88A0] =	vst v0  }
0x4b: {  	[tilespmem:$0x88B0] =	vst v0  }
0x4c: {  	[tilespmem:$0x88C0] =	vst v0  }
0x4d: {  	[tilespmem:$0x88D0] =	vst v0  }
0x4e: {  	[tilespmem:$0x88E0] =	vst v0  }
0x4f: {  	[tilespmem:$0x88F0] =	vst v0  }
0x50: {  	[tilespmem:$0x8900] =	vst v0  }
0x51: {  	[tilespmem:$0x8910] =	vst v0  }
0x52: {  	[tilespmem:$0x8920] =	vst v0  }
0x53: {  	[tilespmem:$0x8930] =	vst v0  }
0x54: {  	[tilespmem:$0x8940] =	vst v0  }
0x55: {  	[tilespmem:$0x8950] =	vst v0  }
0x56: {  	[tilespmem:$0x8960] =	vst v0  }
0x57: {  	[tilespmem:$0x8970] =	vst v0  }
0x58: {  	[tilespmem:$0x8980] =	vst v0  }
0x59: {  	[tilespmem:$0x8990] =	vst v0  }
0x5a: {  	[tilespmem:$0x89A0] =	vst v0  }
0x5b: {  	[tilespmem:$0x89B0] =	vst v0  }
0x5c: {  	[tilespmem:$0x89C0] =	vst v0  }
0x5d: {  	[tilespmem:$0x89D0] =	vst v0  }
0x5e: {  	[tilespmem:$0x89E0] =	vst v0  }
0x5f: {  	[tilespmem:$0x89F0] =	vst v0  }
0x60: {  	[tilespmem:$0x8A00] =	vst v0  }
0x61: {  	[tilespmem:$0x8A10] =	vst v0  }
0x62: {  	[tilespmem:$0x8A20] =	vst v0  }
0x63: {  	[tilespmem:$0x8A30] =	vst v0  }
0x64: {  	[tilespmem:$0x8A40] =	vst v0  }
0x65: {  	[tilespmem:$0x8A50] =	vst v0  }
0x66: {  	[tilespmem:$0x8A60] =	vst v0  }
0x67: {  	[tilespmem:$0x8A70] =	vst v0  }
0x68: {  	[tilespmem:$0x8A80] =	vst v0  }
0x69: {  	[tilespmem:$0x8A90] =	vst v0  }
0x6a: {  	[tilespmem:$0x8AA0] =	vst v0  }
0x6b: {  	[tilespmem:$0x8AB0] =	vst v0  }
0x6c: {  	[tilespmem:$0x8AC0] =	vst v0  }
0x6d: {  	[tilespmem:$0x8AD0] =	vst v0  }
0x6e: {  	[tilespmem:$0x8AE0] =	vst v0  }
0x6f: {  	[tilespmem:$0x8AF0] =	vst v0  }
0x70: {  	[tilespmem:$0x8B00] =	vst v0  }
0x71: {  	[tilespmem:$0x8B10] =	vst v0  }
0x72: {  	[tilespmem:$0x8B20] =	vst v0  }
0x73: {  	[tilespmem:$0x8B30] =	vst v0  }
0x74: {  	[tilespmem:$0x8B40] =	vst v0  }
0x75: {  	[tilespmem:$0x8B50] =	vst v0  }
0x76: {  	[tilespmem:$0x8B60] =	vst v0  }
0x77: {  	[tilespmem:$0x8B70] =	vst v0  }
0x78: {  	[tilespmem:$0x8B80] =	vst v0  }
0x79: {  	[tilespmem:$0x8B90] =	vst v0  }
0x7a: {  	[tilespmem:$0x8BA0] =	vst v0  }
0x7b: {  	[tilespmem:$0x8BB0] =	vst v0  }
0x7c: {  	[tilespmem:$0x8BC0] =	vst v0  }
0x7d: {  	[tilespmem:$0x8BD0] =	vst v0  }
0x7e: {  	[tilespmem:$0x8BE0] =	vst v0  }
0x7f: {  	[tilespmem:$0x8BF0] =	vst v0  }
0x80: {  	[tilespmem:$0x8C00] =	vst v0  }
0x81: {  	[tilespmem:$0x8C10] =	vst v0  }
0x82: {  	[tilespmem:$0x8C20] =	vst v0  }
0x83: {  	[tilespmem:$0x8C30] =	vst v0  }
0x84: {  	[tilespmem:$0x8C40] =	vst v0  }
0x85: {  	[tilespmem:$0x8C50] =	vst v0  }
0x86: {  	[tilespmem:$0x8C60] =	vst v0  }
0x87: {  	[tilespmem:$0x8C70] =	vst v0  }
0x88: {  	[tilespmem:$0x8C80] =	vst v0  }
0x89: {  	[tilespmem:$0x8C90] =	vst v0  }
0x8a: {  	[tilespmem:$0x8CA0] =	vst v0  }
0x8b: {  	[tilespmem:$0x8CB0] =	vst v0  }
0x8c: {  	[tilespmem:$0x8CC0] =	vst v0  }
0x8d: {  	[tilespmem:$0x8CD0] =	vst v0  }
0x8e: {  	[tilespmem:$0x8CE0] =	vst v0  }
0x8f: {  	[tilespmem:$0x8CF0] =	vst v0  }
0x90: {  	[tilespmem:$0x8D00] =	vst v0  }
0x91: {  	[tilespmem:$0x8D10] =	vst v0  }
0x92: {  	[tilespmem:$0x8D20] =	vst v0  }
0x93: {  	[tilespmem:$0x8D30] =	vst v0  }
0x94: {  	[tilespmem:$0x8D40] =	vst v0  }
0x95: {  	[tilespmem:$0x8D50] =	vst v0  }
0x96: {  	[tilespmem:$0x8D60] =	vst v0  }
0x97: {  	[tilespmem:$0x8D70] =	vst v0  }
0x98: {  	[tilespmem:$0x8D80] =	vst v0  }
0x99: {  	[tilespmem:$0x8D90] =	vst v0  }
0x9a: {  	[tilespmem:$0x8DA0] =	vst v0  }
0x9b: {  	[tilespmem:$0x8DB0] =	vst v0  }
0x9c: {  	[tilespmem:$0x8DC0] =	vst v0  }
0x9d: {  	[tilespmem:$0x8DD0] =	vst v0  }
0x9e: {  	[tilespmem:$0x8DE0] =	vst v0  }
0x9f: {  	[tilespmem:$0x8DF0] =	vst v0;
	s10 =	rddreg [dreg:$0xa]  }
0xa0: {  	[tilespmem:s5], [sflag:$0x1] =	stream.linear.gather [hbm4b:s10+s5], $0x200, $0x38;
	[tilespmem:$0x1F600] =	vst v63  }
0xa1: {  	s13 =	rddreg [dreg:$0xb]  }
0xa2: {  	[tilespmem:s16], [sflag:$0x2] =	stream.linear.gather [hbm4b:s13+s5], $0x200, $0x38;
	[tilespmem:$0x1F600] =	vst v63  }
0xa3: {  	_ =	swait.ge [sflag:s17], $0x200  }
0xa4: {  	[sflag:s17] =	ssyncset.done $0x0  }
0xa5: {  	s14 =	rddreg [dreg:$0x8];
	[sflag:s17] =	ssyncadd.s32 $0xFFFFFE00  }
0xa6: {  	[tilespmem:s19], [sflag:$0x3] =	stream.indirect.gather [hbm4b:s1+s18], $0x80, s5, s18, $0xb8;
	[tilespmem:$0x1F600] =	vst v63  }
0xa7: {  	[spmem:s12], [sflag:s20] =	dma.local [hbm:s14], $0x2800  }
0xa8: {  	_ =	swait.ge [sflag:s22], $0x2800  }
0xa9: {  	s21 =	rddreg [dreg:$0xc]  }
0xaa: {  	[sflag:s22] =	ssyncset.done $0x0;
	s13 =	rddreg [dreg:$0x9];
	s10 =	sshrl.u32 s21, $0x3  }
0xab: {  	[sflag:s22] =	ssyncadd.s32 $0xFFFFD800;
	[dreg:$0x12] =	wrdreg s10  }
0xac: {  	[spmem:s10], [sflag:s20] =	dma.local [hbm:s13], $0x500  }
0xad: {  	_ =	swait.ge [sflag:s22], $0x500  }
0xae: {  	[sflag:s22] =	ssyncset.done $0x0  }
0xaf: {  	[sflag:s22] =	ssyncadd.s32 $0xFFFFFB00  }
0xb0: {  	[bflag:$0x0] =	sbarrier.arrive $0xFFFF  }
0xb1: {  	_ =	swait.ge [sflag:s23], $0x4000  }
0xb2: {  	p1 =	por $0x1, $0x1;
	[sflag:s23] =	ssyncset.done $0x0  }
0xb3: {  	s13 =	simm.s32 @!p1 $0x7;
	[sflag:s23] =	ssyncadd.s32 $0xFFFFC000  }
0xb4: {  	[spmem:s3] =	stream.indirect.scatter.add.f32 [tilespmem:s19], [sflag:$0x5], $0x80, s18, s18, $0xb8;
	[tilespmem:$0x1F600] =	vst v63  }
0xb5: {  	_ =	swait.ge @!p1 [sflag:s13], $0x800  }
0xb6: {  	[sflag:s13] =	ssyncset.done @!p1 $0x0  }
0xb7: {  	[sflag:s13] =	ssyncadd.s32 @!p1 $0xFFFFF800  }
0xb8: {  	_ =	swait.ge @!p1 [sflag:s13], $0x800  }
0xb9: {  	[sflag:s13] =	ssyncset.done @!p1 $0x0  }
0xba: {  	[sflag:s13] =	ssyncadd.s32 @!p1 $0xFFFFF800  }
0xbb: {  	v1 =	vld [tilespmem:$0xF0]  }
0xbc: {  	v2 =	vld [tilespmem:$0xE0]  }
0xbd: {  	v3 =	vld [tilespmem:$0xC0]  }
0xbe: {  	v4 =	vld [tilespmem:$0xD0]  }
0xbf: {  	v5 =	vld [tilespmem:$0xB0]  }
0xc0: {  	v6 =	vld [tilespmem:$0xA0];
	[tilespmem:$0x470] =	vst v1  }
0xc1: {  	v1 =	vld [tilespmem:$0x80];
	[tilespmem:$0x460] =	vst v2  }
0xc2: {  	v2 =	vld [tilespmem:$0x90];
	[tilespmem:$0x440] =	vst v3  }
0xc3: {  	[tilespmem:$0x450] =	vst v4  }
0xc4: {  	[tilespmem:$0x430] =	vst v5  }
0xc5: {  	[tilespmem:$0x420] =	vst v6  }
0xc6: {  	[tilespmem:$0x400] =	vst v1  }
0xc7: {  	[tilespmem:$0x410] =	vst v2  }
0xc8: {  	[spmem:s4] =	stream.indirect.scatter.add.f32 [tilespmem:s25], [sflag:$0x7], $0x10, s24, s18, $0xb8;
	[tilespmem:$0x1F600] =	vst v63  }
0xc9: {  	_ = 	snop  }
0xca: {  	[tilespmem:s28], [sflag:$0x4] =	stream.indirect.gather [hbm4b:s1+s18], $0x80, s26, s18, $0xb8;
	[tilespmem:$0x1F600] =	vst v63  }
0xcb: {  	_ =	swait.ge [sflag:s29], $0x4000  }
0xcc: {  	[sflag:s29] =	ssyncset.done $0x0  }
0xcd: {  	[sflag:s29] =	ssyncadd.s32 $0xFFFFC000  }
0xce: {  	v1 =	vld [tilespmem:$0x190]  }
0xcf: {  	v2 =	vld [tilespmem:$0x1F0]  }
0xd0: {  	v3 =	vld [tilespmem:$0x1A0]  }
0xd1: {  	v61 =	vld [tilespmem:$0x1B0]  }
0xd2: {  	v62 =	vld [tilespmem:$0x1D0]  }
0xd3: {  	v63 =	vld [tilespmem:$0x180];
	[tilespmem:$0x490] =	vst v1  }
0xd4: {  	v1 =	vld [tilespmem:$0x1E0];
	[tilespmem:$0x4F0] =	vst v2  }
0xd5: {  	[tilespmem:$0x4A0] =	vst v3;
	v2 =	vld [tilespmem:$0x1C0]  }
0xd6: {  	[tilespmem:$0x4B0] =	vst v61  }
0xd7: {  	[tilespmem:$0x4D0] =	vst v62  }
0xd8: {  	[tilespmem:$0x480] =	vst v63  }
0xd9: {  	[tilespmem:$0x4E0] =	vst v1  }
0xda: {  	[tilespmem:$0x4C0] =	vst v2  }
0xdb: {  	[spmem:s4] =	stream.indirect.scatter.add.f32 [tilespmem:s25], [sflag:$0x7], $0x10, s30, s18, $0xb8;
	[tilespmem:$0x1F600] =	vst v63  }
0xdc: {  	_ =	swait.ge [sflag:s31], $0x4000  }
0xdd: {  	s14 =	sadd.s32 $0x0, s15;
	[sflag:s31] =	ssyncset.done $0x0  }
0xde: {  	s13 =	sadd.s32 $0x80, s14;
	[sflag:s31] =	ssyncadd.s32 $0xFFFFC000  }
0xdf: {  	[tilespmem:s5], [sflag:$0x1] =	stream.linear.gather [hbm4b:s13+s5], $0x200, $0x38;
	[tilespmem:$0x1F600] =	vst v63  }
0xe0: {  	_ = 	snop  }
0xe1: {  	[spmem:s3] =	stream.indirect.scatter.add.f32 [tilespmem:s28], [sflag:$0x6], $0x80, s30, s18, $0xb8;
	[tilespmem:$0x1F600] =	vst v63  }
0xe2: {  	_ =	swait.ge [sflag:s0], $0x200  }
0xe3: {  	[sflag:s0] =	ssyncset.done $0x0  }
0xe4: {  	[sflag:s0] =	ssyncadd.s32 $0xFFFFFE00  }
0xe5: {  	[tilespmem:s19], [sflag:$0x3] =	stream.indirect.gather [hbm4b:s1+s18], $0x80, s16, s18, $0xb8;
	[tilespmem:$0x1F600] =	vst v63  }
0xe6: {  	_ =	swait.ge [sflag:s2], $0x4000  }
0xe7: {  	[sflag:s2] =	ssyncset.done $0x0  }
0xe8: {  	[sflag:s2] =	ssyncadd.s32 $0xFFFFC000  }
0xe9: {  	_ =	swait.ge [sflag:s23], $0x4000  }
0xea: {  	[sflag:s23] =	ssyncset.done $0x0  }
0xeb: {  	s14 =	simm.s32 @!p1 $0x8;
	s21 =	rddreg [dreg:$0x7];
	[sflag:s23] =	ssyncadd.s32 $0xFFFFC000  }
0xec: {  	[spmem:s3] =	stream.indirect.scatter.add.f32 [tilespmem:s19], [sflag:$0x5], $0x80, s21, s18, $0xb8;
	[tilespmem:$0x1F600] =	vst v63  }
0xed: {  	_ =	swait.ge @!p1 [sflag:s14], $0x800  }
0xee: {  	[sflag:s14] =	ssyncset.done @!p1 $0x0  }
0xef: {  	[sflag:s14] =	ssyncadd.s32 @!p1 $0xFFFFF800  }
0xf0: {  	_ =	swait.ge @!p1 [sflag:s14], $0x800  }
0xf1: {  	[sflag:s14] =	ssyncset.done @!p1 $0x0  }
0xf2: {  	[sflag:s14] =	ssyncadd.s32 @!p1 $0xFFFFF800  }
0xf3: {  	s13 =	simm.s32 $0x0;
	s14 =	simm.s32 $0x80;
	v1 =	vld [tilespmem:$0x2E0]  }
.LBB2_2:
0xf4: {  	v2 =	vld [tilespmem:$0x290]  }
0xf5: {  	v3 =	vld [tilespmem:$0x2B0]  }
0xf6: {  	v4 =	vld [tilespmem:$0x2A0]  }
0xf7: {  	v5 =	vld [tilespmem:$0x2F0]  }
0xf8: {  	v6 =	vld [tilespmem:$0x2D0];
	[tilespmem:$0x560] =	vst v1  }
0xf9: {  	v1 =	vld [tilespmem:$0x280];
	[tilespmem:$0x510] =	vst v2  }
0xfa: {  	[tilespmem:$0x530] =	vst v3;
	v2 =	vld [tilespmem:$0x2C0]  }
0xfb: {  	[tilespmem:$0x520] =	vst v4  }
0xfc: {  	[tilespmem:$0x570] =	vst v5  }
0xfd: {  	[tilespmem:$0x550] =	vst v6  }
0xfe: {  	[tilespmem:$0x500] =	vst v1  }
0xff: {  	[tilespmem:$0x540] =	vst v2  }
0x100: {  	[spmem:s4] =	stream.indirect.scatter.add.f32 [tilespmem:s25], [sflag:$0x8], $0x10, s6, s18, $0xb8;
	[tilespmem:$0x1F600] =	vst v63  }
0x101: {  	_ = 	snop  }
0x102: {  	[tilespmem:s28], [sflag:$0x4] =	stream.indirect.gather [hbm4b:s1+s18], $0x80, s7, s18, $0xb8;
	[tilespmem:$0x1F600] =	vst v63  }
0x103: {  	_ =	swait.ge [sflag:s29], $0x4000  }
0x104: {  	[sflag:s29] =	ssyncset.done $0x0  }
0x105: {  	[sflag:s29] =	ssyncadd.s32 $0xFFFFC000  }
0x106: {  	v1 =	vld [tilespmem:$0x380]  }
0x107: {  	v2 =	vld [tilespmem:$0x390]  }
0x108: {  	v3 =	vld [tilespmem:$0x3A0]  }
0x109: {  	v56 =	vld [tilespmem:$0x3D0]  }
0x10a: {  	v57 =	vld [tilespmem:$0x3C0]  }
0x10b: {  	[tilespmem:$0x580] =	vst v1;
	v1 =	vld [tilespmem:$0x3B0]  }
0x10c: {  	[tilespmem:$0x590] =	vst v2;
	v2 =	vld [tilespmem:$0x3F0]  }
0x10d: {  	[tilespmem:$0x5A0] =	vst v3;
	v3 =	vld [tilespmem:$0x3E0]  }
0x10e: {  	[tilespmem:$0x5D0] =	vst v56  }
0x10f: {  	[tilespmem:$0x5C0] =	vst v57  }
0x110: {  	[tilespmem:$0x5B0] =	vst v1  }
0x111: {  	[tilespmem:$0x5F0] =	vst v2  }
0x112: {  	[tilespmem:$0x5E0] =	vst v3  }
0x113: {  	[spmem:s4] =	stream.indirect.scatter.add.f32 [tilespmem:s25], [sflag:$0x8], $0x10, s8, s18, $0xb8;
	[tilespmem:$0x1F600] =	vst v63  }
0x114: {  	p2 =	seq.s32 s13, $0x900;
	_ =	swait.ge [sflag:s31], $0x4000  }
0x115: {  	s13 =	sadd.s32 @!p2 s13, s15;
	s10 =	simm.s32 @!p2 $0x200;
	[sflag:s31] =	ssyncset.done $0x0  }
0x116: {  	s12 =	simm.s32 @!p2 $0x0;
	s13 =	sadd.s32 @!p2 $0xC0, s13;
	[sflag:s31] =	ssyncadd.s32 $0xFFFFC000  }
0x117: {  	[tilespmem:s10], [sflag:$0x2] =	stream.linear.gather @!p2 [hbm4b:s13+s12], $0x200, $0x38;
	[tilespmem:$0x1F600] =	vst v63  }
0x118: {  	_ = 	snop  }
0x119: {  	[spmem:s3] =	stream.indirect.scatter.add.f32 [tilespmem:s28], [sflag:$0x6], $0x80, s8, s18, $0xb8;
	[tilespmem:$0x1F600] =	vst v63  }
0x11a: {  	_ =	swait.ge [sflag:s17], $0x200  }
0x11b: {  	[sflag:s17] =	ssyncset.done $0x0  }
0x11c: {  	[sflag:s17] =	ssyncadd.s32 $0xFFFFFE00  }
0x11d: {  	[tilespmem:s19], [sflag:$0x3] =	stream.indirect.gather [hbm4b:s1+s18], $0x80, s5, s18, $0xb8;
	[tilespmem:$0x1F600] =	vst v63  }
0x11e: {  	_ =	swait.ge [sflag:s2], $0x4000  }
0x11f: {  	[sflag:s2] =	ssyncset.done $0x0  }
0x120: {  	s21 =	smov.u32 s14;
	[sflag:s2] =	ssyncadd.s32 $0xFFFFC000  }
0x121: {  	s13 =	smov.u32 s21;
	_ =	swait.ge [sflag:s23], $0x4000  }
0x122: {  	p2 =	seq.s32 s13, $0x0;
	[sflag:s23] =	ssyncset.done $0x0  }
0x123: {  	s10 =	simm.s32 @!p2 $0x7;
	[sflag:s23] =	ssyncadd.s32 $0xFFFFC000  }
0x124: {  	[spmem:s3] =	stream.indirect.scatter.add.f32 [tilespmem:s19], [sflag:$0x5], $0x80, s18, s18, $0xb8;
	[tilespmem:$0x1F600] =	vst v63  }
0x125: {  	_ =	swait.ge @!p2 [sflag:s10], $0x800  }
0x126: {  	[sflag:s10] =	ssyncset.done @!p2 $0x0  }
0x127: {  	[sflag:s10] =	ssyncadd.s32 @!p2 $0xFFFFF800  }
0x128: {  	_ =	swait.ge @!p2 [sflag:s10], $0x800  }
0x129: {  	[sflag:s10] =	ssyncset.done @!p2 $0x0  }
0x12a: {  	[sflag:s10] =	ssyncadd.s32 @!p2 $0xFFFFF800  }
0x12b: {  	v1 =	vld [tilespmem:$0xF0]  }
0x12c: {  	v2 =	vld [tilespmem:$0xE0]  }
0x12d: {  	v3 =	vld [tilespmem:$0xC0]  }
0x12e: {  	v58 =	vld [tilespmem:$0xD0]  }
0x12f: {  	v59 =	vld [tilespmem:$0xB0]  }
0x130: {  	v60 =	vld [tilespmem:$0xA0];
	[tilespmem:$0x470] =	vst v1  }
0x131: {  	v1 =	vld [tilespmem:$0x80];
	[tilespmem:$0x460] =	vst v2  }
0x132: {  	v2 =	vld [tilespmem:$0x90];
	[tilespmem:$0x440] =	vst v3  }
0x133: {  	[tilespmem:$0x450] =	vst v58  }
0x134: {  	[tilespmem:$0x430] =	vst v59  }
0x135: {  	[tilespmem:$0x420] =	vst v60  }
0x136: {  	[tilespmem:$0x400] =	vst v1  }
0x137: {  	[tilespmem:$0x410] =	vst v2  }
0x138: {  	[spmem:s4] =	stream.indirect.scatter.add.f32 [tilespmem:s25], [sflag:$0x7], $0x10, s24, s18, $0xb8;
	[tilespmem:$0x1F600] =	vst v63  }
0x139: {  	_ = 	snop  }
0x13a: {  	[tilespmem:s28], [sflag:$0x4] =	stream.indirect.gather [hbm4b:s1+s18], $0x80, s26, s18, $0xb8;
	[tilespmem:$0x1F600] =	vst v63  }
0x13b: {  	_ =	swait.ge [sflag:s29], $0x4000  }
0x13c: {  	[sflag:s29] =	ssyncset.done $0x0  }
0x13d: {  	[sflag:s29] =	ssyncadd.s32 $0xFFFFC000  }
0x13e: {  	v1 =	vld [tilespmem:$0x190]  }
0x13f: {  	v2 =	vld [tilespmem:$0x1F0]  }
0x140: {  	v3 =	vld [tilespmem:$0x1A0]  }
0x141: {  	v61 =	vld [tilespmem:$0x1B0]  }
0x142: {  	v62 =	vld [tilespmem:$0x1D0]  }
0x143: {  	v63 =	vld [tilespmem:$0x180];
	[tilespmem:$0x490] =	vst v1  }
0x144: {  	v1 =	vld [tilespmem:$0x1E0];
	[tilespmem:$0x4F0] =	vst v2  }
0x145: {  	[tilespmem:$0x4A0] =	vst v3;
	v2 =	vld [tilespmem:$0x1C0]  }
0x146: {  	[tilespmem:$0x4B0] =	vst v61  }
0x147: {  	[tilespmem:$0x4D0] =	vst v62  }
0x148: {  	[tilespmem:$0x480] =	vst v63  }
0x149: {  	[tilespmem:$0x4E0] =	vst v1  }
0x14a: {  	[tilespmem:$0x4C0] =	vst v2  }
0x14b: {  	[spmem:s4] =	stream.indirect.scatter.add.f32 [tilespmem:s25], [sflag:$0x7], $0x10, s30, s18, $0xb8;
	[tilespmem:$0x1F600] =	vst v63  }
0x14c: {  	_ =	swait.ge [sflag:s31], $0x4000  }
0x14d: {  	s12 =	sadd.s32 s13, s15;
	[sflag:s31] =	ssyncset.done $0x0  }
0x14e: {  	s10 =	sadd.s32 $0x80, s12;
	[sflag:s31] =	ssyncadd.s32 $0xFFFFC000  }
0x14f: {  	[tilespmem:s5], [sflag:$0x1] =	stream.linear.gather [hbm4b:s10+s5], $0x200, $0x38;
	[tilespmem:$0x1F600] =	vst v63  }
0x150: {  	_ = 	snop  }
0x151: {  	[spmem:s3] =	stream.indirect.scatter.add.f32 [tilespmem:s28], [sflag:$0x6], $0x80, s30, s18, $0xb8;
	[tilespmem:$0x1F600] =	vst v63  }
0x152: {  	_ =	swait.ge [sflag:s0], $0x200  }
0x153: {  	[sflag:s0] =	ssyncset.done $0x0  }
0x154: {  	[sflag:s0] =	ssyncadd.s32 $0xFFFFFE00  }
0x155: {  	[tilespmem:s19], [sflag:$0x3] =	stream.indirect.gather [hbm4b:s1+s18], $0x80, s16, s18, $0xb8;
	[tilespmem:$0x1F600] =	vst v63  }
0x156: {  	_ =	swait.ge [sflag:s2], $0x4000  }
0x157: {  	[sflag:s2] =	ssyncset.done $0x0  }
0x158: {  	[sflag:s2] =	ssyncadd.s32 $0xFFFFC000  }
0x159: {  	_ =	swait.ge [sflag:s23], $0x4000  }
0x15a: {  	[sflag:s23] =	ssyncset.done $0x0  }
0x15b: {  	s12 =	simm.s32 @!p2 $0x8;
	s21 =	rddreg [dreg:$0x7];
	[sflag:s23] =	ssyncadd.s32 $0xFFFFC000  }
0x15c: {  	[spmem:s3] =	stream.indirect.scatter.add.f32 [tilespmem:s19], [sflag:$0x5], $0x80, s21, s18, $0xb8;
	[tilespmem:$0x1F600] =	vst v63  }
0x15d: {  	s14 =	sadd.s32 $0x80, s14;
	_ =	swait.ge @!p2 [sflag:s12], $0x800  }
0x15e: {  	p1 =	sne.s32 s14, $0x980;
	[sflag:s12] =	ssyncset.done @!p2 $0x0  }
.Ltmp0:
0x15f: {  	[sflag:s12] =	ssyncadd.s32 @!p2 $0xFFFFF800;
	(pc) =	sbr.rel @p1 .LBB2_2-.Ltmp0, $4  }
0x160: {  	_ =	swait.ge @!p2 [sflag:s12], $0x800  }
0x161: {  	[sflag:s12] =	ssyncset.done @!p2 $0x0  }
0x162: {  	[sflag:s12] =	ssyncadd.s32 @!p2 $0xFFFFF800  }
0x163: {  	v1 =	vld [tilespmem:$0x2E0]  }
0x164: {  	v2 =	vld [tilespmem:$0x290]  }
0x165: {  	v3 =	vld [tilespmem:$0x2B0]  }
0x166: {  	v4 =	vld [tilespmem:$0x2A0]  }
0x167: {  	v5 =	vld [tilespmem:$0x2F0]  }
0x168: {  	v6 =	vld [tilespmem:$0x2D0];
	[tilespmem:$0x560] =	vst v1  }
0x169: {  	v1 =	vld [tilespmem:$0x280];
	[tilespmem:$0x510] =	vst v2  }
0x16a: {  	[tilespmem:$0x530] =	vst v3;
	v2 =	vld [tilespmem:$0x2C0]  }
0x16b: {  	[tilespmem:$0x520] =	vst v4  }
0x16c: {  	[tilespmem:$0x570] =	vst v5  }
0x16d: {  	[tilespmem:$0x550] =	vst v6  }
0x16e: {  	[tilespmem:$0x500] =	vst v1  }
0x16f: {  	[tilespmem:$0x540] =	vst v2  }
0x170: {  	[spmem:s4] =	stream.indirect.scatter.add.f32 [tilespmem:s25], [sflag:$0x8], $0x10, s6, s18, $0xb8;
	[tilespmem:$0x1F600] =	vst v63  }
0x171: {  	_ = 	snop  }
0x172: {  	[tilespmem:s28], [sflag:$0x4] =	stream.indirect.gather [hbm4b:s1+s18], $0x80, s7, s18, $0xb8;
	[tilespmem:$0x1F600] =	vst v63  }
0x173: {  	_ =	swait.ge [sflag:s29], $0x4000  }
0x174: {  	[sflag:s29] =	ssyncset.done $0x0  }
0x175: {  	[sflag:s29] =	ssyncadd.s32 $0xFFFFC000  }
0x176: {  	v1 =	vld [tilespmem:$0x380]  }
0x177: {  	v2 =	vld [tilespmem:$0x390]  }
0x178: {  	v3 =	vld [tilespmem:$0x3A0]  }
0x179: {  	v58 =	vld [tilespmem:$0x3D0]  }
0x17a: {  	v59 =	vld [tilespmem:$0x3C0]  }
0x17b: {  	[tilespmem:$0x580] =	vst v1;
	v1 =	vld [tilespmem:$0x3B0]  }
0x17c: {  	[tilespmem:$0x590] =	vst v2;
	v2 =	vld [tilespmem:$0x3F0]  }
0x17d: {  	[tilespmem:$0x5A0] =	vst v3;
	v3 =	vld [tilespmem:$0x3E0]  }
0x17e: {  	[tilespmem:$0x5D0] =	vst v58  }
0x17f: {  	[tilespmem:$0x5C0] =	vst v59  }
0x180: {  	[tilespmem:$0x5B0] =	vst v1  }
0x181: {  	[tilespmem:$0x5F0] =	vst v2  }
0x182: {  	[tilespmem:$0x5E0] =	vst v3  }
0x183: {  	[spmem:s4] =	stream.indirect.scatter.add.f32 [tilespmem:s25], [sflag:$0x8], $0x10, s8, s18, $0xb8;
	[tilespmem:$0x1F600] =	vst v63  }
0x184: {  	p1 =	seq.s32 s13, $0x900;
	_ =	swait.ge [sflag:s31], $0x4000  }
0x185: {  	s10 =	sadd.s32 @!p1 s13, s15;
	s12 =	simm.s32 @!p1 $0x200;
	[sflag:s31] =	ssyncset.done $0x0  }
0x186: {  	s13 =	simm.s32 @!p1 $0x0;
	s10 =	sadd.s32 @!p1 $0xC0, s10;
	[sflag:s31] =	ssyncadd.s32 $0xFFFFC000  }
0x187: {  	[tilespmem:s12], [sflag:$0x2] =	stream.linear.gather @!p1 [hbm4b:s10+s13], $0x200, $0x38;
	[tilespmem:$0x1F600] =	vst v63  }
0x188: {  	_ = 	snop  }
0x189: {  	[spmem:s3] =	stream.indirect.scatter.add.f32 [tilespmem:s28], [sflag:$0x6], $0x80, s8, s18, $0xb8;
	[tilespmem:$0x1F600] =	vst v63  }
0x18a: {  	_ =	swait.ge [sflag:s17], $0x200  }
0x18b: {  	[sflag:s17] =	ssyncset.done $0x0  }
0x18c: {  	[sflag:s17] =	ssyncadd.s32 $0xFFFFFE00  }
0x18d: {  	[tilespmem:s19], [sflag:$0x3] =	stream.indirect.gather [hbm4b:s1+s18], $0x80, s5, s18, $0xb8;
	[tilespmem:$0x1F600] =	vst v63  }
0x18e: {  	_ =	swait.ge [sflag:s2], $0x4000  }
0x18f: {  	[sflag:s2] =	ssyncset.done $0x0  }
0x190: {  	[sflag:s2] =	ssyncadd.s32 $0xFFFFC000  }
0x191: {  	_ =	swait.ge [sflag:s23], $0x4000  }
0x192: {  	[sflag:s23] =	ssyncset.done $0x0  }
0x193: {  	[sflag:s23] =	ssyncadd.s32 $0xFFFFC000  }
0x194: {  	[spmem:s3] =	stream.indirect.scatter.add.f32 [tilespmem:s19], [sflag:$0x5], $0x80, s18, s18, $0xb8;
	[tilespmem:$0x1F600] =	vst v63  }
0x195: {  	_ =	swait.ge [sflag:s9], $0x800  }
0x196: {  	[sflag:s9] =	ssyncset.done $0x0  }
0x197: {  	[sflag:s9] =	ssyncadd.s32 $0xFFFFF800  }
0x198: {  	_ =	swait.ge [sflag:s9], $0x800  }
0x199: {  	[sflag:s9] =	ssyncset.done $0x0  }
0x19a: {  	[sflag:s9] =	ssyncadd.s32 $0xFFFFF800  }
0x19b: {  	v1 =	vld [tilespmem:$0x80]  }
0x19c: {  	v2 =	vld [tilespmem:$0x90]  }
0x19d: {  	v3 =	vld [tilespmem:$0xA0]  }
0x19e: {  	v60 =	vld [tilespmem:$0xB0]  }
0x19f: {  	v61 =	vld [tilespmem:$0xC0]  }
0x1a0: {  	[tilespmem:$0x400] =	vst v1;
	v1 =	vld [tilespmem:$0xD0]  }
0x1a1: {  	[tilespmem:$0x410] =	vst v2;
	v2 =	vld [tilespmem:$0xE0]  }
0x1a2: {  	[tilespmem:$0x420] =	vst v3;
	v3 =	vld [tilespmem:$0xF0]  }
0x1a3: {  	[tilespmem:$0x430] =	vst v60  }
0x1a4: {  	[tilespmem:$0x440] =	vst v61  }
0x1a5: {  	[tilespmem:$0x450] =	vst v1  }
0x1a6: {  	[tilespmem:$0x460] =	vst v2  }
0x1a7: {  	[tilespmem:$0x470] =	vst v3  }
0x1a8: {  	[spmem:s4] =	stream.indirect.scatter.add.f32 [tilespmem:s25], [sflag:$0x7], $0x10, s24, s18, $0xb8;
	[tilespmem:$0x1F600] =	vst v63  }
0x1a9: {  	_ = 	snop  }
0x1aa: {  	[tilespmem:s28], [sflag:$0x4] =	stream.indirect.gather [hbm4b:s1+s18], $0x80, s26, s18, $0xb8;
	[tilespmem:$0x1F600] =	vst v63  }
0x1ab: {  	_ =	swait.ge [sflag:s29], $0x4000  }
0x1ac: {  	[sflag:s29] =	ssyncset.done $0x0  }
0x1ad: {  	[sflag:s29] =	ssyncadd.s32 $0xFFFFC000  }
0x1ae: {  	v1 =	vld [tilespmem:$0x180]  }
0x1af: {  	v2 =	vld [tilespmem:$0x190]  }
0x1b0: {  	v3 =	vld [tilespmem:$0x1A0]  }
0x1b1: {  	v62 =	vld [tilespmem:$0x1B0]  }
0x1b2: {  	v63 =	vld [tilespmem:$0x1C0]  }
0x1b3: {  	[tilespmem:$0x480] =	vst v1;
	v1 =	vld [tilespmem:$0x1D0]  }
0x1b4: {  	[tilespmem:$0x490] =	vst v2;
	v2 =	vld [tilespmem:$0x1E0]  }
0x1b5: {  	[tilespmem:$0x4A0] =	vst v3;
	v3 =	vld [tilespmem:$0x1F0]  }
0x1b6: {  	[tilespmem:$0x4B0] =	vst v62  }
0x1b7: {  	[tilespmem:$0x4C0] =	vst v63  }
0x1b8: {  	[tilespmem:$0x4D0] =	vst v1  }
0x1b9: {  	[tilespmem:$0x4E0] =	vst v2  }
0x1ba: {  	[tilespmem:$0x4F0] =	vst v3  }
0x1bb: {  	[spmem:s4] =	stream.indirect.scatter.add.f32 [tilespmem:s25], [sflag:$0x7], $0x10, s30, s18, $0xb8;
	[tilespmem:$0x1F600] =	vst v63  }
0x1bc: {  	_ =	swait.ge [sflag:s31], $0x4000  }
0x1bd: {  	[sflag:s31] =	ssyncset.done $0x0  }
0x1be: {  	[sflag:s31] =	ssyncadd.s32 $0xFFFFC000  }
0x1bf: {  	[spmem:s3] =	stream.indirect.scatter.add.f32 [tilespmem:s28], [sflag:$0x6], $0x80, s30, s18, $0xb8;
	[tilespmem:$0x1F600] =	vst v63  }
0x1c0: {  	_ =	swait.ge [sflag:s2], $0x4000  }
0x1c1: {  	[sflag:s2] =	ssyncset.done $0x0  }
0x1c2: {  	[sflag:s2] =	ssyncadd.s32 $0xFFFFC000  }
0x1c3: {  	_ =	swait.ge [sflag:s9], $0x800  }
0x1c4: {  	[sflag:s9] =	ssyncset.done $0x0  }
0x1c5: {  	[sflag:s9] =	ssyncadd.s32 $0xFFFFF800  }
0x1c6: {  	_ =	swait.ge [sflag:s9], $0x800  }
0x1c7: {  	[sflag:s9] =	ssyncset.done $0x0  }
0x1c8: {  	s14 =	simm.s32 $0x8;
	[sflag:s9] =	ssyncadd.s32 $0xFFFFF800  }
0x1c9: {  	_ =	swait.ge [sflag:s14], $0x800  }
0x1ca: {  	[sflag:s14] =	ssyncset.done $0x0  }
0x1cb: {  	[sflag:s14] =	ssyncadd.s32 $0xFFFFF800  }
0x1cc: {  	_ =	swait.ge [sflag:s14], $0x800  }
0x1cd: {  	[sflag:s14] =	ssyncset.done $0x0  }
0x1ce: {  	s10 =	simm.s32 @!p0 $0x0;
	s12 =	rddreg [dreg:$0xd];
	[sflag:s14] =	ssyncadd.s32 $0xFFFFF800  }
0x1cf: {  	[tilespmem:s10], [sflag:$0x9] =	stream.linear.gather @!p0 [hbm4b:s12+s10], $0x200, $0x38;
	[tilespmem:$0x1F600] =	vst v63  }
0x1d0: {  	s12 =	simm.s32 @!p0 $0x9  }
0x1d1: {  	_ =	swait.ge @!p0 [sflag:s12], $0x200  }
0x1d2: {  	[sflag:s12] =	ssyncset.done @!p0 $0x0  }
0x1d3: {  	s13 =	simm.s32 @!p0 $0x80;
	s14 =	simm.s32 @!p0 $0x600;
	[sflag:s12] =	ssyncadd.s32 @!p0 $0xFFFFFE00  }
0x1d4: {  	[tilespmem:s14], [sflag:$0x3] =	stream.indirect.gather @!p0 [hbm4b:s1+s13], $0x80, s10, s13, $0xb8;
	[tilespmem:$0x1F600] =	vst v63  }
0x1d5: {  	s10 =	simm.s32 @!p0 $0x3  }
0x1d6: {  	_ =	swait.ge @!p0 [sflag:s10], $0x4000  }
0x1d7: {  	[sflag:s10] =	ssyncset.done @!p0 $0x0  }
0x1d8: {  	[sflag:s10] =	ssyncadd.s32 @!p0 $0xFFFFC000  }
0x1d9: {  	[spmem:s3] =	stream.indirect.scatter.add.f32 @!p0 [tilespmem:s14], [sflag:$0x9], $0x80, s13, s13, $0xb8;
	[tilespmem:$0x1F600] =	vst v63  }
0x1da: {  	_ =	swait.ge @!p0 [sflag:s12], $0x4000  }
0x1db: {  	[sflag:s12] =	ssyncset.done @!p0 $0x0  }
0x1dc: {  	s10 =	simm.s32 @!p0 $0x8600;
	[sflag:s12] =	ssyncadd.s32 @!p0 $0xFFFFC000  }
0x1dd: {  	[spmem:s4] =	stream.indirect.scatter.add.f32 @!p0 [tilespmem:s10], [sflag:$0x9], $0x10, s13, s13, $0xb8;
	[tilespmem:$0x1F600] =	vst v63  }
0x1de: {  	_ =	swait.ge @!p0 [sflag:s12], $0x800  }
0x1df: {  	[sflag:s12] =	ssyncset.done @!p0 $0x0  }
0x1e0: {  	[sflag:s12] =	ssyncadd.s32 @!p0 $0xFFFFF800  }
0x1e1: {  	[bflag:$0x0] =	sbarrier.arrive $0xFFFF  }
0x1e2: {  	s21 =	rddreg [dreg:$0xe]  }
0x1e3: {  	s12 =	rddreg [dreg:$0x11]  }
0x1e4: {  	[hbm:s21], [sflag:s20] =	dma.local [spmem:s12], $0x2800  }
0x1e5: {  	_ =	swait.ge [sflag:s22], $0x2800  }
0x1e6: {  	[sflag:s22] =	ssyncset.done $0x0;
	s13 =	rddreg [dreg:$0xf]  }
0x1e7: {  	s14 =	rddreg [dreg:$0x12];
	[sflag:s22] =	ssyncadd.s32 $0xFFFFD800  }
0x1e8: {  	[hbm:s13], [sflag:s20] =	dma.local [spmem:s14], $0x500  }
0x1e9: {  	_ =	swait.ge [sflag:s22], $0x500  }
0x1ea: {  	s11 =	sadd.s32 $0x1, s11;
	s21 =	rddreg [dreg:$0x10]  }
0x1eb: {  	p1 =	sne.s32 s11, s21  }
.Ltmp1:
0x1ec: {  	_ = 	snop;
	(pc) =	sbr.rel @p1 .LBB2_1-.Ltmp1, $3  }
0x1ed: {  	_ =	sdelay $0x1  }
0x1ee: {  	[sflag:s22] =	ssyncset.done $0x0  }
0x1ef: {  	[sflag:s22] =	ssyncadd.s32 $0xFFFFFB00  }
0x1f0: {  	_ =	sfence.sel $0x180000  }
0x1f1: {  	[bflag:$0x0] =	sbarrier.arrive $0xFFFF  }
0x1f2: {  	_ =	strace $0x90000047  }
0x1f3: {  	s0 =	stileid.u32;
	[bflag:$0x2] =	sbarrier.arrive $0xFFFF  }
0x1f4: {  	p0 =	sne.s32 s0, $0x0;
	s0 =	rddreg [dreg:$0x6]  }
0x1f5: {  	s0 =	sadd.s32 @!p0 $0x100000, s0  }
0x1f6: {  	[sflag:s0] =	ssyncadd.tile.s32 @!p0 $0x1;
	_ =	shalt  }
.Lfunc_end2:
_tile_overlayer_lowered:
.L_overlay_start_2:
0x1f7: {  	(tag) =	ssettag $0x2  }
0x1f8: {  	s0 =	rddreg [dreg:$0x0];
	s2 =	stileid.u32  }
0x1f9: {  	s1 =	rddreg [dreg:$0x1];
	p0 =	sne.s32 s2, $0x0  }
0x1fa: {  	s3 =	rddreg [dreg:$0x2];
	[bflag:$0x3] =	sbarrier.arrive $0xFFFF;
	s2 =	simm.s32 @!p0 $0x1C09  }
0x1fb: {  	[timem:s3], [sflag:s2] =	dma.local @!p0 [hbm:s0], s1  }
0x1fc: {  	s0 =	simm.s32 @!p0 $0x9  }
0x1fd: {  	_ =	swait.ge @!p0 [sflag:s0], s1  }
0x1fe: {  	s1 =	ssub.s32 @!p0 $0x0, s1;
	[sflag:s0] =	ssyncset.done @!p0 $0x0  }
0x1ff: {  	[sflag:s0] =	ssyncadd.s32 @!p0 s1  }
0x200: {  	[bflag:$0x3] =	sbarrier.arrive $0xFFFF  }
0x201: {  	_ =	shalt  }

</sc_bundles>
